<compile_context>
chip_gen: v7x
topology: tpu7x:2x2x1
jax: 0.10.2.dev20260603
libtpu: 0.0.44.dev20260713+nightly
codegen_flags: <defaults>
</compile_context>

<pallas_src>
import functools
import math
from fractions import Fraction

import numpy as np
import jax
import jax.numpy as jnp
from jax import lax
from jax.experimental import pallas as pl
from jax.experimental.pallas import tpu as pltpu
from jax.experimental.pallas import tpu_sc as plsc

_LS1 = [0, 1, 2]
_LS2 = [0, 1, 2]
_BATCH = 65536


def _cg_su2(j1, m1, j2, m2, j3, m3):
    if m3 != m1 + m2:
        return 0.0
    f = math.factorial
    vmin = int(max(-j1 + j2 + m3, -j1 + m1, 0))
    vmax = int(min(j2 + j3 + m1, j3 - j1 + j2, j3 + m3))
    C = math.sqrt((2 * j3 + 1) * Fraction(
        f(j3 + j1 - j2) * f(j3 - j1 + j2) * f(j1 + j2 - j3) * f(j3 + m3) * f(j3 - m3),
        f(j1 + j2 + j3 + 1) * f(j1 - m1) * f(j1 + m1) * f(j2 - m2) * f(j2 + m2)))
    S = 0
    for v in range(vmin, vmax + 1):
        S += (-1) ** (v + j2 + m2) * Fraction(
            f(j2 + j3 + m1 - v) * f(j1 - m1 + v),
            f(v) * f(j3 - j1 + j2 - v) * f(j3 + m3 - v) * f(v + j1 - j2 - m3))
    return C * float(S)


def _cg_change_basis(l):
    q = np.zeros((2 * l + 1, 2 * l + 1), dtype=np.complex128)
    for m in range(-l, 0):
        q[l + m, l + abs(m)] = 1.0 / math.sqrt(2)
        q[l + m, l - abs(m)] = -1j / math.sqrt(2)
    q[l, l] = 1.0
    for m in range(1, l + 1):
        q[l + m, l + abs(m)] = (-1) ** m / math.sqrt(2)
        q[l + m, l - abs(m)] = 1j * (-1) ** m / math.sqrt(2)
    return (-1j) ** l * q


def _cg_real_w3j(l1, l2, l3):
    C = np.zeros((2 * l1 + 1, 2 * l2 + 1, 2 * l3 + 1), dtype=np.complex128)
    for m1 in range(-l1, l1 + 1):
        for m2 in range(-l2, l2 + 1):
            m3 = m1 + m2
            if abs(m3) <= l3:
                C[l1 + m1, l2 + m2, l3 + m3] = _cg_su2(l1, m1, l2, m2, l3, m3)
    Q1, Q2, Q3 = _cg_change_basis(l1), _cg_change_basis(l2), _cg_change_basis(l3)
    C = np.einsum('ij,kl,mn,ikn->jlm', Q1, Q2, np.conj(Q3.T), C)
    C = np.real(C)
    return C / np.linalg.norm(C)


def _cg_blocks(ls1, ls2):
    lmax2 = max(ls2)
    cb_layout = {}
    off1 = 0
    for l1 in ls1:
        off2 = 0
        for l2 in ls2:
            for l3 in range(abs(l1 - l2), l1 + l2 + 1):
                cb_layout.setdefault(l3, []).append((l1, l2, off1, off2))
            off2 += 2 * l2 + 1
        off1 += 2 * l1 + 1
    blocks = []
    row_offset = 0
    for l3 in sorted(cb_layout.keys()):
        mults = sorted(cb_layout[l3], key=lambda x: x[0] * lmax2 + x[1])
        for (l1, l2, o1, o2) in mults:
            cb = _cg_real_w3j(l1, l2, l3)
            rows = {}
            for m3 in range(2 * l3 + 1):
                terms = []
                for m2 in range(2 * l2 + 1):
                    for m1 in range(2 * l1 + 1):
                        c = cb[m1, m2, m3]
                        if abs(c) < 1e-12:
                            continue
                        terms.append((m1 + o1, m2 + o2,
                                      float(c) * math.sqrt(2 * l3 + 1)))
                if terms:
                    rows[m3 + row_offset] = terms
            blocks.append((l1, l2, rows))
            row_offset += 2 * l3 + 1
    return row_offset, blocks


_HEIGHT, _BLOCKS = _cg_blocks(_LS1, _LS2)
_DIM1 = sum(2 * l + 1 for l in _LS1)
_DIM2 = sum(2 * l + 1 for l in _LS2)

_NC, _NS, _L = 2, 16, 16
_NW = _NC * _NS
_RBLK = 256
_ROWS_PER_W = _BATCH // _NW
_NBLK = _ROWS_PER_W // _RBLK
_CHUNKS = [0, 16, 32, 48, 64, 65]


def _pair_blocks(blocks):
    merged = {}
    for (l1, l2, orows) in blocks:
        dst = merged.setdefault((l1, l2), {})
        for o, terms in orows.items():
            dst.setdefault(o, []).extend(terms)
    out = []
    for (l1, l2), orows in merged.items():
        pairs = []
        for terms in orows.values():
            for (i1, i2, _val) in terms:
                if (i1, i2) not in pairs:
                    pairs.append((i1, i2))
        out.append((pairs, orows))
    return out


_PAIR_BLOCKS = _pair_blocks(_BLOCKS)


def _tp_body(in1_hbm, in2_hbm, out_hbm, a2_v, b2_v, a_v, b_v, oc_v, op_v):
    wid = lax.axis_index("s") * _NC + lax.axis_index("c")
    base = wid * _ROWS_PER_W

    def block(bi, carry):
        rbase = base + bi * _RBLK
        pltpu.sync_copy(in1_hbm.at[pl.ds(rbase, _RBLK)], a2_v)
        pltpu.sync_copy(in2_hbm.at[pl.ds(rbase, _RBLK)], b2_v)

        @plsc.parallel_loop(0, _RBLK, 1)
        def inpack(r):
            k = lax.iota(jnp.int32, _L)
            m = k < _DIM1
            plsc.store_scatter(a_v, [r * _DIM1 + k], a2_v[r, pl.ds(0, _L)],
                               mask=m)
            plsc.store_scatter(b_v, [r * _DIM2 + k], b2_v[r, pl.ds(0, _L)],
                               mask=m)

        @plsc.parallel_loop(0, _RBLK // _L, 1)
        def group(g):
            rows = g * _L + lax.iota(jnp.int32, _L)
            rows1 = rows * _DIM1
            rows2 = rows * _DIM2
            rowso = rows * _HEIGHT
            a = [plsc.load_gather(a_v, [rows1 + i]) for i in range(_DIM1)]
            b = [plsc.load_gather(b_v, [rows2 + j]) for j in range(_DIM2)]
            for (pairs, orows) in _PAIR_BLOCKS:
                prod = {p: a[p[0]] * b[p[1]] for p in pairs}
                for o, terms in orows.items():
                    acc = None
                    for (i1, i2, val) in terms:
                        t = prod[(i1, i2)] * jnp.float32(val)
                        acc = t if acc is None else acc + t
                    plsc.store_scatter(oc_v, [rowso + o], acc)

        @plsc.parallel_loop(0, _RBLK, 1)
        def repack(r):
            for c in _CHUNKS:
                op_v[r, pl.ds(c, _L)] = oc_v[pl.ds(r * _HEIGHT + c, _L)]

        pltpu.sync_copy(op_v, out_hbm.at[pl.ds(rbase, _RBLK)])
        return carry

    lax.fori_loop(0, _NBLK, block, 0)


@jax.jit
def kernel(in1, in2):
    mesh = plsc.VectorSubcoreMesh(core_axis_name="c", subcore_axis_name="s")
    f = functools.partial(
        pl.kernel,
        mesh=mesh,
        compiler_params=pltpu.CompilerParams(
            needs_layout_passes=False,
            disable_bounds_checks=True,
            skip_device_barrier=True,
        ),
        out_type=jax.ShapeDtypeStruct((_BATCH, _HEIGHT), jnp.float32),
        scratch_types=[
            pltpu.VMEM((_RBLK, _DIM1), jnp.float32),
            pltpu.VMEM((_RBLK, _DIM2), jnp.float32),
            pltpu.VMEM((_RBLK * _DIM1,), jnp.float32),
            pltpu.VMEM((_RBLK * _DIM2,), jnp.float32),
            pltpu.VMEM((_RBLK * _HEIGHT,), jnp.float32),
            pltpu.VMEM((_RBLK, _HEIGHT), jnp.float32),
        ],
    )(_tp_body)
    return f(in1, in2)

# --- scband reference (transcript-rebuilt; emitter-appended) ---
"""Pipeline reference for scband-cuda-tensor-product-17635135717499 (READ-ONLY COPY).

The authoritative reference and input builder live on the scoring server;
editing this copy changes nothing except your own understanding.
"""

import jax, jax.numpy as jnp
import numpy as np
import math
from fractions import Fraction

LS1 = [0, 1, 2]
LS2 = [0, 1, 2]
BATCH = 65536

def _su2_cg(j1, m1, j2, m2, j3, m3):
    if m3 != m1 + m2:
        return 0.0
    f = math.factorial
    vmin = int(max(-j1 + j2 + m3, -j1 + m1, 0))
    vmax = int(min(j2 + j3 + m1, j3 - j1 + j2, j3 + m3))
    C = math.sqrt((2 * j3 + 1) * Fraction(
        f(j3 + j1 - j2) * f(j3 - j1 + j2) * f(j1 + j2 - j3) * f(j3 + m3) * f(j3 - m3),
        f(j1 + j2 + j3 + 1) * f(j1 - m1) * f(j1 + m1) * f(j2 - m2) * f(j2 + m2)))
    S = 0
    for v in range(vmin, vmax + 1):
        S += (-1) ** (v + j2 + m2) * Fraction(
            f(j2 + j3 + m1 - v) * f(j1 - m1 + v),
            f(v) * f(j3 - j1 + j2 - v) * f(j3 + m3 - v) * f(v + j1 - j2 - m3))
    return C * float(S)

def _change_basis(l):
    q = np.zeros((2 * l + 1, 2 * l + 1), dtype=np.complex128)
    for m in range(-l, 0):
        q[l + m, l + abs(m)] = 1.0 / math.sqrt(2)
        q[l + m, l - abs(m)] = -1j / math.sqrt(2)
    q[l, l] = 1.0
    for m in range(1, l + 1):
        q[l + m, l + abs(m)] = (-1) ** m / math.sqrt(2)
        q[l + m, l - abs(m)] = 1j * (-1) ** m / math.sqrt(2)
    return (-1j) ** l * q

def wigner_3j(l1, l2, l3):
    C = np.zeros((2 * l1 + 1, 2 * l2 + 1, 2 * l3 + 1), dtype=np.complex128)
    for m1 in range(-l1, l1 + 1):
        for m2 in range(-l2, l2 + 1):
            m3 = m1 + m2
            if abs(m3) <= l3:
                C[l1 + m1, l2 + m2, l3 + m3] = _su2_cg(l1, m1, l2, m2, l3, m3)
    Q1, Q2, Q3 = _change_basis(l1), _change_basis(l2), _change_basis(l3)
    C = np.einsum('ij,kl,mn,ikn->jlm', Q1, Q2, np.conj(Q3.T), C)
    C = np.real(C)
    return C / np.linalg.norm(C)

def _build_tp(ls1, ls2):
    lmax2 = max(ls2)
    cb_layout = {}
    cb_height = 0
    off1 = 0
    for l1 in ls1:
        off2 = 0
        for l2 in ls2:
            for l3 in range(abs(l1 - l2), l1 + l2 + 1):
                cb_layout.setdefault(l3, []).append((l1, l2, off1, off2))
                cb_height += 2 * l3 + 1
            off2 += 2 * l2 + 1
        off1 += 2 * l1 + 1
    i1_list, i2_list, io_list, val_list = [], [], [], []
    row_offset = 0
    for l3 in sorted(cb_layout.keys()):
        mults = sorted(cb_layout[l3], key=lambda x: x[0] * lmax2 + x[1])
        for (l1, l2, o1, o2) in mults:
            cb = wigner_3j(l1, l2, l3)
            for m3 in range(2 * l3 + 1):
                for m2 in range(2 * l2 + 1):
                    for m1 in range(2 * l1 + 1):
                        c = cb[m1, m2, m3]
                        if abs(c) < 1e-12:
                            continue
                        i1_list.append(m1 + o1)
                        i2_list.append(m2 + o2)
                        io_list.append(m3 + row_offset)
                        val_list.append(float(c) * math.sqrt(2 * l3 + 1))
            row_offset += 2 * l3 + 1
    return (np.asarray(i1_list, dtype=np.int32), np.asarray(i2_list, dtype=np.int32),
            np.asarray(io_list, dtype=np.int32), np.asarray(val_list, dtype=np.float32), cb_height)

_I1, _I2, _IO, _VALS, _CB_HEIGHT = _build_tp(LS1, LS2)

def setup_inputs(seed: int = 0):
    key = jax.random.key(seed)
    k1, k2 = jax.random.split(key)
    dim1 = sum(2 * l + 1 for l in LS1)
    dim2 = sum(2 * l + 1 for l in LS2)
    in1 = jax.random.normal(k1, (BATCH, dim1), dtype=jnp.float32)
    in2 = jax.random.normal(k2, (BATCH, dim2), dtype=jnp.float32)
    return {"in1": in1, "in2": in2}

def reference(in1, in2):
    # weights=None path: sparse batched Clebsch-Gordan tensor product (gather-multiply-scatter-add)
    vals = jnp.asarray(_VALS)
    contrib = in1[:, _I1] * in2[:, _I2] * vals[None, :]
    out = jnp.zeros((in1.shape[0], _CB_HEIGHT), dtype=in1.dtype)
    out = out.at[:, _IO].add(contrib)
    return out

if __name__ == "__main__":
    import jax
    _d = setup_inputs()
    print(jax.jit(kernel)(*tuple(_d.values())))

</pallas_src>

<mosaic_0001>
#map = affine_map<(d0, d1) -> (0, 0)>
module attributes {stable_mosaic.version = 14 : i64} {
  func.func @_tp_body(%arg0: i32, %arg1: i32, %arg2: memref<65536x9xf32, #tpu.memory_space<hbm>>, %arg3: memref<65536x9xf32, #tpu.memory_space<hbm>>, %arg4: memref<65536x81xf32, #tpu.memory_space<hbm>>, %arg5: memref<256x9xf32, #tpu.memory_space<vmem>>, %arg6: memref<256x9xf32, #tpu.memory_space<vmem>>, %arg7: memref<2304xf32, #tpu.memory_space<vmem>>, %arg8: memref<2304xf32, #tpu.memory_space<vmem>>, %arg9: memref<20736xf32, #tpu.memory_space<vmem>>, %arg10: memref<256x81xf32, #tpu.memory_space<vmem>>) attributes {dimension_semantics = [#tpu.dimension_semantics<core_parallel>, #tpu.dimension_semantics<subcore_parallel>], iteration_bounds = array<i64: 2, 16>, scalar_prefetch = 0 : i64, scratch_operands = 6 : i64, tpu.core_type = #tpu.core_type<sc_vector_subcore>, window_params = [{transform_indices = #map}, {transform_indices = #map}, {transform_indices = #map}]} {
    %mul3A = arith.constant 2 : i32
    %mul3A_0 = arith.muli %arg1, %mul3A : i32
    %add3A = arith.addi %mul3A_0, %arg0 : i32
    %mul3A_1 = arith.constant 2048 : i32
    %mul3A_2 = arith.muli %add3A, %mul3A_1 : i32
    %scan3A = arith.constant 0 : i32
    %scan3A_3 = arith.constant 0 : i32
    %scan3A_4 = arith.constant 8 : i32
    %scan3A_5 = arith.addi %scan3A_3, %scan3A_4 : i32
    %scan3A_6 = arith.constant 1 : i32
    scf.for %scan3A_8 = %scan3A_3 to %scan3A_5 step %scan3A_6  : i32 {
      %mul3A_9 = arith.constant 256 : i32
      %mul3A_10 = arith.muli %scan3A_8, %mul3A_9 : i32
      %add3A_11 = arith.addi %mul3A_2, %mul3A_10 : i32
      "tpu.region"() ({
        %run_scoped3A = tpu.sem_alloc : memref<!tpu.dma_semaphore, #tpu.memory_space<semaphore_mem>>
        %dma_start3A = arith.constant 0 : i32
        %dma_start3A_20 = tpu.memref_slice %arg2[%add3A_11, %dma_start3A] : memref<65536x9xf32, #tpu.memory_space<hbm>> -> memref<256x9xf32, #tpu.memory_space<hbm>>
        %dma_start3A_21 = arith.constant 0 : i32
        %dma_start3A_22 = tpu.memref_slice %arg2[%add3A_11, %dma_start3A_21] : memref<65536x9xf32, #tpu.memory_space<hbm>> -> memref<256x9xf32, #tpu.memory_space<hbm>>
        tpu.enqueue_dma source(%dma_start3A_22 : memref<256x9xf32, #tpu.memory_space<hbm>>) target(%arg5 : memref<256x9xf32, #tpu.memory_space<vmem>>) target_semaphore(%run_scoped3A : memref<!tpu.dma_semaphore, #tpu.memory_space<semaphore_mem>>)
        %dma_wait3A = arith.constant 0 : i32
        %dma_wait3A_23 = tpu.memref_slice %arg2[%add3A_11, %dma_wait3A] : memref<65536x9xf32, #tpu.memory_space<hbm>> -> memref<256x9xf32, #tpu.memory_space<hbm>>
        %dma_wait3A_24 = arith.constant 0 : i32
        %dma_wait3A_25 = tpu.memref_slice %arg2[%add3A_11, %dma_wait3A_24] : memref<65536x9xf32, #tpu.memory_space<hbm>> -> memref<256x9xf32, #tpu.memory_space<hbm>>
        tpu.wait_dma2 semaphore(%run_scoped3A : memref<!tpu.dma_semaphore, #tpu.memory_space<semaphore_mem>>) src(%dma_wait3A_25 : memref<256x9xf32, #tpu.memory_space<hbm>>) dst(%arg5 : memref<256x9xf32, #tpu.memory_space<vmem>>)
        tpu.yield
      }) : () -> ()
      "tpu.region"() ({
        %run_scoped3A = tpu.sem_alloc : memref<!tpu.dma_semaphore, #tpu.memory_space<semaphore_mem>>
        %dma_start3A = arith.constant 0 : i32
        %dma_start3A_20 = tpu.memref_slice %arg3[%add3A_11, %dma_start3A] : memref<65536x9xf32, #tpu.memory_space<hbm>> -> memref<256x9xf32, #tpu.memory_space<hbm>>
        %dma_start3A_21 = arith.constant 0 : i32
        %dma_start3A_22 = tpu.memref_slice %arg3[%add3A_11, %dma_start3A_21] : memref<65536x9xf32, #tpu.memory_space<hbm>> -> memref<256x9xf32, #tpu.memory_space<hbm>>
        tpu.enqueue_dma source(%dma_start3A_22 : memref<256x9xf32, #tpu.memory_space<hbm>>) target(%arg6 : memref<256x9xf32, #tpu.memory_space<vmem>>) target_semaphore(%run_scoped3A : memref<!tpu.dma_semaphore, #tpu.memory_space<semaphore_mem>>)
        %dma_wait3A = arith.constant 0 : i32
        %dma_wait3A_23 = tpu.memref_slice %arg3[%add3A_11, %dma_wait3A] : memref<65536x9xf32, #tpu.memory_space<hbm>> -> memref<256x9xf32, #tpu.memory_space<hbm>>
        %dma_wait3A_24 = arith.constant 0 : i32
        %dma_wait3A_25 = tpu.memref_slice %arg3[%add3A_11, %dma_wait3A_24] : memref<65536x9xf32, #tpu.memory_space<hbm>> -> memref<256x9xf32, #tpu.memory_space<hbm>>
        tpu.wait_dma2 semaphore(%run_scoped3A : memref<!tpu.dma_semaphore, #tpu.memory_space<semaphore_mem>>) src(%dma_wait3A_25 : memref<256x9xf32, #tpu.memory_space<hbm>>) dst(%arg6 : memref<256x9xf32, #tpu.memory_space<vmem>>)
        tpu.yield
      }) : () -> ()
      %parallel_loop3A = arith.constant 0 : i32
      %parallel_loop3A_12 = arith.constant 256 : i32
      %parallel_loop3A_13 = arith.constant 1 : i32
      scf.for %parallel_loop3A_20 = %parallel_loop3A to %parallel_loop3A_12 step %parallel_loop3A_13  : i32 {
        %parallel_loop3A_21 = tpu.iota {dimensions = array<i32: 0>} : vector<16xi32>
        %parallel_loop3A_22 = arith.constant 9 : i32
        %parallel_loop3A_23 = vector.broadcast %parallel_loop3A_22 : i32 to vector<16xi32>
        %parallel_loop3A_24 = arith.cmpi slt, %parallel_loop3A_21, %parallel_loop3A_23 : vector<16xi32>
        %parallel_loop3A_25 = arith.constant 9 : i32
        %parallel_loop3A_26 = arith.muli %parallel_loop3A_20, %parallel_loop3A_25 : i32
        %parallel_loop3A_27 = vector.broadcast %parallel_loop3A_26 : i32 to vector<16xi32>
        %parallel_loop3A_28 = arith.addi %parallel_loop3A_27, %parallel_loop3A_21 : vector<16xi32>
        %parallel_loop3A_29 = arith.index_cast %parallel_loop3A_20 : i32 to index
        %parallel_loop3A_30 = arith.constant 0 : index
        %parallel_loop3A_31 = tpu.vector_load %arg5[%parallel_loop3A_29, %parallel_loop3A_30] {strides = array<i32>} : memref<256x9xf32, #tpu.memory_space<vmem>>, vector<16xf32>,
        tpu.vector_store_idx %arg7[%parallel_loop3A_28], %parallel_loop3A_31 masked %parallel_loop3A_24 : memref<2304xf32, #tpu.memory_space<vmem>>[vector<16xi32>], vector<16xf32>, vector<16xi1>
        %parallel_loop3A_32 = arith.constant 9 : i32
        %parallel_loop3A_33 = arith.muli %parallel_loop3A_20, %parallel_loop3A_32 : i32
        %parallel_loop3A_34 = vector.broadcast %parallel_loop3A_33 : i32 to vector<16xi32>
        %parallel_loop3A_35 = arith.addi %parallel_loop3A_34, %parallel_loop3A_21 : vector<16xi32>
        %parallel_loop3A_36 = arith.index_cast %parallel_loop3A_20 : i32 to index
        %parallel_loop3A_37 = arith.constant 0 : index
        %parallel_loop3A_38 = tpu.vector_load %arg6[%parallel_loop3A_36, %parallel_loop3A_37] {strides = array<i32>} : memref<256x9xf32, #tpu.memory_space<vmem>>, vector<16xf32>,
        tpu.vector_store_idx %arg8[%parallel_loop3A_35], %parallel_loop3A_38 masked %parallel_loop3A_24 : memref<2304xf32, #tpu.memory_space<vmem>>[vector<16xi32>], vector<16xf32>, vector<16xi1>
      } {sc.loop_unroll_factor = 1 : i64, sc.parallel_access}
      %parallel_loop3A_14 = arith.constant 0 : i32
      %parallel_loop3A_15 = arith.constant 16 : i32
      %parallel_loop3A_16 = arith.constant 1 : i32
      scf.for %parallel_loop3A_20 = %parallel_loop3A_14 to %parallel_loop3A_15 step %parallel_loop3A_16  : i32 {
        %parallel_loop3A_21 = arith.constant 16 : i32
        %parallel_loop3A_22 = arith.muli %parallel_loop3A_20, %parallel_loop3A_21 : i32
        %parallel_loop3A_23 = tpu.iota {dimensions = array<i32: 0>} : vector<16xi32>
        %parallel_loop3A_24 = vector.broadcast %parallel_loop3A_22 : i32 to vector<16xi32>
        %parallel_loop3A_25 = arith.addi %parallel_loop3A_24, %parallel_loop3A_23 : vector<16xi32>
        %parallel_loop3A_26 = arith.constant 9 : i32
        %parallel_loop3A_27 = vector.broadcast %parallel_loop3A_26 : i32 to vector<16xi32>
        %parallel_loop3A_28 = arith.muli %parallel_loop3A_25, %parallel_loop3A_27 : vector<16xi32>
        %parallel_loop3A_29 = arith.constant 9 : i32
        %parallel_loop3A_30 = vector.broadcast %parallel_loop3A_29 : i32 to vector<16xi32>
        %parallel_loop3A_31 = arith.muli %parallel_loop3A_25, %parallel_loop3A_30 : vector<16xi32>
        %parallel_loop3A_32 = arith.constant 81 : i32
        %parallel_loop3A_33 = vector.broadcast %parallel_loop3A_32 : i32 to vector<16xi32>
        %parallel_loop3A_34 = arith.muli %parallel_loop3A_25, %parallel_loop3A_33 : vector<16xi32>
        %parallel_loop3A_35 = arith.constant 0 : i32
        %parallel_loop3A_36 = vector.broadcast %parallel_loop3A_35 : i32 to vector<16xi32>
        %parallel_loop3A_37 = arith.addi %parallel_loop3A_28, %parallel_loop3A_36 : vector<16xi32>
        %parallel_loop3A_38 = tpu.vector_load_idx %arg7[%parallel_loop3A_37] : memref<2304xf32, #tpu.memory_space<vmem>>[vector<16xi32>], vector<16xf32>,
        %parallel_loop3A_39 = arith.constant 1 : i32
        %parallel_loop3A_40 = vector.broadcast %parallel_loop3A_39 : i32 to vector<16xi32>
        %parallel_loop3A_41 = arith.addi %parallel_loop3A_28, %parallel_loop3A_40 : vector<16xi32>
        %parallel_loop3A_42 = tpu.vector_load_idx %arg7[%parallel_loop3A_41] : memref<2304xf32, #tpu.memory_space<vmem>>[vector<16xi32>], vector<16xf32>,
        %parallel_loop3A_43 = arith.constant 2 : i32
        %parallel_loop3A_44 = vector.broadcast %parallel_loop3A_43 : i32 to vector<16xi32>
        %parallel_loop3A_45 = arith.addi %parallel_loop3A_28, %parallel_loop3A_44 : vector<16xi32>
        %parallel_loop3A_46 = tpu.vector_load_idx %arg7[%parallel_loop3A_45] : memref<2304xf32, #tpu.memory_space<vmem>>[vector<16xi32>], vector<16xf32>,
        %parallel_loop3A_47 = arith.constant 3 : i32
        %parallel_loop3A_48 = vector.broadcast %parallel_loop3A_47 : i32 to vector<16xi32>
        %parallel_loop3A_49 = arith.addi %parallel_loop3A_28, %parallel_loop3A_48 : vector<16xi32>
        %parallel_loop3A_50 = tpu.vector_load_idx %arg7[%parallel_loop3A_49] : memref<2304xf32, #tpu.memory_space<vmem>>[vector<16xi32>], vector<16xf32>,
        %parallel_loop3A_51 = arith.constant 4 : i32
        %parallel_loop3A_52 = vector.broadcast %parallel_loop3A_51 : i32 to vector<16xi32>
        %parallel_loop3A_53 = arith.addi %parallel_loop3A_28, %parallel_loop3A_52 : vector<16xi32>
        %parallel_loop3A_54 = tpu.vector_load_idx %arg7[%parallel_loop3A_53] : memref<2304xf32, #tpu.memory_space<vmem>>[vector<16xi32>], vector<16xf32>,
        %parallel_loop3A_55 = arith.constant 5 : i32
        %parallel_loop3A_56 = vector.broadcast %parallel_loop3A_55 : i32 to vector<16xi32>
        %parallel_loop3A_57 = arith.addi %parallel_loop3A_28, %parallel_loop3A_56 : vector<16xi32>
        %parallel_loop3A_58 = tpu.vector_load_idx %arg7[%parallel_loop3A_57] : memref<2304xf32, #tpu.memory_space<vmem>>[vector<16xi32>], vector<16xf32>,
        %parallel_loop3A_59 = arith.constant 6 : i32
        %parallel_loop3A_60 = vector.broadcast %parallel_loop3A_59 : i32 to vector<16xi32>
        %parallel_loop3A_61 = arith.addi %parallel_loop3A_28, %parallel_loop3A_60 : vector<16xi32>
        %parallel_loop3A_62 = tpu.vector_load_idx %arg7[%parallel_loop3A_61] : memref<2304xf32, #tpu.memory_space<vmem>>[vector<16xi32>], vector<16xf32>,
        %parallel_loop3A_63 = arith.constant 7 : i32
        %parallel_loop3A_64 = vector.broadcast %parallel_loop3A_63 : i32 to vector<16xi32>
        %parallel_loop3A_65 = arith.addi %parallel_loop3A_28, %parallel_loop3A_64 : vector<16xi32>
        %parallel_loop3A_66 = tpu.vector_load_idx %arg7[%parallel_loop3A_65] : memref<2304xf32, #tpu.memory_space<vmem>>[vector<16xi32>], vector<16xf32>,
        %parallel_loop3A_67 = arith.constant 8 : i32
        %parallel_loop3A_68 = vector.broadcast %parallel_loop3A_67 : i32 to vector<16xi32>
        %parallel_loop3A_69 = arith.addi %parallel_loop3A_28, %parallel_loop3A_68 : vector<16xi32>
        %parallel_loop3A_70 = tpu.vector_load_idx %arg7[%parallel_loop3A_69] : memref<2304xf32, #tpu.memory_space<vmem>>[vector<16xi32>], vector<16xf32>,
        %parallel_loop3A_71 = arith.constant 0 : i32
        %parallel_loop3A_72 = vector.broadcast %parallel_loop3A_71 : i32 to vector<16xi32>
        %parallel_loop3A_73 = arith.addi %parallel_loop3A_31, %parallel_loop3A_72 : vector<16xi32>
        %parallel_loop3A_74 = tpu.vector_load_idx %arg8[%parallel_loop3A_73] : memref<2304xf32, #tpu.memory_space<vmem>>[vector<16xi32>], vector<16xf32>,
        %parallel_loop3A_75 = arith.constant 1 : i32
        %parallel_loop3A_76 = vector.broadcast %parallel_loop3A_75 : i32 to vector<16xi32>
        %parallel_loop3A_77 = arith.addi %parallel_loop3A_31, %parallel_loop3A_76 : vector<16xi32>
        %parallel_loop3A_78 = tpu.vector_load_idx %arg8[%parallel_loop3A_77] : memref<2304xf32, #tpu.memory_space<vmem>>[vector<16xi32>], vector<16xf32>,
        %parallel_loop3A_79 = arith.constant 2 : i32
        %parallel_loop3A_80 = vector.broadcast %parallel_loop3A_79 : i32 to vector<16xi32>
        %parallel_loop3A_81 = arith.addi %parallel_loop3A_31, %parallel_loop3A_80 : vector<16xi32>
        %parallel_loop3A_82 = tpu.vector_load_idx %arg8[%parallel_loop3A_81] : memref<2304xf32, #tpu.memory_space<vmem>>[vector<16xi32>], vector<16xf32>,
        %parallel_loop3A_83 = arith.constant 3 : i32
        %parallel_loop3A_84 = vector.broadcast %parallel_loop3A_83 : i32 to vector<16xi32>
        %parallel_loop3A_85 = arith.addi %parallel_loop3A_31, %parallel_loop3A_84 : vector<16xi32>
        %parallel_loop3A_86 = tpu.vector_load_idx %arg8[%parallel_loop3A_85] : memref<2304xf32, #tpu.memory_space<vmem>>[vector<16xi32>], vector<16xf32>,
        %parallel_loop3A_87 = arith.constant 4 : i32
        %parallel_loop3A_88 = vector.broadcast %parallel_loop3A_87 : i32 to vector<16xi32>
        %parallel_loop3A_89 = arith.addi %parallel_loop3A_31, %parallel_loop3A_88 : vector<16xi32>
        %parallel_loop3A_90 = tpu.vector_load_idx %arg8[%parallel_loop3A_89] : memref<2304xf32, #tpu.memory_space<vmem>>[vector<16xi32>], vector<16xf32>,
        %parallel_loop3A_91 = arith.constant 5 : i32
        %parallel_loop3A_92 = vector.broadcast %parallel_loop3A_91 : i32 to vector<16xi32>
        %parallel_loop3A_93 = arith.addi %parallel_loop3A_31, %parallel_loop3A_92 : vector<16xi32>
        %parallel_loop3A_94 = tpu.vector_load_idx %arg8[%parallel_loop3A_93] : memref<2304xf32, #tpu.memory_space<vmem>>[vector<16xi32>], vector<16xf32>,
        %parallel_loop3A_95 = arith.constant 6 : i32
        %parallel_loop3A_96 = vector.broadcast %parallel_loop3A_95 : i32 to vector<16xi32>
        %parallel_loop3A_97 = arith.addi %parallel_loop3A_31, %parallel_loop3A_96 : vector<16xi32>
        %parallel_loop3A_98 = tpu.vector_load_idx %arg8[%parallel_loop3A_97] : memref<2304xf32, #tpu.memory_space<vmem>>[vector<16xi32>], vector<16xf32>,
        %parallel_loop3A_99 = arith.constant 7 : i32
        %parallel_loop3A_100 = vector.broadcast %parallel_loop3A_99 : i32 to vector<16xi32>
        %parallel_loop3A_101 = arith.addi %parallel_loop3A_31, %parallel_loop3A_100 : vector<16xi32>
        %parallel_loop3A_102 = tpu.vector_load_idx %arg8[%parallel_loop3A_101] : memref<2304xf32, #tpu.memory_space<vmem>>[vector<16xi32>], vector<16xf32>,
        %parallel_loop3A_103 = arith.constant 8 : i32
        %parallel_loop3A_104 = vector.broadcast %parallel_loop3A_103 : i32 to vector<16xi32>
        %parallel_loop3A_105 = arith.addi %parallel_loop3A_31, %parallel_loop3A_104 : vector<16xi32>
        %parallel_loop3A_106 = tpu.vector_load_idx %arg8[%parallel_loop3A_105] : memref<2304xf32, #tpu.memory_space<vmem>>[vector<16xi32>], vector<16xf32>,
        %parallel_loop3A_107 = arith.mulf %parallel_loop3A_38, %parallel_loop3A_74 : vector<16xf32>
        %parallel_loop3A_108 = arith.constant 1.000000e+00 : f32
        %parallel_loop3A_109 = vector.broadcast %parallel_loop3A_108 : f32 to vector<16xf32>
        %parallel_loop3A_110 = arith.mulf %parallel_loop3A_107, %parallel_loop3A_109 : vector<16xf32>
        %parallel_loop3A_111 = arith.constant 0 : i32
        %parallel_loop3A_112 = vector.broadcast %parallel_loop3A_111 : i32 to vector<16xi32>
        %parallel_loop3A_113 = arith.addi %parallel_loop3A_34, %parallel_loop3A_112 : vector<16xi32>
        tpu.vector_store_idx %arg9[%parallel_loop3A_113], %parallel_loop3A_110 : memref<20736xf32, #tpu.memory_space<vmem>>[vector<16xi32>], vector<16xf32>,
        %parallel_loop3A_114 = arith.mulf %parallel_loop3A_42, %parallel_loop3A_78 : vector<16xf32>
        %parallel_loop3A_115 = arith.mulf %parallel_loop3A_46, %parallel_loop3A_82 : vector<16xf32>
        %parallel_loop3A_116 = arith.mulf %parallel_loop3A_50, %parallel_loop3A_86 : vector<16xf32>
        %parallel_loop3A_117 = arith.mulf %parallel_loop3A_50, %parallel_loop3A_82 : vector<16xf32>
        %parallel_loop3A_118 = arith.mulf %parallel_loop3A_46, %parallel_loop3A_86 : vector<16xf32>
        %parallel_loop3A_119 = arith.mulf %parallel_loop3A_50, %parallel_loop3A_78 : vector<16xf32>
        %parallel_loop3A_120 = arith.mulf %parallel_loop3A_42, %parallel_loop3A_86 : vector<16xf32>
        %parallel_loop3A_121 = arith.mulf %parallel_loop3A_46, %parallel_loop3A_78 : vector<16xf32>
        %parallel_loop3A_122 = arith.mulf %parallel_loop3A_42, %parallel_loop3A_82 : vector<16xf32>
        %parallel_loop3A_123 = arith.constant 0.577350259 : f32
        %parallel_loop3A_124 = vector.broadcast %parallel_loop3A_123 : f32 to vector<16xf32>
        %parallel_loop3A_125 = arith.mulf %parallel_loop3A_114, %parallel_loop3A_124 : vector<16xf32>
        %parallel_loop3A_126 = arith.constant 0.577350259 : f32
        %parallel_loop3A_127 = vector.broadcast %parallel_loop3A_126 : f32 to vector<16xf32>
        %parallel_loop3A_128 = arith.mulf %parallel_loop3A_115, %parallel_loop3A_127 : vector<16xf32>
        %parallel_loop3A_129 = arith.addf %parallel_loop3A_125, %parallel_loop3A_128 : vector<16xf32>
        %parallel_loop3A_130 = arith.constant 0.577350259 : f32
        %parallel_loop3A_131 = vector.broadcast %parallel_loop3A_130 : f32 to vector<16xf32>
        %parallel_loop3A_132 = arith.mulf %parallel_loop3A_116, %parallel_loop3A_131 : vector<16xf32>
        %parallel_loop3A_133 = arith.addf %parallel_loop3A_129, %parallel_loop3A_132 : vector<16xf32>
        %parallel_loop3A_134 = arith.constant 1 : i32
        %parallel_loop3A_135 = vector.broadcast %parallel_loop3A_134 : i32 to vector<16xi32>
        %parallel_loop3A_136 = arith.addi %parallel_loop3A_34, %parallel_loop3A_135 : vector<16xi32>
        tpu.vector_store_idx %arg9[%parallel_loop3A_136], %parallel_loop3A_133 : memref<20736xf32, #tpu.memory_space<vmem>>[vector<16xi32>], vector<16xf32>,
        %parallel_loop3A_137 = arith.constant -0.707106769 : f32
        %parallel_loop3A_138 = vector.broadcast %parallel_loop3A_137 : f32 to vector<16xf32>
        %parallel_loop3A_139 = arith.mulf %parallel_loop3A_117, %parallel_loop3A_138 : vector<16xf32>
        %parallel_loop3A_140 = arith.constant 0.707106769 : f32
        %parallel_loop3A_141 = vector.broadcast %parallel_loop3A_140 : f32 to vector<16xf32>
        %parallel_loop3A_142 = arith.mulf %parallel_loop3A_118, %parallel_loop3A_141 : vector<16xf32>
        %parallel_loop3A_143 = arith.addf %parallel_loop3A_139, %parallel_loop3A_142 : vector<16xf32>
        %parallel_loop3A_144 = arith.constant 9 : i32
        %parallel_loop3A_145 = vector.broadcast %parallel_loop3A_144 : i32 to vector<16xi32>
        %parallel_loop3A_146 = arith.addi %parallel_loop3A_34, %parallel_loop3A_145 : vector<16xi32>
        tpu.vector_store_idx %arg9[%parallel_loop3A_146], %parallel_loop3A_143 : memref<20736xf32, #tpu.memory_space<vmem>>[vector<16xi32>], vector<16xf32>,
        %parallel_loop3A_147 = arith.constant 0.707106769 : f32
        %parallel_loop3A_148 = vector.broadcast %parallel_loop3A_147 : f32 to vector<16xf32>
        %parallel_loop3A_149 = arith.mulf %parallel_loop3A_119, %parallel_loop3A_148 : vector<16xf32>
        %parallel_loop3A_150 = arith.constant -0.707106769 : f32
        %parallel_loop3A_151 = vector.broadcast %parallel_loop3A_150 : f32 to vector<16xf32>
        %parallel_loop3A_152 = arith.mulf %parallel_loop3A_120, %parallel_loop3A_151 : vector<16xf32>
        %parallel_loop3A_153 = arith.addf %parallel_loop3A_149, %parallel_loop3A_152 : vector<16xf32>
        %parallel_loop3A_154 = arith.constant 10 : i32
        %parallel_loop3A_155 = vector.broadcast %parallel_loop3A_154 : i32 to vector<16xi32>
        %parallel_loop3A_156 = arith.addi %parallel_loop3A_34, %parallel_loop3A_155 : vector<16xi32>
        tpu.vector_store_idx %arg9[%parallel_loop3A_156], %parallel_loop3A_153 : memref<20736xf32, #tpu.memory_space<vmem>>[vector<16xi32>], vector<16xf32>,
        %parallel_loop3A_157 = arith.constant -0.707106769 : f32
        %parallel_loop3A_158 = vector.broadcast %parallel_loop3A_157 : f32 to vector<16xf32>
        %parallel_loop3A_159 = arith.mulf %parallel_loop3A_121, %parallel_loop3A_158 : vector<16xf32>
        %parallel_loop3A_160 = arith.constant 0.707106769 : f32
        %parallel_loop3A_161 = vector.broadcast %parallel_loop3A_160 : f32 to vector<16xf32>
        %parallel_loop3A_162 = arith.mulf %parallel_loop3A_122, %parallel_loop3A_161 : vector<16xf32>
        %parallel_loop3A_163 = arith.addf %parallel_loop3A_159, %parallel_loop3A_162 : vector<16xf32>
        %parallel_loop3A_164 = arith.constant 11 : i32
        %parallel_loop3A_165 = vector.broadcast %parallel_loop3A_164 : i32 to vector<16xi32>
        %parallel_loop3A_166 = arith.addi %parallel_loop3A_34, %parallel_loop3A_165 : vector<16xi32>
        tpu.vector_store_idx %arg9[%parallel_loop3A_166], %parallel_loop3A_163 : memref<20736xf32, #tpu.memory_space<vmem>>[vector<16xi32>], vector<16xf32>,
        %parallel_loop3A_167 = arith.constant 0.707106769 : f32
        %parallel_loop3A_168 = vector.broadcast %parallel_loop3A_167 : f32 to vector<16xf32>
        %parallel_loop3A_169 = arith.mulf %parallel_loop3A_119, %parallel_loop3A_168 : vector<16xf32>
        %parallel_loop3A_170 = arith.constant 0.707106769 : f32
        %parallel_loop3A_171 = vector.broadcast %parallel_loop3A_170 : f32 to vector<16xf32>
        %parallel_loop3A_172 = arith.mulf %parallel_loop3A_120, %parallel_loop3A_171 : vector<16xf32>
        %parallel_loop3A_173 = arith.addf %parallel_loop3A_169, %parallel_loop3A_172 : vector<16xf32>
        %parallel_loop3A_174 = arith.constant 26 : i32
        %parallel_loop3A_175 = vector.broadcast %parallel_loop3A_174 : i32 to vector<16xi32>
        %parallel_loop3A_176 = arith.addi %parallel_loop3A_34, %parallel_loop3A_175 : vector<16xi32>
        tpu.vector_store_idx %arg9[%parallel_loop3A_176], %parallel_loop3A_173 : memref<20736xf32, #tpu.memory_space<vmem>>[vector<16xi32>], vector<16xf32>,
        %parallel_loop3A_177 = arith.constant 0.707106769 : f32
        %parallel_loop3A_178 = vector.broadcast %parallel_loop3A_177 : f32 to vector<16xf32>
        %parallel_loop3A_179 = arith.mulf %parallel_loop3A_121, %parallel_loop3A_178 : vector<16xf32>
        %parallel_loop3A_180 = arith.constant 0.707106769 : f32
        %parallel_loop3A_181 = vector.broadcast %parallel_loop3A_180 : f32 to vector<16xf32>
        %parallel_loop3A_182 = arith.mulf %parallel_loop3A_122, %parallel_loop3A_181 : vector<16xf32>
        %parallel_loop3A_183 = arith.addf %parallel_loop3A_179, %parallel_loop3A_182 : vector<16xf32>
        %parallel_loop3A_184 = arith.constant 27 : i32
        %parallel_loop3A_185 = vector.broadcast %parallel_loop3A_184 : i32 to vector<16xi32>
        %parallel_loop3A_186 = arith.addi %parallel_loop3A_34, %parallel_loop3A_185 : vector<16xi32>
        tpu.vector_store_idx %arg9[%parallel_loop3A_186], %parallel_loop3A_183 : memref<20736xf32, #tpu.memory_space<vmem>>[vector<16xi32>], vector<16xf32>,
        %parallel_loop3A_187 = arith.constant -0.408248305 : f32
        %parallel_loop3A_188 = vector.broadcast %parallel_loop3A_187 : f32 to vector<16xf32>
        %parallel_loop3A_189 = arith.mulf %parallel_loop3A_114, %parallel_loop3A_188 : vector<16xf32>
        %parallel_loop3A_190 = arith.constant 0.816496611 : f32
        %parallel_loop3A_191 = vector.broadcast %parallel_loop3A_190 : f32 to vector<16xf32>
        %parallel_loop3A_192 = arith.mulf %parallel_loop3A_115, %parallel_loop3A_191 : vector<16xf32>
        %parallel_loop3A_193 = arith.addf %parallel_loop3A_189, %parallel_loop3A_192 : vector<16xf32>
        %parallel_loop3A_194 = arith.constant -0.408248305 : f32
        %parallel_loop3A_195 = vector.broadcast %parallel_loop3A_194 : f32 to vector<16xf32>
        %parallel_loop3A_196 = arith.mulf %parallel_loop3A_116, %parallel_loop3A_195 : vector<16xf32>
        %parallel_loop3A_197 = arith.addf %parallel_loop3A_193, %parallel_loop3A_196 : vector<16xf32>
        %parallel_loop3A_198 = arith.constant 28 : i32
        %parallel_loop3A_199 = vector.broadcast %parallel_loop3A_198 : i32 to vector<16xi32>
        %parallel_loop3A_200 = arith.addi %parallel_loop3A_34, %parallel_loop3A_199 : vector<16xi32>
        tpu.vector_store_idx %arg9[%parallel_loop3A_200], %parallel_loop3A_197 : memref<20736xf32, #tpu.memory_space<vmem>>[vector<16xi32>], vector<16xf32>,
        %parallel_loop3A_201 = arith.constant 0.707106769 : f32
        %parallel_loop3A_202 = vector.broadcast %parallel_loop3A_201 : f32 to vector<16xf32>
        %parallel_loop3A_203 = arith.mulf %parallel_loop3A_117, %parallel_loop3A_202 : vector<16xf32>
        %parallel_loop3A_204 = arith.constant 0.707106769 : f32
        %parallel_loop3A_205 = vector.broadcast %parallel_loop3A_204 : f32 to vector<16xf32>
        %parallel_loop3A_206 = arith.mulf %parallel_loop3A_118, %parallel_loop3A_205 : vector<16xf32>
        %parallel_loop3A_207 = arith.addf %parallel_loop3A_203, %parallel_loop3A_206 : vector<16xf32>
        %parallel_loop3A_208 = arith.constant 29 : i32
        %parallel_loop3A_209 = vector.broadcast %parallel_loop3A_208 : i32 to vector<16xi32>
        %parallel_loop3A_210 = arith.addi %parallel_loop3A_34, %parallel_loop3A_209 : vector<16xi32>
        tpu.vector_store_idx %arg9[%parallel_loop3A_210], %parallel_loop3A_207 : memref<20736xf32, #tpu.memory_space<vmem>>[vector<16xi32>], vector<16xf32>,
        %parallel_loop3A_211 = arith.constant -0.707106769 : f32
        %parallel_loop3A_212 = vector.broadcast %parallel_loop3A_211 : f32 to vector<16xf32>
        %parallel_loop3A_213 = arith.mulf %parallel_loop3A_114, %parallel_loop3A_212 : vector<16xf32>
        %parallel_loop3A_214 = arith.constant 0.707106769 : f32
        %parallel_loop3A_215 = vector.broadcast %parallel_loop3A_214 : f32 to vector<16xf32>
        %parallel_loop3A_216 = arith.mulf %parallel_loop3A_116, %parallel_loop3A_215 : vector<16xf32>
        %parallel_loop3A_217 = arith.addf %parallel_loop3A_213, %parallel_loop3A_216 : vector<16xf32>
        %parallel_loop3A_218 = arith.constant 30 : i32
        %parallel_loop3A_219 = vector.broadcast %parallel_loop3A_218 : i32 to vector<16xi32>
        %parallel_loop3A_220 = arith.addi %parallel_loop3A_34, %parallel_loop3A_219 : vector<16xi32>
        tpu.vector_store_idx %arg9[%parallel_loop3A_220], %parallel_loop3A_217 : memref<20736xf32, #tpu.memory_space<vmem>>[vector<16xi32>], vector<16xf32>,
        %parallel_loop3A_221 = arith.mulf %parallel_loop3A_54, %parallel_loop3A_90 : vector<16xf32>
        %parallel_loop3A_222 = arith.mulf %parallel_loop3A_58, %parallel_loop3A_94 : vector<16xf32>
        %parallel_loop3A_223 = arith.mulf %parallel_loop3A_62, %parallel_loop3A_98 : vector<16xf32>
        %parallel_loop3A_224 = arith.mulf %parallel_loop3A_66, %parallel_loop3A_102 : vector<16xf32>
        %parallel_loop3A_225 = arith.mulf %parallel_loop3A_70, %parallel_loop3A_106 : vector<16xf32>
        %parallel_loop3A_226 = arith.mulf %parallel_loop3A_58, %parallel_loop3A_90 : vector<16xf32>
        %parallel_loop3A_227 = arith.mulf %parallel_loop3A_54, %parallel_loop3A_94 : vector<16xf32>
        %parallel_loop3A_228 = arith.mulf %parallel_loop3A_66, %parallel_loop3A_98 : vector<16xf32>
        %parallel_loop3A_229 = arith.mulf %parallel_loop3A_62, %parallel_loop3A_102 : vector<16xf32>
        %parallel_loop3A_230 = arith.mulf %parallel_loop3A_70, %parallel_loop3A_102 : vector<16xf32>
        %parallel_loop3A_231 = arith.mulf %parallel_loop3A_66, %parallel_loop3A_106 : vector<16xf32>
        %parallel_loop3A_232 = arith.mulf %parallel_loop3A_70, %parallel_loop3A_90 : vector<16xf32>
        %parallel_loop3A_233 = arith.mulf %parallel_loop3A_66, %parallel_loop3A_94 : vector<16xf32>
        %parallel_loop3A_234 = arith.mulf %parallel_loop3A_58, %parallel_loop3A_102 : vector<16xf32>
        %parallel_loop3A_235 = arith.mulf %parallel_loop3A_54, %parallel_loop3A_106 : vector<16xf32>
        %parallel_loop3A_236 = arith.mulf %parallel_loop3A_66, %parallel_loop3A_90 : vector<16xf32>
        %parallel_loop3A_237 = arith.mulf %parallel_loop3A_62, %parallel_loop3A_94 : vector<16xf32>
        %parallel_loop3A_238 = arith.mulf %parallel_loop3A_70, %parallel_loop3A_94 : vector<16xf32>
        %parallel_loop3A_239 = arith.mulf %parallel_loop3A_58, %parallel_loop3A_98 : vector<16xf32>
        %parallel_loop3A_240 = arith.mulf %parallel_loop3A_54, %parallel_loop3A_102 : vector<16xf32>
        %parallel_loop3A_241 = arith.mulf %parallel_loop3A_58, %parallel_loop3A_106 : vector<16xf32>
        %parallel_loop3A_242 = arith.mulf %parallel_loop3A_62, %parallel_loop3A_90 : vector<16xf32>
        %parallel_loop3A_243 = arith.mulf %parallel_loop3A_54, %parallel_loop3A_98 : vector<16xf32>
        %parallel_loop3A_244 = arith.mulf %parallel_loop3A_70, %parallel_loop3A_98 : vector<16xf32>
        %parallel_loop3A_245 = arith.mulf %parallel_loop3A_62, %parallel_loop3A_106 : vector<16xf32>
        %parallel_loop3A_246 = arith.constant 0.44721359 : f32
        %parallel_loop3A_247 = vector.broadcast %parallel_loop3A_246 : f32 to vector<16xf32>
        %parallel_loop3A_248 = arith.mulf %parallel_loop3A_221, %parallel_loop3A_247 : vector<16xf32>
        %parallel_loop3A_249 = arith.constant 0.44721359 : f32
        %parallel_loop3A_250 = vector.broadcast %parallel_loop3A_249 : f32 to vector<16xf32>
        %parallel_loop3A_251 = arith.mulf %parallel_loop3A_222, %parallel_loop3A_250 : vector<16xf32>
        %parallel_loop3A_252 = arith.addf %parallel_loop3A_248, %parallel_loop3A_251 : vector<16xf32>
        %parallel_loop3A_253 = arith.constant 0.44721359 : f32
        %parallel_loop3A_254 = vector.broadcast %parallel_loop3A_253 : f32 to vector<16xf32>
        %parallel_loop3A_255 = arith.mulf %parallel_loop3A_223, %parallel_loop3A_254 : vector<16xf32>
        %parallel_loop3A_256 = arith.addf %parallel_loop3A_252, %parallel_loop3A_255 : vector<16xf32>
        %parallel_loop3A_257 = arith.constant 0.44721359 : f32
        %parallel_loop3A_258 = vector.broadcast %parallel_loop3A_257 : f32 to vector<16xf32>
        %parallel_loop3A_259 = arith.mulf %parallel_loop3A_224, %parallel_loop3A_258 : vector<16xf32>
        %parallel_loop3A_260 = arith.addf %parallel_loop3A_256, %parallel_loop3A_259 : vector<16xf32>
        %parallel_loop3A_261 = arith.constant 0.44721359 : f32
        %parallel_loop3A_262 = vector.broadcast %parallel_loop3A_261 : f32 to vector<16xf32>
        %parallel_loop3A_263 = arith.mulf %parallel_loop3A_225, %parallel_loop3A_262 : vector<16xf32>
        %parallel_loop3A_264 = arith.addf %parallel_loop3A_260, %parallel_loop3A_263 : vector<16xf32>
        %parallel_loop3A_265 = arith.constant 2 : i32
        %parallel_loop3A_266 = vector.broadcast %parallel_loop3A_265 : i32 to vector<16xi32>
        %parallel_loop3A_267 = arith.addi %parallel_loop3A_34, %parallel_loop3A_266 : vector<16xi32>
        tpu.vector_store_idx %arg9[%parallel_loop3A_267], %parallel_loop3A_264 : memref<20736xf32, #tpu.memory_space<vmem>>[vector<16xi32>], vector<16xf32>,
        %parallel_loop3A_268 = arith.constant 0.316227764 : f32
        %parallel_loop3A_269 = vector.broadcast %parallel_loop3A_268 : f32 to vector<16xf32>
        %parallel_loop3A_270 = arith.mulf %parallel_loop3A_226, %parallel_loop3A_269 : vector<16xf32>
        %parallel_loop3A_271 = arith.constant -0.316227764 : f32
        %parallel_loop3A_272 = vector.broadcast %parallel_loop3A_271 : f32 to vector<16xf32>
        %parallel_loop3A_273 = arith.mulf %parallel_loop3A_227, %parallel_loop3A_272 : vector<16xf32>
        %parallel_loop3A_274 = arith.addf %parallel_loop3A_270, %parallel_loop3A_273 : vector<16xf32>
        %parallel_loop3A_275 = arith.constant -0.547722578 : f32
        %parallel_loop3A_276 = vector.broadcast %parallel_loop3A_275 : f32 to vector<16xf32>
        %parallel_loop3A_277 = arith.mulf %parallel_loop3A_228, %parallel_loop3A_276 : vector<16xf32>
        %parallel_loop3A_278 = arith.addf %parallel_loop3A_274, %parallel_loop3A_277 : vector<16xf32>
        %parallel_loop3A_279 = arith.constant 0.547722578 : f32
        %parallel_loop3A_280 = vector.broadcast %parallel_loop3A_279 : f32 to vector<16xf32>
        %parallel_loop3A_281 = arith.mulf %parallel_loop3A_229, %parallel_loop3A_280 : vector<16xf32>
        %parallel_loop3A_282 = arith.addf %parallel_loop3A_278, %parallel_loop3A_281 : vector<16xf32>
        %parallel_loop3A_283 = arith.constant -0.316227764 : f32
        %parallel_loop3A_284 = vector.broadcast %parallel_loop3A_283 : f32 to vector<16xf32>
        %parallel_loop3A_285 = arith.mulf %parallel_loop3A_230, %parallel_loop3A_284 : vector<16xf32>
        %parallel_loop3A_286 = arith.addf %parallel_loop3A_282, %parallel_loop3A_285 : vector<16xf32>
        %parallel_loop3A_287 = arith.constant 0.316227764 : f32
        %parallel_loop3A_288 = vector.broadcast %parallel_loop3A_287 : f32 to vector<16xf32>
        %parallel_loop3A_289 = arith.mulf %parallel_loop3A_231, %parallel_loop3A_288 : vector<16xf32>
        %parallel_loop3A_290 = arith.addf %parallel_loop3A_286, %parallel_loop3A_289 : vector<16xf32>
        %parallel_loop3A_291 = arith.constant 18 : i32
        %parallel_loop3A_292 = vector.broadcast %parallel_loop3A_291 : i32 to vector<16xi32>
        %parallel_loop3A_293 = arith.addi %parallel_loop3A_34, %parallel_loop3A_292 : vector<16xi32>
        tpu.vector_store_idx %arg9[%parallel_loop3A_293], %parallel_loop3A_290 : memref<20736xf32, #tpu.memory_space<vmem>>[vector<16xi32>], vector<16xf32>,
        %parallel_loop3A_294 = arith.constant 0.632455527 : f32
        %parallel_loop3A_295 = vector.broadcast %parallel_loop3A_294 : f32 to vector<16xf32>
        %parallel_loop3A_296 = arith.mulf %parallel_loop3A_232, %parallel_loop3A_295 : vector<16xf32>
        %parallel_loop3A_297 = arith.constant 0.316227764 : f32
        %parallel_loop3A_298 = vector.broadcast %parallel_loop3A_297 : f32 to vector<16xf32>
        %parallel_loop3A_299 = arith.mulf %parallel_loop3A_233, %parallel_loop3A_298 : vector<16xf32>
        %parallel_loop3A_300 = arith.addf %parallel_loop3A_296, %parallel_loop3A_299 : vector<16xf32>
        %parallel_loop3A_301 = arith.constant -0.316227764 : f32
        %parallel_loop3A_302 = vector.broadcast %parallel_loop3A_301 : f32 to vector<16xf32>
        %parallel_loop3A_303 = arith.mulf %parallel_loop3A_234, %parallel_loop3A_302 : vector<16xf32>
        %parallel_loop3A_304 = arith.addf %parallel_loop3A_300, %parallel_loop3A_303 : vector<16xf32>
        %parallel_loop3A_305 = arith.constant -0.632455527 : f32
        %parallel_loop3A_306 = vector.broadcast %parallel_loop3A_305 : f32 to vector<16xf32>
        %parallel_loop3A_307 = arith.mulf %parallel_loop3A_235, %parallel_loop3A_306 : vector<16xf32>
        %parallel_loop3A_308 = arith.addf %parallel_loop3A_304, %parallel_loop3A_307 : vector<16xf32>
        %parallel_loop3A_309 = arith.constant 19 : i32
        %parallel_loop3A_310 = vector.broadcast %parallel_loop3A_309 : i32 to vector<16xi32>
        %parallel_loop3A_311 = arith.addi %parallel_loop3A_34, %parallel_loop3A_310 : vector<16xi32>
        tpu.vector_store_idx %arg9[%parallel_loop3A_311], %parallel_loop3A_308 : memref<20736xf32, #tpu.memory_space<vmem>>[vector<16xi32>], vector<16xf32>,
        %parallel_loop3A_312 = arith.constant -0.316227764 : f32
        %parallel_loop3A_313 = vector.broadcast %parallel_loop3A_312 : f32 to vector<16xf32>
        %parallel_loop3A_314 = arith.mulf %parallel_loop3A_236, %parallel_loop3A_313 : vector<16xf32>
        %parallel_loop3A_315 = arith.constant -0.547722578 : f32
        %parallel_loop3A_316 = vector.broadcast %parallel_loop3A_315 : f32 to vector<16xf32>
        %parallel_loop3A_317 = arith.mulf %parallel_loop3A_237, %parallel_loop3A_316 : vector<16xf32>
        %parallel_loop3A_318 = arith.addf %parallel_loop3A_314, %parallel_loop3A_317 : vector<16xf32>
        %parallel_loop3A_319 = arith.constant -0.316227764 : f32
        %parallel_loop3A_320 = vector.broadcast %parallel_loop3A_319 : f32 to vector<16xf32>
        %parallel_loop3A_321 = arith.mulf %parallel_loop3A_238, %parallel_loop3A_320 : vector<16xf32>
        %parallel_loop3A_322 = arith.addf %parallel_loop3A_318, %parallel_loop3A_321 : vector<16xf32>
        %parallel_loop3A_323 = arith.constant 0.547722578 : f32
        %parallel_loop3A_324 = vector.broadcast %parallel_loop3A_323 : f32 to vector<16xf32>
        %parallel_loop3A_325 = arith.mulf %parallel_loop3A_239, %parallel_loop3A_324 : vector<16xf32>
        %parallel_loop3A_326 = arith.addf %parallel_loop3A_322, %parallel_loop3A_325 : vector<16xf32>
        %parallel_loop3A_327 = arith.constant 0.316227764 : f32
        %parallel_loop3A_328 = vector.broadcast %parallel_loop3A_327 : f32 to vector<16xf32>
        %parallel_loop3A_329 = arith.mulf %parallel_loop3A_240, %parallel_loop3A_328 : vector<16xf32>
        %parallel_loop3A_330 = arith.addf %parallel_loop3A_326, %parallel_loop3A_329 : vector<16xf32>
        %parallel_loop3A_331 = arith.constant 0.316227764 : f32
        %parallel_loop3A_332 = vector.broadcast %parallel_loop3A_331 : f32 to vector<16xf32>
        %parallel_loop3A_333 = arith.mulf %parallel_loop3A_241, %parallel_loop3A_332 : vector<16xf32>
        %parallel_loop3A_334 = arith.addf %parallel_loop3A_330, %parallel_loop3A_333 : vector<16xf32>
        %parallel_loop3A_335 = arith.constant 20 : i32
        %parallel_loop3A_336 = vector.broadcast %parallel_loop3A_335 : i32 to vector<16xi32>
        %parallel_loop3A_337 = arith.addi %parallel_loop3A_34, %parallel_loop3A_336 : vector<16xi32>
        tpu.vector_store_idx %arg9[%parallel_loop3A_337], %parallel_loop3A_334 : memref<20736xf32, #tpu.memory_space<vmem>>[vector<16xi32>], vector<16xf32>,
        %parallel_loop3A_338 = arith.constant -0.534522474 : f32
        %parallel_loop3A_339 = vector.broadcast %parallel_loop3A_338 : f32 to vector<16xf32>
        %parallel_loop3A_340 = arith.mulf %parallel_loop3A_242, %parallel_loop3A_339 : vector<16xf32>
        %parallel_loop3A_341 = arith.constant 0.462910056 : f32
        %parallel_loop3A_342 = vector.broadcast %parallel_loop3A_341 : f32 to vector<16xf32>
        %parallel_loop3A_343 = arith.mulf %parallel_loop3A_233, %parallel_loop3A_342 : vector<16xf32>
        %parallel_loop3A_344 = arith.addf %parallel_loop3A_340, %parallel_loop3A_343 : vector<16xf32>
        %parallel_loop3A_345 = arith.constant -0.534522474 : f32
        %parallel_loop3A_346 = vector.broadcast %parallel_loop3A_345 : f32 to vector<16xf32>
        %parallel_loop3A_347 = arith.mulf %parallel_loop3A_243, %parallel_loop3A_346 : vector<16xf32>
        %parallel_loop3A_348 = arith.addf %parallel_loop3A_344, %parallel_loop3A_347 : vector<16xf32>
        %parallel_loop3A_349 = arith.constant 0.462910056 : f32
        %parallel_loop3A_350 = vector.broadcast %parallel_loop3A_349 : f32 to vector<16xf32>
        %parallel_loop3A_351 = arith.mulf %parallel_loop3A_234, %parallel_loop3A_350 : vector<16xf32>
        %parallel_loop3A_352 = arith.addf %parallel_loop3A_348, %parallel_loop3A_351 : vector<16xf32>
        %parallel_loop3A_353 = arith.constant 46 : i32
        %parallel_loop3A_354 = vector.broadcast %parallel_loop3A_353 : i32 to vector<16xi32>
        %parallel_loop3A_355 = arith.addi %parallel_loop3A_34, %parallel_loop3A_354 : vector<16xi32>
        tpu.vector_store_idx %arg9[%parallel_loop3A_355], %parallel_loop3A_352 : memref<20736xf32, #tpu.memory_space<vmem>>[vector<16xi32>], vector<16xf32>,
        %parallel_loop3A_356 = arith.constant 0.462910056 : f32
        %parallel_loop3A_357 = vector.broadcast %parallel_loop3A_356 : f32 to vector<16xf32>
        %parallel_loop3A_358 = arith.mulf %parallel_loop3A_236, %parallel_loop3A_357 : vector<16xf32>
        %parallel_loop3A_359 = arith.constant 0.267261237 : f32
        %parallel_loop3A_360 = vector.broadcast %parallel_loop3A_359 : f32 to vector<16xf32>
        %parallel_loop3A_361 = arith.mulf %parallel_loop3A_237, %parallel_loop3A_360 : vector<16xf32>
        %parallel_loop3A_362 = arith.addf %parallel_loop3A_358, %parallel_loop3A_361 : vector<16xf32>
        %parallel_loop3A_363 = arith.constant -0.462910056 : f32
        %parallel_loop3A_364 = vector.broadcast %parallel_loop3A_363 : f32 to vector<16xf32>
        %parallel_loop3A_365 = arith.mulf %parallel_loop3A_238, %parallel_loop3A_364 : vector<16xf32>
        %parallel_loop3A_366 = arith.addf %parallel_loop3A_362, %parallel_loop3A_365 : vector<16xf32>
        %parallel_loop3A_367 = arith.constant 0.267261237 : f32
        %parallel_loop3A_368 = vector.broadcast %parallel_loop3A_367 : f32 to vector<16xf32>
        %parallel_loop3A_369 = arith.mulf %parallel_loop3A_239, %parallel_loop3A_368 : vector<16xf32>
        %parallel_loop3A_370 = arith.addf %parallel_loop3A_366, %parallel_loop3A_369 : vector<16xf32>
        %parallel_loop3A_371 = arith.constant 0.462910056 : f32
        %parallel_loop3A_372 = vector.broadcast %parallel_loop3A_371 : f32 to vector<16xf32>
        %parallel_loop3A_373 = arith.mulf %parallel_loop3A_240, %parallel_loop3A_372 : vector<16xf32>
        %parallel_loop3A_374 = arith.addf %parallel_loop3A_370, %parallel_loop3A_373 : vector<16xf32>
        %parallel_loop3A_375 = arith.constant -0.462910056 : f32
        %parallel_loop3A_376 = vector.broadcast %parallel_loop3A_375 : f32 to vector<16xf32>
        %parallel_loop3A_377 = arith.mulf %parallel_loop3A_241, %parallel_loop3A_376 : vector<16xf32>
        %parallel_loop3A_378 = arith.addf %parallel_loop3A_374, %parallel_loop3A_377 : vector<16xf32>
        %parallel_loop3A_379 = arith.constant 47 : i32
        %parallel_loop3A_380 = vector.broadcast %parallel_loop3A_379 : i32 to vector<16xi32>
        %parallel_loop3A_381 = arith.addi %parallel_loop3A_34, %parallel_loop3A_380 : vector<16xi32>
        tpu.vector_store_idx %arg9[%parallel_loop3A_381], %parallel_loop3A_378 : memref<20736xf32, #tpu.memory_space<vmem>>[vector<16xi32>], vector<16xf32>,
        %parallel_loop3A_382 = arith.constant -0.534522474 : f32
        %parallel_loop3A_383 = vector.broadcast %parallel_loop3A_382 : f32 to vector<16xf32>
        %parallel_loop3A_384 = arith.mulf %parallel_loop3A_221, %parallel_loop3A_383 : vector<16xf32>
        %parallel_loop3A_385 = arith.constant 0.267261237 : f32
        %parallel_loop3A_386 = vector.broadcast %parallel_loop3A_385 : f32 to vector<16xf32>
        %parallel_loop3A_387 = arith.mulf %parallel_loop3A_222, %parallel_loop3A_386 : vector<16xf32>
        %parallel_loop3A_388 = arith.addf %parallel_loop3A_384, %parallel_loop3A_387 : vector<16xf32>
        %parallel_loop3A_389 = arith.constant 0.534522474 : f32
        %parallel_loop3A_390 = vector.broadcast %parallel_loop3A_389 : f32 to vector<16xf32>
        %parallel_loop3A_391 = arith.mulf %parallel_loop3A_223, %parallel_loop3A_390 : vector<16xf32>
        %parallel_loop3A_392 = arith.addf %parallel_loop3A_388, %parallel_loop3A_391 : vector<16xf32>
        %parallel_loop3A_393 = arith.constant 0.267261237 : f32
        %parallel_loop3A_394 = vector.broadcast %parallel_loop3A_393 : f32 to vector<16xf32>
        %parallel_loop3A_395 = arith.mulf %parallel_loop3A_224, %parallel_loop3A_394 : vector<16xf32>
        %parallel_loop3A_396 = arith.addf %parallel_loop3A_392, %parallel_loop3A_395 : vector<16xf32>
        %parallel_loop3A_397 = arith.constant -0.534522474 : f32
        %parallel_loop3A_398 = vector.broadcast %parallel_loop3A_397 : f32 to vector<16xf32>
        %parallel_loop3A_399 = arith.mulf %parallel_loop3A_225, %parallel_loop3A_398 : vector<16xf32>
        %parallel_loop3A_400 = arith.addf %parallel_loop3A_396, %parallel_loop3A_399 : vector<16xf32>
        %parallel_loop3A_401 = arith.constant 48 : i32
        %parallel_loop3A_402 = vector.broadcast %parallel_loop3A_401 : i32 to vector<16xi32>
        %parallel_loop3A_403 = arith.addi %parallel_loop3A_34, %parallel_loop3A_402 : vector<16xi32>
        tpu.vector_store_idx %arg9[%parallel_loop3A_403], %parallel_loop3A_400 : memref<20736xf32, #tpu.memory_space<vmem>>[vector<16xi32>], vector<16xf32>,
        %parallel_loop3A_404 = arith.constant 0.462910056 : f32
        %parallel_loop3A_405 = vector.broadcast %parallel_loop3A_404 : f32 to vector<16xf32>
        %parallel_loop3A_406 = arith.mulf %parallel_loop3A_226, %parallel_loop3A_405 : vector<16xf32>
        %parallel_loop3A_407 = arith.constant 0.462910056 : f32
        %parallel_loop3A_408 = vector.broadcast %parallel_loop3A_407 : f32 to vector<16xf32>
        %parallel_loop3A_409 = arith.mulf %parallel_loop3A_227, %parallel_loop3A_408 : vector<16xf32>
        %parallel_loop3A_410 = arith.addf %parallel_loop3A_406, %parallel_loop3A_409 : vector<16xf32>
        %parallel_loop3A_411 = arith.constant 0.267261237 : f32
        %parallel_loop3A_412 = vector.broadcast %parallel_loop3A_411 : f32 to vector<16xf32>
        %parallel_loop3A_413 = arith.mulf %parallel_loop3A_228, %parallel_loop3A_412 : vector<16xf32>
        %parallel_loop3A_414 = arith.addf %parallel_loop3A_410, %parallel_loop3A_413 : vector<16xf32>
        %parallel_loop3A_415 = arith.constant 0.267261237 : f32
        %parallel_loop3A_416 = vector.broadcast %parallel_loop3A_415 : f32 to vector<16xf32>
        %parallel_loop3A_417 = arith.mulf %parallel_loop3A_229, %parallel_loop3A_416 : vector<16xf32>
        %parallel_loop3A_418 = arith.addf %parallel_loop3A_414, %parallel_loop3A_417 : vector<16xf32>
        %parallel_loop3A_419 = arith.constant 0.462910056 : f32
        %parallel_loop3A_420 = vector.broadcast %parallel_loop3A_419 : f32 to vector<16xf32>
        %parallel_loop3A_421 = arith.mulf %parallel_loop3A_230, %parallel_loop3A_420 : vector<16xf32>
        %parallel_loop3A_422 = arith.addf %parallel_loop3A_418, %parallel_loop3A_421 : vector<16xf32>
        %parallel_loop3A_423 = arith.constant 0.462910056 : f32
        %parallel_loop3A_424 = vector.broadcast %parallel_loop3A_423 : f32 to vector<16xf32>
        %parallel_loop3A_425 = arith.mulf %parallel_loop3A_231, %parallel_loop3A_424 : vector<16xf32>
        %parallel_loop3A_426 = arith.addf %parallel_loop3A_422, %parallel_loop3A_425 : vector<16xf32>
        %parallel_loop3A_427 = arith.constant 49 : i32
        %parallel_loop3A_428 = vector.broadcast %parallel_loop3A_427 : i32 to vector<16xi32>
        %parallel_loop3A_429 = arith.addi %parallel_loop3A_34, %parallel_loop3A_428 : vector<16xi32>
        tpu.vector_store_idx %arg9[%parallel_loop3A_429], %parallel_loop3A_426 : memref<20736xf32, #tpu.memory_space<vmem>>[vector<16xi32>], vector<16xf32>,
        %parallel_loop3A_430 = arith.constant -0.462910056 : f32
        %parallel_loop3A_431 = vector.broadcast %parallel_loop3A_430 : f32 to vector<16xf32>
        %parallel_loop3A_432 = arith.mulf %parallel_loop3A_222, %parallel_loop3A_431 : vector<16xf32>
        %parallel_loop3A_433 = arith.constant -0.534522474 : f32
        %parallel_loop3A_434 = vector.broadcast %parallel_loop3A_433 : f32 to vector<16xf32>
        %parallel_loop3A_435 = arith.mulf %parallel_loop3A_244, %parallel_loop3A_434 : vector<16xf32>
        %parallel_loop3A_436 = arith.addf %parallel_loop3A_432, %parallel_loop3A_435 : vector<16xf32>
        %parallel_loop3A_437 = arith.constant 0.462910056 : f32
        %parallel_loop3A_438 = vector.broadcast %parallel_loop3A_437 : f32 to vector<16xf32>
        %parallel_loop3A_439 = arith.mulf %parallel_loop3A_224, %parallel_loop3A_438 : vector<16xf32>
        %parallel_loop3A_440 = arith.addf %parallel_loop3A_436, %parallel_loop3A_439 : vector<16xf32>
        %parallel_loop3A_441 = arith.constant -0.534522474 : f32
        %parallel_loop3A_442 = vector.broadcast %parallel_loop3A_441 : f32 to vector<16xf32>
        %parallel_loop3A_443 = arith.mulf %parallel_loop3A_245, %parallel_loop3A_442 : vector<16xf32>
        %parallel_loop3A_444 = arith.addf %parallel_loop3A_440, %parallel_loop3A_443 : vector<16xf32>
        %parallel_loop3A_445 = arith.constant 50 : i32
        %parallel_loop3A_446 = vector.broadcast %parallel_loop3A_445 : i32 to vector<16xi32>
        %parallel_loop3A_447 = arith.addi %parallel_loop3A_34, %parallel_loop3A_446 : vector<16xi32>
        tpu.vector_store_idx %arg9[%parallel_loop3A_447], %parallel_loop3A_444 : memref<20736xf32, #tpu.memory_space<vmem>>[vector<16xi32>], vector<16xf32>,
        %parallel_loop3A_448 = arith.constant -5.000000e-01 : f32
        %parallel_loop3A_449 = vector.broadcast %parallel_loop3A_448 : f32 to vector<16xf32>
        %parallel_loop3A_450 = arith.mulf %parallel_loop3A_226, %parallel_loop3A_449 : vector<16xf32>
        %parallel_loop3A_451 = arith.constant 5.000000e-01 : f32
        %parallel_loop3A_452 = vector.broadcast %parallel_loop3A_451 : f32 to vector<16xf32>
        %parallel_loop3A_453 = arith.mulf %parallel_loop3A_227, %parallel_loop3A_452 : vector<16xf32>
        %parallel_loop3A_454 = arith.addf %parallel_loop3A_450, %parallel_loop3A_453 : vector<16xf32>
        %parallel_loop3A_455 = arith.constant -5.000000e-01 : f32
        %parallel_loop3A_456 = vector.broadcast %parallel_loop3A_455 : f32 to vector<16xf32>
        %parallel_loop3A_457 = arith.mulf %parallel_loop3A_230, %parallel_loop3A_456 : vector<16xf32>
        %parallel_loop3A_458 = arith.addf %parallel_loop3A_454, %parallel_loop3A_457 : vector<16xf32>
        %parallel_loop3A_459 = arith.constant 5.000000e-01 : f32
        %parallel_loop3A_460 = vector.broadcast %parallel_loop3A_459 : f32 to vector<16xf32>
        %parallel_loop3A_461 = arith.mulf %parallel_loop3A_231, %parallel_loop3A_460 : vector<16xf32>
        %parallel_loop3A_462 = arith.addf %parallel_loop3A_458, %parallel_loop3A_461 : vector<16xf32>
        %parallel_loop3A_463 = arith.constant 65 : i32
        %parallel_loop3A_464 = vector.broadcast %parallel_loop3A_463 : i32 to vector<16xi32>
        %parallel_loop3A_465 = arith.addi %parallel_loop3A_34, %parallel_loop3A_464 : vector<16xi32>
        tpu.vector_store_idx %arg9[%parallel_loop3A_465], %parallel_loop3A_462 : memref<20736xf32, #tpu.memory_space<vmem>>[vector<16xi32>], vector<16xf32>,
        %parallel_loop3A_466 = arith.constant -0.707106769 : f32
        %parallel_loop3A_467 = vector.broadcast %parallel_loop3A_466 : f32 to vector<16xf32>
        %parallel_loop3A_468 = arith.mulf %parallel_loop3A_244, %parallel_loop3A_467 : vector<16xf32>
        %parallel_loop3A_469 = arith.constant 0.707106769 : f32
        %parallel_loop3A_470 = vector.broadcast %parallel_loop3A_469 : f32 to vector<16xf32>
        %parallel_loop3A_471 = arith.mulf %parallel_loop3A_245, %parallel_loop3A_470 : vector<16xf32>
        %parallel_loop3A_472 = arith.addf %parallel_loop3A_468, %parallel_loop3A_471 : vector<16xf32>
        %parallel_loop3A_473 = arith.constant 66 : i32
        %parallel_loop3A_474 = vector.broadcast %parallel_loop3A_473 : i32 to vector<16xi32>
        %parallel_loop3A_475 = arith.addi %parallel_loop3A_34, %parallel_loop3A_474 : vector<16xi32>
        tpu.vector_store_idx %arg9[%parallel_loop3A_475], %parallel_loop3A_472 : memref<20736xf32, #tpu.memory_space<vmem>>[vector<16xi32>], vector<16xf32>,
        %parallel_loop3A_476 = arith.constant -0.387298346 : f32
        %parallel_loop3A_477 = vector.broadcast %parallel_loop3A_476 : f32 to vector<16xf32>
        %parallel_loop3A_478 = arith.mulf %parallel_loop3A_226, %parallel_loop3A_477 : vector<16xf32>
        %parallel_loop3A_479 = arith.constant 0.387298346 : f32
        %parallel_loop3A_480 = vector.broadcast %parallel_loop3A_479 : f32 to vector<16xf32>
        %parallel_loop3A_481 = arith.mulf %parallel_loop3A_227, %parallel_loop3A_480 : vector<16xf32>
        %parallel_loop3A_482 = arith.addf %parallel_loop3A_478, %parallel_loop3A_481 : vector<16xf32>
        %parallel_loop3A_483 = arith.constant -0.44721359 : f32
        %parallel_loop3A_484 = vector.broadcast %parallel_loop3A_483 : f32 to vector<16xf32>
        %parallel_loop3A_485 = arith.mulf %parallel_loop3A_228, %parallel_loop3A_484 : vector<16xf32>
        %parallel_loop3A_486 = arith.addf %parallel_loop3A_482, %parallel_loop3A_485 : vector<16xf32>
        %parallel_loop3A_487 = arith.constant 0.44721359 : f32
        %parallel_loop3A_488 = vector.broadcast %parallel_loop3A_487 : f32 to vector<16xf32>
        %parallel_loop3A_489 = arith.mulf %parallel_loop3A_229, %parallel_loop3A_488 : vector<16xf32>
        %parallel_loop3A_490 = arith.addf %parallel_loop3A_486, %parallel_loop3A_489 : vector<16xf32>
        %parallel_loop3A_491 = arith.constant 0.387298346 : f32
        %parallel_loop3A_492 = vector.broadcast %parallel_loop3A_491 : f32 to vector<16xf32>
        %parallel_loop3A_493 = arith.mulf %parallel_loop3A_230, %parallel_loop3A_492 : vector<16xf32>
        %parallel_loop3A_494 = arith.addf %parallel_loop3A_490, %parallel_loop3A_493 : vector<16xf32>
        %parallel_loop3A_495 = arith.constant -0.387298346 : f32
        %parallel_loop3A_496 = vector.broadcast %parallel_loop3A_495 : f32 to vector<16xf32>
        %parallel_loop3A_497 = arith.mulf %parallel_loop3A_231, %parallel_loop3A_496 : vector<16xf32>
        %parallel_loop3A_498 = arith.addf %parallel_loop3A_494, %parallel_loop3A_497 : vector<16xf32>
        %parallel_loop3A_499 = arith.constant 67 : i32
        %parallel_loop3A_500 = vector.broadcast %parallel_loop3A_499 : i32 to vector<16xi32>
        %parallel_loop3A_501 = arith.addi %parallel_loop3A_34, %parallel_loop3A_500 : vector<16xi32>
        tpu.vector_store_idx %arg9[%parallel_loop3A_501], %parallel_loop3A_498 : memref<20736xf32, #tpu.memory_space<vmem>>[vector<16xi32>], vector<16xf32>,
        %parallel_loop3A_502 = arith.constant -0.316227764 : f32
        %parallel_loop3A_503 = vector.broadcast %parallel_loop3A_502 : f32 to vector<16xf32>
        %parallel_loop3A_504 = arith.mulf %parallel_loop3A_232, %parallel_loop3A_503 : vector<16xf32>
        %parallel_loop3A_505 = arith.constant 0.632455527 : f32
        %parallel_loop3A_506 = vector.broadcast %parallel_loop3A_505 : f32 to vector<16xf32>
        %parallel_loop3A_507 = arith.mulf %parallel_loop3A_233, %parallel_loop3A_506 : vector<16xf32>
        %parallel_loop3A_508 = arith.addf %parallel_loop3A_504, %parallel_loop3A_507 : vector<16xf32>
        %parallel_loop3A_509 = arith.constant -0.632455527 : f32
        %parallel_loop3A_510 = vector.broadcast %parallel_loop3A_509 : f32 to vector<16xf32>
        %parallel_loop3A_511 = arith.mulf %parallel_loop3A_234, %parallel_loop3A_510 : vector<16xf32>
        %parallel_loop3A_512 = arith.addf %parallel_loop3A_508, %parallel_loop3A_511 : vector<16xf32>
        %parallel_loop3A_513 = arith.constant 0.316227764 : f32
        %parallel_loop3A_514 = vector.broadcast %parallel_loop3A_513 : f32 to vector<16xf32>
        %parallel_loop3A_515 = arith.mulf %parallel_loop3A_235, %parallel_loop3A_514 : vector<16xf32>
        %parallel_loop3A_516 = arith.addf %parallel_loop3A_512, %parallel_loop3A_515 : vector<16xf32>
        %parallel_loop3A_517 = arith.constant 68 : i32
        %parallel_loop3A_518 = vector.broadcast %parallel_loop3A_517 : i32 to vector<16xi32>
        %parallel_loop3A_519 = arith.addi %parallel_loop3A_34, %parallel_loop3A_518 : vector<16xi32>
        tpu.vector_store_idx %arg9[%parallel_loop3A_519], %parallel_loop3A_516 : memref<20736xf32, #tpu.memory_space<vmem>>[vector<16xi32>], vector<16xf32>,
        %parallel_loop3A_520 = arith.constant 0.387298346 : f32
        %parallel_loop3A_521 = vector.broadcast %parallel_loop3A_520 : f32 to vector<16xf32>
        %parallel_loop3A_522 = arith.mulf %parallel_loop3A_236, %parallel_loop3A_521 : vector<16xf32>
        %parallel_loop3A_523 = arith.constant -0.44721359 : f32
        %parallel_loop3A_524 = vector.broadcast %parallel_loop3A_523 : f32 to vector<16xf32>
        %parallel_loop3A_525 = arith.mulf %parallel_loop3A_237, %parallel_loop3A_524 : vector<16xf32>
        %parallel_loop3A_526 = arith.addf %parallel_loop3A_522, %parallel_loop3A_525 : vector<16xf32>
        %parallel_loop3A_527 = arith.constant 0.387298346 : f32
        %parallel_loop3A_528 = vector.broadcast %parallel_loop3A_527 : f32 to vector<16xf32>
        %parallel_loop3A_529 = arith.mulf %parallel_loop3A_238, %parallel_loop3A_528 : vector<16xf32>
        %parallel_loop3A_530 = arith.addf %parallel_loop3A_526, %parallel_loop3A_529 : vector<16xf32>
        %parallel_loop3A_531 = arith.constant 0.44721359 : f32
        %parallel_loop3A_532 = vector.broadcast %parallel_loop3A_531 : f32 to vector<16xf32>
        %parallel_loop3A_533 = arith.mulf %parallel_loop3A_239, %parallel_loop3A_532 : vector<16xf32>
        %parallel_loop3A_534 = arith.addf %parallel_loop3A_530, %parallel_loop3A_533 : vector<16xf32>
        %parallel_loop3A_535 = arith.constant -0.387298346 : f32
        %parallel_loop3A_536 = vector.broadcast %parallel_loop3A_535 : f32 to vector<16xf32>
        %parallel_loop3A_537 = arith.mulf %parallel_loop3A_240, %parallel_loop3A_536 : vector<16xf32>
        %parallel_loop3A_538 = arith.addf %parallel_loop3A_534, %parallel_loop3A_537 : vector<16xf32>
        %parallel_loop3A_539 = arith.constant -0.387298346 : f32
        %parallel_loop3A_540 = vector.broadcast %parallel_loop3A_539 : f32 to vector<16xf32>
        %parallel_loop3A_541 = arith.mulf %parallel_loop3A_241, %parallel_loop3A_540 : vector<16xf32>
        %parallel_loop3A_542 = arith.addf %parallel_loop3A_538, %parallel_loop3A_541 : vector<16xf32>
        %parallel_loop3A_543 = arith.constant 69 : i32
        %parallel_loop3A_544 = vector.broadcast %parallel_loop3A_543 : i32 to vector<16xi32>
        %parallel_loop3A_545 = arith.addi %parallel_loop3A_34, %parallel_loop3A_544 : vector<16xi32>
        tpu.vector_store_idx %arg9[%parallel_loop3A_545], %parallel_loop3A_542 : memref<20736xf32, #tpu.memory_space<vmem>>[vector<16xi32>], vector<16xf32>,
        %parallel_loop3A_546 = arith.constant -0.707106769 : f32
        %parallel_loop3A_547 = vector.broadcast %parallel_loop3A_546 : f32 to vector<16xf32>
        %parallel_loop3A_548 = arith.mulf %parallel_loop3A_242, %parallel_loop3A_547 : vector<16xf32>
        %parallel_loop3A_549 = arith.constant 0.707106769 : f32
        %parallel_loop3A_550 = vector.broadcast %parallel_loop3A_549 : f32 to vector<16xf32>
        %parallel_loop3A_551 = arith.mulf %parallel_loop3A_243, %parallel_loop3A_550 : vector<16xf32>
        %parallel_loop3A_552 = arith.addf %parallel_loop3A_548, %parallel_loop3A_551 : vector<16xf32>
        %parallel_loop3A_553 = arith.constant 70 : i32
        %parallel_loop3A_554 = vector.broadcast %parallel_loop3A_553 : i32 to vector<16xi32>
        %parallel_loop3A_555 = arith.addi %parallel_loop3A_34, %parallel_loop3A_554 : vector<16xi32>
        tpu.vector_store_idx %arg9[%parallel_loop3A_555], %parallel_loop3A_552 : memref<20736xf32, #tpu.memory_space<vmem>>[vector<16xi32>], vector<16xf32>,
        %parallel_loop3A_556 = arith.constant -5.000000e-01 : f32
        %parallel_loop3A_557 = vector.broadcast %parallel_loop3A_556 : f32 to vector<16xf32>
        %parallel_loop3A_558 = arith.mulf %parallel_loop3A_236, %parallel_loop3A_557 : vector<16xf32>
        %parallel_loop3A_559 = arith.constant 5.000000e-01 : f32
        %parallel_loop3A_560 = vector.broadcast %parallel_loop3A_559 : f32 to vector<16xf32>
        %parallel_loop3A_561 = arith.mulf %parallel_loop3A_238, %parallel_loop3A_560 : vector<16xf32>
        %parallel_loop3A_562 = arith.addf %parallel_loop3A_558, %parallel_loop3A_561 : vector<16xf32>
        %parallel_loop3A_563 = arith.constant 5.000000e-01 : f32
        %parallel_loop3A_564 = vector.broadcast %parallel_loop3A_563 : f32 to vector<16xf32>
        %parallel_loop3A_565 = arith.mulf %parallel_loop3A_240, %parallel_loop3A_564 : vector<16xf32>
        %parallel_loop3A_566 = arith.addf %parallel_loop3A_562, %parallel_loop3A_565 : vector<16xf32>
        %parallel_loop3A_567 = arith.constant -5.000000e-01 : f32
        %parallel_loop3A_568 = vector.broadcast %parallel_loop3A_567 : f32 to vector<16xf32>
        %parallel_loop3A_569 = arith.mulf %parallel_loop3A_241, %parallel_loop3A_568 : vector<16xf32>
        %parallel_loop3A_570 = arith.addf %parallel_loop3A_566, %parallel_loop3A_569 : vector<16xf32>
        %parallel_loop3A_571 = arith.constant 71 : i32
        %parallel_loop3A_572 = vector.broadcast %parallel_loop3A_571 : i32 to vector<16xi32>
        %parallel_loop3A_573 = arith.addi %parallel_loop3A_34, %parallel_loop3A_572 : vector<16xi32>
        tpu.vector_store_idx %arg9[%parallel_loop3A_573], %parallel_loop3A_570 : memref<20736xf32, #tpu.memory_space<vmem>>[vector<16xi32>], vector<16xf32>,
        %parallel_loop3A_574 = arith.constant 0.707106769 : f32
        %parallel_loop3A_575 = vector.broadcast %parallel_loop3A_574 : f32 to vector<16xf32>
        %parallel_loop3A_576 = arith.mulf %parallel_loop3A_232, %parallel_loop3A_575 : vector<16xf32>
        %parallel_loop3A_577 = arith.constant 0.707106769 : f32
        %parallel_loop3A_578 = vector.broadcast %parallel_loop3A_577 : f32 to vector<16xf32>
        %parallel_loop3A_579 = arith.mulf %parallel_loop3A_235, %parallel_loop3A_578 : vector<16xf32>
        %parallel_loop3A_580 = arith.addf %parallel_loop3A_576, %parallel_loop3A_579 : vector<16xf32>
        %parallel_loop3A_581 = arith.constant 72 : i32
        %parallel_loop3A_582 = vector.broadcast %parallel_loop3A_581 : i32 to vector<16xi32>
        %parallel_loop3A_583 = arith.addi %parallel_loop3A_34, %parallel_loop3A_582 : vector<16xi32>
        tpu.vector_store_idx %arg9[%parallel_loop3A_583], %parallel_loop3A_580 : memref<20736xf32, #tpu.memory_space<vmem>>[vector<16xi32>], vector<16xf32>,
        %parallel_loop3A_584 = arith.constant 5.000000e-01 : f32
        %parallel_loop3A_585 = vector.broadcast %parallel_loop3A_584 : f32 to vector<16xf32>
        %parallel_loop3A_586 = arith.mulf %parallel_loop3A_236, %parallel_loop3A_585 : vector<16xf32>
        %parallel_loop3A_587 = arith.constant 5.000000e-01 : f32
        %parallel_loop3A_588 = vector.broadcast %parallel_loop3A_587 : f32 to vector<16xf32>
        %parallel_loop3A_589 = arith.mulf %parallel_loop3A_238, %parallel_loop3A_588 : vector<16xf32>
        %parallel_loop3A_590 = arith.addf %parallel_loop3A_586, %parallel_loop3A_589 : vector<16xf32>
        %parallel_loop3A_591 = arith.constant 5.000000e-01 : f32
        %parallel_loop3A_592 = vector.broadcast %parallel_loop3A_591 : f32 to vector<16xf32>
        %parallel_loop3A_593 = arith.mulf %parallel_loop3A_240, %parallel_loop3A_592 : vector<16xf32>
        %parallel_loop3A_594 = arith.addf %parallel_loop3A_590, %parallel_loop3A_593 : vector<16xf32>
        %parallel_loop3A_595 = arith.constant 5.000000e-01 : f32
        %parallel_loop3A_596 = vector.broadcast %parallel_loop3A_595 : f32 to vector<16xf32>
        %parallel_loop3A_597 = arith.mulf %parallel_loop3A_241, %parallel_loop3A_596 : vector<16xf32>
        %parallel_loop3A_598 = arith.addf %parallel_loop3A_594, %parallel_loop3A_597 : vector<16xf32>
        %parallel_loop3A_599 = arith.constant 73 : i32
        %parallel_loop3A_600 = vector.broadcast %parallel_loop3A_599 : i32 to vector<16xi32>
        %parallel_loop3A_601 = arith.addi %parallel_loop3A_34, %parallel_loop3A_600 : vector<16xi32>
        tpu.vector_store_idx %arg9[%parallel_loop3A_601], %parallel_loop3A_598 : memref<20736xf32, #tpu.memory_space<vmem>>[vector<16xi32>], vector<16xf32>,
        %parallel_loop3A_602 = arith.constant 0.462910056 : f32
        %parallel_loop3A_603 = vector.broadcast %parallel_loop3A_602 : f32 to vector<16xf32>
        %parallel_loop3A_604 = arith.mulf %parallel_loop3A_242, %parallel_loop3A_603 : vector<16xf32>
        %parallel_loop3A_605 = arith.constant 0.534522474 : f32
        %parallel_loop3A_606 = vector.broadcast %parallel_loop3A_605 : f32 to vector<16xf32>
        %parallel_loop3A_607 = arith.mulf %parallel_loop3A_233, %parallel_loop3A_606 : vector<16xf32>
        %parallel_loop3A_608 = arith.addf %parallel_loop3A_604, %parallel_loop3A_607 : vector<16xf32>
        %parallel_loop3A_609 = arith.constant 0.462910056 : f32
        %parallel_loop3A_610 = vector.broadcast %parallel_loop3A_609 : f32 to vector<16xf32>
        %parallel_loop3A_611 = arith.mulf %parallel_loop3A_243, %parallel_loop3A_610 : vector<16xf32>
        %parallel_loop3A_612 = arith.addf %parallel_loop3A_608, %parallel_loop3A_611 : vector<16xf32>
        %parallel_loop3A_613 = arith.constant 0.534522474 : f32
        %parallel_loop3A_614 = vector.broadcast %parallel_loop3A_613 : f32 to vector<16xf32>
        %parallel_loop3A_615 = arith.mulf %parallel_loop3A_234, %parallel_loop3A_614 : vector<16xf32>
        %parallel_loop3A_616 = arith.addf %parallel_loop3A_612, %parallel_loop3A_615 : vector<16xf32>
        %parallel_loop3A_617 = arith.constant 74 : i32
        %parallel_loop3A_618 = vector.broadcast %parallel_loop3A_617 : i32 to vector<16xi32>
        %parallel_loop3A_619 = arith.addi %parallel_loop3A_34, %parallel_loop3A_618 : vector<16xi32>
        tpu.vector_store_idx %arg9[%parallel_loop3A_619], %parallel_loop3A_616 : memref<20736xf32, #tpu.memory_space<vmem>>[vector<16xi32>], vector<16xf32>,
        %parallel_loop3A_620 = arith.constant -0.188982233 : f32
        %parallel_loop3A_621 = vector.broadcast %parallel_loop3A_620 : f32 to vector<16xf32>
        %parallel_loop3A_622 = arith.mulf %parallel_loop3A_236, %parallel_loop3A_621 : vector<16xf32>
        %parallel_loop3A_623 = arith.constant 0.654653668 : f32
        %parallel_loop3A_624 = vector.broadcast %parallel_loop3A_623 : f32 to vector<16xf32>
        %parallel_loop3A_625 = arith.mulf %parallel_loop3A_237, %parallel_loop3A_624 : vector<16xf32>
        %parallel_loop3A_626 = arith.addf %parallel_loop3A_622, %parallel_loop3A_625 : vector<16xf32>
        %parallel_loop3A_627 = arith.constant 0.188982233 : f32
        %parallel_loop3A_628 = vector.broadcast %parallel_loop3A_627 : f32 to vector<16xf32>
        %parallel_loop3A_629 = arith.mulf %parallel_loop3A_238, %parallel_loop3A_628 : vector<16xf32>
        %parallel_loop3A_630 = arith.addf %parallel_loop3A_626, %parallel_loop3A_629 : vector<16xf32>
        %parallel_loop3A_631 = arith.constant 0.654653668 : f32
        %parallel_loop3A_632 = vector.broadcast %parallel_loop3A_631 : f32 to vector<16xf32>
        %parallel_loop3A_633 = arith.mulf %parallel_loop3A_239, %parallel_loop3A_632 : vector<16xf32>
        %parallel_loop3A_634 = arith.addf %parallel_loop3A_630, %parallel_loop3A_633 : vector<16xf32>
        %parallel_loop3A_635 = arith.constant -0.188982233 : f32
        %parallel_loop3A_636 = vector.broadcast %parallel_loop3A_635 : f32 to vector<16xf32>
        %parallel_loop3A_637 = arith.mulf %parallel_loop3A_240, %parallel_loop3A_636 : vector<16xf32>
        %parallel_loop3A_638 = arith.addf %parallel_loop3A_634, %parallel_loop3A_637 : vector<16xf32>
        %parallel_loop3A_639 = arith.constant 0.188982233 : f32
        %parallel_loop3A_640 = vector.broadcast %parallel_loop3A_639 : f32 to vector<16xf32>
        %parallel_loop3A_641 = arith.mulf %parallel_loop3A_241, %parallel_loop3A_640 : vector<16xf32>
        %parallel_loop3A_642 = arith.addf %parallel_loop3A_638, %parallel_loop3A_641 : vector<16xf32>
        %parallel_loop3A_643 = arith.constant 75 : i32
        %parallel_loop3A_644 = vector.broadcast %parallel_loop3A_643 : i32 to vector<16xi32>
        %parallel_loop3A_645 = arith.addi %parallel_loop3A_34, %parallel_loop3A_644 : vector<16xi32>
        tpu.vector_store_idx %arg9[%parallel_loop3A_645], %parallel_loop3A_642 : memref<20736xf32, #tpu.memory_space<vmem>>[vector<16xi32>], vector<16xf32>,
        %parallel_loop3A_646 = arith.constant 0.119522862 : f32
        %parallel_loop3A_647 = vector.broadcast %parallel_loop3A_646 : f32 to vector<16xf32>
        %parallel_loop3A_648 = arith.mulf %parallel_loop3A_221, %parallel_loop3A_647 : vector<16xf32>
        %parallel_loop3A_649 = arith.constant -0.478091449 : f32
        %parallel_loop3A_650 = vector.broadcast %parallel_loop3A_649 : f32 to vector<16xf32>
        %parallel_loop3A_651 = arith.mulf %parallel_loop3A_222, %parallel_loop3A_650 : vector<16xf32>
        %parallel_loop3A_652 = arith.addf %parallel_loop3A_648, %parallel_loop3A_651 : vector<16xf32>
        %parallel_loop3A_653 = arith.constant 0.717137157 : f32
        %parallel_loop3A_654 = vector.broadcast %parallel_loop3A_653 : f32 to vector<16xf32>
        %parallel_loop3A_655 = arith.mulf %parallel_loop3A_223, %parallel_loop3A_654 : vector<16xf32>
        %parallel_loop3A_656 = arith.addf %parallel_loop3A_652, %parallel_loop3A_655 : vector<16xf32>
        %parallel_loop3A_657 = arith.constant -0.478091449 : f32
        %parallel_loop3A_658 = vector.broadcast %parallel_loop3A_657 : f32 to vector<16xf32>
        %parallel_loop3A_659 = arith.mulf %parallel_loop3A_224, %parallel_loop3A_658 : vector<16xf32>
        %parallel_loop3A_660 = arith.addf %parallel_loop3A_656, %parallel_loop3A_659 : vector<16xf32>
        %parallel_loop3A_661 = arith.constant 0.119522862 : f32
        %parallel_loop3A_662 = vector.broadcast %parallel_loop3A_661 : f32 to vector<16xf32>
        %parallel_loop3A_663 = arith.mulf %parallel_loop3A_225, %parallel_loop3A_662 : vector<16xf32>
        %parallel_loop3A_664 = arith.addf %parallel_loop3A_660, %parallel_loop3A_663 : vector<16xf32>
        %parallel_loop3A_665 = arith.constant 76 : i32
        %parallel_loop3A_666 = vector.broadcast %parallel_loop3A_665 : i32 to vector<16xi32>
        %parallel_loop3A_667 = arith.addi %parallel_loop3A_34, %parallel_loop3A_666 : vector<16xi32>
        tpu.vector_store_idx %arg9[%parallel_loop3A_667], %parallel_loop3A_664 : memref<20736xf32, #tpu.memory_space<vmem>>[vector<16xi32>], vector<16xf32>,
        %parallel_loop3A_668 = arith.constant -0.188982233 : f32
        %parallel_loop3A_669 = vector.broadcast %parallel_loop3A_668 : f32 to vector<16xf32>
        %parallel_loop3A_670 = arith.mulf %parallel_loop3A_226, %parallel_loop3A_669 : vector<16xf32>
        %parallel_loop3A_671 = arith.constant -0.188982233 : f32
        %parallel_loop3A_672 = vector.broadcast %parallel_loop3A_671 : f32 to vector<16xf32>
        %parallel_loop3A_673 = arith.mulf %parallel_loop3A_227, %parallel_loop3A_672 : vector<16xf32>
        %parallel_loop3A_674 = arith.addf %parallel_loop3A_670, %parallel_loop3A_673 : vector<16xf32>
        %parallel_loop3A_675 = arith.constant 0.654653668 : f32
        %parallel_loop3A_676 = vector.broadcast %parallel_loop3A_675 : f32 to vector<16xf32>
        %parallel_loop3A_677 = arith.mulf %parallel_loop3A_228, %parallel_loop3A_676 : vector<16xf32>
        %parallel_loop3A_678 = arith.addf %parallel_loop3A_674, %parallel_loop3A_677 : vector<16xf32>
        %parallel_loop3A_679 = arith.constant 0.654653668 : f32
        %parallel_loop3A_680 = vector.broadcast %parallel_loop3A_679 : f32 to vector<16xf32>
        %parallel_loop3A_681 = arith.mulf %parallel_loop3A_229, %parallel_loop3A_680 : vector<16xf32>
        %parallel_loop3A_682 = arith.addf %parallel_loop3A_678, %parallel_loop3A_681 : vector<16xf32>
        %parallel_loop3A_683 = arith.constant -0.188982233 : f32
        %parallel_loop3A_684 = vector.broadcast %parallel_loop3A_683 : f32 to vector<16xf32>
        %parallel_loop3A_685 = arith.mulf %parallel_loop3A_230, %parallel_loop3A_684 : vector<16xf32>
        %parallel_loop3A_686 = arith.addf %parallel_loop3A_682, %parallel_loop3A_685 : vector<16xf32>
        %parallel_loop3A_687 = arith.constant -0.188982233 : f32
        %parallel_loop3A_688 = vector.broadcast %parallel_loop3A_687 : f32 to vector<16xf32>
        %parallel_loop3A_689 = arith.mulf %parallel_loop3A_231, %parallel_loop3A_688 : vector<16xf32>
        %parallel_loop3A_690 = arith.addf %parallel_loop3A_686, %parallel_loop3A_689 : vector<16xf32>
        %parallel_loop3A_691 = arith.constant 77 : i32
        %parallel_loop3A_692 = vector.broadcast %parallel_loop3A_691 : i32 to vector<16xi32>
        %parallel_loop3A_693 = arith.addi %parallel_loop3A_34, %parallel_loop3A_692 : vector<16xi32>
        tpu.vector_store_idx %arg9[%parallel_loop3A_693], %parallel_loop3A_690 : memref<20736xf32, #tpu.memory_space<vmem>>[vector<16xi32>], vector<16xf32>,
        %parallel_loop3A_694 = arith.constant -0.534522474 : f32
        %parallel_loop3A_695 = vector.broadcast %parallel_loop3A_694 : f32 to vector<16xf32>
        %parallel_loop3A_696 = arith.mulf %parallel_loop3A_222, %parallel_loop3A_695 : vector<16xf32>
        %parallel_loop3A_697 = arith.constant 0.462910056 : f32
        %parallel_loop3A_698 = vector.broadcast %parallel_loop3A_697 : f32 to vector<16xf32>
        %parallel_loop3A_699 = arith.mulf %parallel_loop3A_244, %parallel_loop3A_698 : vector<16xf32>
        %parallel_loop3A_700 = arith.addf %parallel_loop3A_696, %parallel_loop3A_699 : vector<16xf32>
        %parallel_loop3A_701 = arith.constant 0.534522474 : f32
        %parallel_loop3A_702 = vector.broadcast %parallel_loop3A_701 : f32 to vector<16xf32>
        %parallel_loop3A_703 = arith.mulf %parallel_loop3A_224, %parallel_loop3A_702 : vector<16xf32>
        %parallel_loop3A_704 = arith.addf %parallel_loop3A_700, %parallel_loop3A_703 : vector<16xf32>
        %parallel_loop3A_705 = arith.constant 0.462910056 : f32
        %parallel_loop3A_706 = vector.broadcast %parallel_loop3A_705 : f32 to vector<16xf32>
        %parallel_loop3A_707 = arith.mulf %parallel_loop3A_245, %parallel_loop3A_706 : vector<16xf32>
        %parallel_loop3A_708 = arith.addf %parallel_loop3A_704, %parallel_loop3A_707 : vector<16xf32>
        %parallel_loop3A_709 = arith.constant 78 : i32
        %parallel_loop3A_710 = vector.broadcast %parallel_loop3A_709 : i32 to vector<16xi32>
        %parallel_loop3A_711 = arith.addi %parallel_loop3A_34, %parallel_loop3A_710 : vector<16xi32>
        tpu.vector_store_idx %arg9[%parallel_loop3A_711], %parallel_loop3A_708 : memref<20736xf32, #tpu.memory_space<vmem>>[vector<16xi32>], vector<16xf32>,
        %parallel_loop3A_712 = arith.constant -5.000000e-01 : f32
        %parallel_loop3A_713 = vector.broadcast %parallel_loop3A_712 : f32 to vector<16xf32>
        %parallel_loop3A_714 = arith.mulf %parallel_loop3A_226, %parallel_loop3A_713 : vector<16xf32>
        %parallel_loop3A_715 = arith.constant -5.000000e-01 : f32
        %parallel_loop3A_716 = vector.broadcast %parallel_loop3A_715 : f32 to vector<16xf32>
        %parallel_loop3A_717 = arith.mulf %parallel_loop3A_227, %parallel_loop3A_716 : vector<16xf32>
        %parallel_loop3A_718 = arith.addf %parallel_loop3A_714, %parallel_loop3A_717 : vector<16xf32>
        %parallel_loop3A_719 = arith.constant 5.000000e-01 : f32
        %parallel_loop3A_720 = vector.broadcast %parallel_loop3A_719 : f32 to vector<16xf32>
        %parallel_loop3A_721 = arith.mulf %parallel_loop3A_230, %parallel_loop3A_720 : vector<16xf32>
        %parallel_loop3A_722 = arith.addf %parallel_loop3A_718, %parallel_loop3A_721 : vector<16xf32>
        %parallel_loop3A_723 = arith.constant 5.000000e-01 : f32
        %parallel_loop3A_724 = vector.broadcast %parallel_loop3A_723 : f32 to vector<16xf32>
        %parallel_loop3A_725 = arith.mulf %parallel_loop3A_231, %parallel_loop3A_724 : vector<16xf32>
        %parallel_loop3A_726 = arith.addf %parallel_loop3A_722, %parallel_loop3A_725 : vector<16xf32>
        %parallel_loop3A_727 = arith.constant 79 : i32
        %parallel_loop3A_728 = vector.broadcast %parallel_loop3A_727 : i32 to vector<16xi32>
        %parallel_loop3A_729 = arith.addi %parallel_loop3A_34, %parallel_loop3A_728 : vector<16xi32>
        tpu.vector_store_idx %arg9[%parallel_loop3A_729], %parallel_loop3A_726 : memref<20736xf32, #tpu.memory_space<vmem>>[vector<16xi32>], vector<16xf32>,
        %parallel_loop3A_730 = arith.constant -0.707106769 : f32
        %parallel_loop3A_731 = vector.broadcast %parallel_loop3A_730 : f32 to vector<16xf32>
        %parallel_loop3A_732 = arith.mulf %parallel_loop3A_221, %parallel_loop3A_731 : vector<16xf32>
        %parallel_loop3A_733 = arith.constant 0.707106769 : f32
        %parallel_loop3A_734 = vector.broadcast %parallel_loop3A_733 : f32 to vector<16xf32>
        %parallel_loop3A_735 = arith.mulf %parallel_loop3A_225, %parallel_loop3A_734 : vector<16xf32>
        %parallel_loop3A_736 = arith.addf %parallel_loop3A_732, %parallel_loop3A_735 : vector<16xf32>
        %parallel_loop3A_737 = arith.constant 80 : i32
        %parallel_loop3A_738 = vector.broadcast %parallel_loop3A_737 : i32 to vector<16xi32>
        %parallel_loop3A_739 = arith.addi %parallel_loop3A_34, %parallel_loop3A_738 : vector<16xi32>
        tpu.vector_store_idx %arg9[%parallel_loop3A_739], %parallel_loop3A_736 : memref<20736xf32, #tpu.memory_space<vmem>>[vector<16xi32>], vector<16xf32>,
        %parallel_loop3A_740 = arith.mulf %parallel_loop3A_38, %parallel_loop3A_78 : vector<16xf32>
        %parallel_loop3A_741 = arith.mulf %parallel_loop3A_38, %parallel_loop3A_82 : vector<16xf32>
        %parallel_loop3A_742 = arith.mulf %parallel_loop3A_38, %parallel_loop3A_86 : vector<16xf32>
        %parallel_loop3A_743 = arith.constant 1.000000e+00 : f32
        %parallel_loop3A_744 = vector.broadcast %parallel_loop3A_743 : f32 to vector<16xf32>
        %parallel_loop3A_745 = arith.mulf %parallel_loop3A_740, %parallel_loop3A_744 : vector<16xf32>
        %parallel_loop3A_746 = arith.constant 3 : i32
        %parallel_loop3A_747 = vector.broadcast %parallel_loop3A_746 : i32 to vector<16xi32>
        %parallel_loop3A_748 = arith.addi %parallel_loop3A_34, %parallel_loop3A_747 : vector<16xi32>
        tpu.vector_store_idx %arg9[%parallel_loop3A_748], %parallel_loop3A_745 : memref<20736xf32, #tpu.memory_space<vmem>>[vector<16xi32>], vector<16xf32>,
        %parallel_loop3A_749 = arith.constant 1.000000e+00 : f32
        %parallel_loop3A_750 = vector.broadcast %parallel_loop3A_749 : f32 to vector<16xf32>
        %parallel_loop3A_751 = arith.mulf %parallel_loop3A_741, %parallel_loop3A_750 : vector<16xf32>
        %parallel_loop3A_752 = arith.constant 4 : i32
        %parallel_loop3A_753 = vector.broadcast %parallel_loop3A_752 : i32 to vector<16xi32>
        %parallel_loop3A_754 = arith.addi %parallel_loop3A_34, %parallel_loop3A_753 : vector<16xi32>
        tpu.vector_store_idx %arg9[%parallel_loop3A_754], %parallel_loop3A_751 : memref<20736xf32, #tpu.memory_space<vmem>>[vector<16xi32>], vector<16xf32>,
        %parallel_loop3A_755 = arith.constant 1.000000e+00 : f32
        %parallel_loop3A_756 = vector.broadcast %parallel_loop3A_755 : f32 to vector<16xf32>
        %parallel_loop3A_757 = arith.mulf %parallel_loop3A_742, %parallel_loop3A_756 : vector<16xf32>
        %parallel_loop3A_758 = arith.constant 5 : i32
        %parallel_loop3A_759 = vector.broadcast %parallel_loop3A_758 : i32 to vector<16xi32>
        %parallel_loop3A_760 = arith.addi %parallel_loop3A_34, %parallel_loop3A_759 : vector<16xi32>
        tpu.vector_store_idx %arg9[%parallel_loop3A_760], %parallel_loop3A_757 : memref<20736xf32, #tpu.memory_space<vmem>>[vector<16xi32>], vector<16xf32>,
        %parallel_loop3A_761 = arith.mulf %parallel_loop3A_42, %parallel_loop3A_74 : vector<16xf32>
        %parallel_loop3A_762 = arith.mulf %parallel_loop3A_46, %parallel_loop3A_74 : vector<16xf32>
        %parallel_loop3A_763 = arith.mulf %parallel_loop3A_50, %parallel_loop3A_74 : vector<16xf32>
        %parallel_loop3A_764 = arith.constant 1.000000e+00 : f32
        %parallel_loop3A_765 = vector.broadcast %parallel_loop3A_764 : f32 to vector<16xf32>
        %parallel_loop3A_766 = arith.mulf %parallel_loop3A_761, %parallel_loop3A_765 : vector<16xf32>
        %parallel_loop3A_767 = arith.constant 6 : i32
        %parallel_loop3A_768 = vector.broadcast %parallel_loop3A_767 : i32 to vector<16xi32>
        %parallel_loop3A_769 = arith.addi %parallel_loop3A_34, %parallel_loop3A_768 : vector<16xi32>
        tpu.vector_store_idx %arg9[%parallel_loop3A_769], %parallel_loop3A_766 : memref<20736xf32, #tpu.memory_space<vmem>>[vector<16xi32>], vector<16xf32>,
        %parallel_loop3A_770 = arith.constant 1.000000e+00 : f32
        %parallel_loop3A_771 = vector.broadcast %parallel_loop3A_770 : f32 to vector<16xf32>
        %parallel_loop3A_772 = arith.mulf %parallel_loop3A_762, %parallel_loop3A_771 : vector<16xf32>
        %parallel_loop3A_773 = arith.constant 7 : i32
        %parallel_loop3A_774 = vector.broadcast %parallel_loop3A_773 : i32 to vector<16xi32>
        %parallel_loop3A_775 = arith.addi %parallel_loop3A_34, %parallel_loop3A_774 : vector<16xi32>
        tpu.vector_store_idx %arg9[%parallel_loop3A_775], %parallel_loop3A_772 : memref<20736xf32, #tpu.memory_space<vmem>>[vector<16xi32>], vector<16xf32>,
        %parallel_loop3A_776 = arith.constant 1.000000e+00 : f32
        %parallel_loop3A_777 = vector.broadcast %parallel_loop3A_776 : f32 to vector<16xf32>
        %parallel_loop3A_778 = arith.mulf %parallel_loop3A_763, %parallel_loop3A_777 : vector<16xf32>
        %parallel_loop3A_779 = arith.constant 8 : i32
        %parallel_loop3A_780 = vector.broadcast %parallel_loop3A_779 : i32 to vector<16xi32>
        %parallel_loop3A_781 = arith.addi %parallel_loop3A_34, %parallel_loop3A_780 : vector<16xi32>
        tpu.vector_store_idx %arg9[%parallel_loop3A_781], %parallel_loop3A_778 : memref<20736xf32, #tpu.memory_space<vmem>>[vector<16xi32>], vector<16xf32>,
        %parallel_loop3A_782 = arith.mulf %parallel_loop3A_50, %parallel_loop3A_90 : vector<16xf32>
        %parallel_loop3A_783 = arith.mulf %parallel_loop3A_46, %parallel_loop3A_94 : vector<16xf32>
        %parallel_loop3A_784 = arith.mulf %parallel_loop3A_42, %parallel_loop3A_98 : vector<16xf32>
        %parallel_loop3A_785 = arith.mulf %parallel_loop3A_42, %parallel_loop3A_106 : vector<16xf32>
        %parallel_loop3A_786 = arith.mulf %parallel_loop3A_42, %parallel_loop3A_94 : vector<16xf32>
        %parallel_loop3A_787 = arith.mulf %parallel_loop3A_46, %parallel_loop3A_98 : vector<16xf32>
        %parallel_loop3A_788 = arith.mulf %parallel_loop3A_50, %parallel_loop3A_102 : vector<16xf32>
        %parallel_loop3A_789 = arith.mulf %parallel_loop3A_42, %parallel_loop3A_90 : vector<16xf32>
        %parallel_loop3A_790 = arith.mulf %parallel_loop3A_50, %parallel_loop3A_98 : vector<16xf32>
        %parallel_loop3A_791 = arith.mulf %parallel_loop3A_46, %parallel_loop3A_102 : vector<16xf32>
        %parallel_loop3A_792 = arith.mulf %parallel_loop3A_50, %parallel_loop3A_106 : vector<16xf32>
        %parallel_loop3A_793 = arith.mulf %parallel_loop3A_46, %parallel_loop3A_106 : vector<16xf32>
        %parallel_loop3A_794 = arith.mulf %parallel_loop3A_50, %parallel_loop3A_94 : vector<16xf32>
        %parallel_loop3A_795 = arith.mulf %parallel_loop3A_42, %parallel_loop3A_102 : vector<16xf32>
        %parallel_loop3A_796 = arith.mulf %parallel_loop3A_46, %parallel_loop3A_90 : vector<16xf32>
        %parallel_loop3A_797 = arith.constant 0.547722578 : f32
        %parallel_loop3A_798 = vector.broadcast %parallel_loop3A_797 : f32 to vector<16xf32>
        %parallel_loop3A_799 = arith.mulf %parallel_loop3A_782, %parallel_loop3A_798 : vector<16xf32>
        %parallel_loop3A_800 = arith.constant 0.547722578 : f32
        %parallel_loop3A_801 = vector.broadcast %parallel_loop3A_800 : f32 to vector<16xf32>
        %parallel_loop3A_802 = arith.mulf %parallel_loop3A_783, %parallel_loop3A_801 : vector<16xf32>
        %parallel_loop3A_803 = arith.addf %parallel_loop3A_799, %parallel_loop3A_802 : vector<16xf32>
        %parallel_loop3A_804 = arith.constant -0.316227764 : f32
        %parallel_loop3A_805 = vector.broadcast %parallel_loop3A_804 : f32 to vector<16xf32>
        %parallel_loop3A_806 = arith.mulf %parallel_loop3A_784, %parallel_loop3A_805 : vector<16xf32>
        %parallel_loop3A_807 = arith.addf %parallel_loop3A_803, %parallel_loop3A_806 : vector<16xf32>
        %parallel_loop3A_808 = arith.constant -0.547722578 : f32
        %parallel_loop3A_809 = vector.broadcast %parallel_loop3A_808 : f32 to vector<16xf32>
        %parallel_loop3A_810 = arith.mulf %parallel_loop3A_785, %parallel_loop3A_809 : vector<16xf32>
        %parallel_loop3A_811 = arith.addf %parallel_loop3A_807, %parallel_loop3A_810 : vector<16xf32>
        %parallel_loop3A_812 = arith.constant 12 : i32
        %parallel_loop3A_813 = vector.broadcast %parallel_loop3A_812 : i32 to vector<16xi32>
        %parallel_loop3A_814 = arith.addi %parallel_loop3A_34, %parallel_loop3A_813 : vector<16xi32>
        tpu.vector_store_idx %arg9[%parallel_loop3A_814], %parallel_loop3A_811 : memref<20736xf32, #tpu.memory_space<vmem>>[vector<16xi32>], vector<16xf32>,
        %parallel_loop3A_815 = arith.constant 0.547722578 : f32
        %parallel_loop3A_816 = vector.broadcast %parallel_loop3A_815 : f32 to vector<16xf32>
        %parallel_loop3A_817 = arith.mulf %parallel_loop3A_786, %parallel_loop3A_816 : vector<16xf32>
        %parallel_loop3A_818 = arith.constant 0.632455527 : f32
        %parallel_loop3A_819 = vector.broadcast %parallel_loop3A_818 : f32 to vector<16xf32>
        %parallel_loop3A_820 = arith.mulf %parallel_loop3A_787, %parallel_loop3A_819 : vector<16xf32>
        %parallel_loop3A_821 = arith.addf %parallel_loop3A_817, %parallel_loop3A_820 : vector<16xf32>
        %parallel_loop3A_822 = arith.constant 0.547722578 : f32
        %parallel_loop3A_823 = vector.broadcast %parallel_loop3A_822 : f32 to vector<16xf32>
        %parallel_loop3A_824 = arith.mulf %parallel_loop3A_788, %parallel_loop3A_823 : vector<16xf32>
        %parallel_loop3A_825 = arith.addf %parallel_loop3A_821, %parallel_loop3A_824 : vector<16xf32>
        %parallel_loop3A_826 = arith.constant 13 : i32
        %parallel_loop3A_827 = vector.broadcast %parallel_loop3A_826 : i32 to vector<16xi32>
        %parallel_loop3A_828 = arith.addi %parallel_loop3A_34, %parallel_loop3A_827 : vector<16xi32>
        tpu.vector_store_idx %arg9[%parallel_loop3A_828], %parallel_loop3A_825 : memref<20736xf32, #tpu.memory_space<vmem>>[vector<16xi32>], vector<16xf32>,
        %parallel_loop3A_829 = arith.constant 0.547722578 : f32
        %parallel_loop3A_830 = vector.broadcast %parallel_loop3A_829 : f32 to vector<16xf32>
        %parallel_loop3A_831 = arith.mulf %parallel_loop3A_789, %parallel_loop3A_830 : vector<16xf32>
        %parallel_loop3A_832 = arith.constant -0.316227764 : f32
        %parallel_loop3A_833 = vector.broadcast %parallel_loop3A_832 : f32 to vector<16xf32>
        %parallel_loop3A_834 = arith.mulf %parallel_loop3A_790, %parallel_loop3A_833 : vector<16xf32>
        %parallel_loop3A_835 = arith.addf %parallel_loop3A_831, %parallel_loop3A_834 : vector<16xf32>
        %parallel_loop3A_836 = arith.constant 0.547722578 : f32
        %parallel_loop3A_837 = vector.broadcast %parallel_loop3A_836 : f32 to vector<16xf32>
        %parallel_loop3A_838 = arith.mulf %parallel_loop3A_791, %parallel_loop3A_837 : vector<16xf32>
        %parallel_loop3A_839 = arith.addf %parallel_loop3A_835, %parallel_loop3A_838 : vector<16xf32>
        %parallel_loop3A_840 = arith.constant 0.547722578 : f32
        %parallel_loop3A_841 = vector.broadcast %parallel_loop3A_840 : f32 to vector<16xf32>
        %parallel_loop3A_842 = arith.mulf %parallel_loop3A_792, %parallel_loop3A_841 : vector<16xf32>
        %parallel_loop3A_843 = arith.addf %parallel_loop3A_839, %parallel_loop3A_842 : vector<16xf32>
        %parallel_loop3A_844 = arith.constant 14 : i32
        %parallel_loop3A_845 = vector.broadcast %parallel_loop3A_844 : i32 to vector<16xi32>
        %parallel_loop3A_846 = arith.addi %parallel_loop3A_34, %parallel_loop3A_845 : vector<16xi32>
        tpu.vector_store_idx %arg9[%parallel_loop3A_846], %parallel_loop3A_843 : memref<20736xf32, #tpu.memory_space<vmem>>[vector<16xi32>], vector<16xf32>,
        %parallel_loop3A_847 = arith.constant 0.408248305 : f32
        %parallel_loop3A_848 = vector.broadcast %parallel_loop3A_847 : f32 to vector<16xf32>
        %parallel_loop3A_849 = arith.mulf %parallel_loop3A_786, %parallel_loop3A_848 : vector<16xf32>
        %parallel_loop3A_850 = arith.constant -0.408248305 : f32
        %parallel_loop3A_851 = vector.broadcast %parallel_loop3A_850 : f32 to vector<16xf32>
        %parallel_loop3A_852 = arith.mulf %parallel_loop3A_788, %parallel_loop3A_851 : vector<16xf32>
        %parallel_loop3A_853 = arith.addf %parallel_loop3A_849, %parallel_loop3A_852 : vector<16xf32>
        %parallel_loop3A_854 = arith.constant 0.816496611 : f32
        %parallel_loop3A_855 = vector.broadcast %parallel_loop3A_854 : f32 to vector<16xf32>
        %parallel_loop3A_856 = arith.mulf %parallel_loop3A_793, %parallel_loop3A_855 : vector<16xf32>
        %parallel_loop3A_857 = arith.addf %parallel_loop3A_853, %parallel_loop3A_856 : vector<16xf32>
        %parallel_loop3A_858 = arith.constant 31 : i32
        %parallel_loop3A_859 = vector.broadcast %parallel_loop3A_858 : i32 to vector<16xi32>
        %parallel_loop3A_860 = arith.addi %parallel_loop3A_34, %parallel_loop3A_859 : vector<16xi32>
        tpu.vector_store_idx %arg9[%parallel_loop3A_860], %parallel_loop3A_857 : memref<20736xf32, #tpu.memory_space<vmem>>[vector<16xi32>], vector<16xf32>,
        %parallel_loop3A_861 = arith.constant -0.408248305 : f32
        %parallel_loop3A_862 = vector.broadcast %parallel_loop3A_861 : f32 to vector<16xf32>
        %parallel_loop3A_863 = arith.mulf %parallel_loop3A_789, %parallel_loop3A_862 : vector<16xf32>
        %parallel_loop3A_864 = arith.constant -0.707106769 : f32
        %parallel_loop3A_865 = vector.broadcast %parallel_loop3A_864 : f32 to vector<16xf32>
        %parallel_loop3A_866 = arith.mulf %parallel_loop3A_790, %parallel_loop3A_865 : vector<16xf32>
        %parallel_loop3A_867 = arith.addf %parallel_loop3A_863, %parallel_loop3A_866 : vector<16xf32>
        %parallel_loop3A_868 = arith.constant 0.408248305 : f32
        %parallel_loop3A_869 = vector.broadcast %parallel_loop3A_868 : f32 to vector<16xf32>
        %parallel_loop3A_870 = arith.mulf %parallel_loop3A_791, %parallel_loop3A_869 : vector<16xf32>
        %parallel_loop3A_871 = arith.addf %parallel_loop3A_867, %parallel_loop3A_870 : vector<16xf32>
        %parallel_loop3A_872 = arith.constant -0.408248305 : f32
        %parallel_loop3A_873 = vector.broadcast %parallel_loop3A_872 : f32 to vector<16xf32>
        %parallel_loop3A_874 = arith.mulf %parallel_loop3A_792, %parallel_loop3A_873 : vector<16xf32>
        %parallel_loop3A_875 = arith.addf %parallel_loop3A_871, %parallel_loop3A_874 : vector<16xf32>
        %parallel_loop3A_876 = arith.constant 32 : i32
        %parallel_loop3A_877 = vector.broadcast %parallel_loop3A_876 : i32 to vector<16xi32>
        %parallel_loop3A_878 = arith.addi %parallel_loop3A_34, %parallel_loop3A_877 : vector<16xi32>
        tpu.vector_store_idx %arg9[%parallel_loop3A_878], %parallel_loop3A_875 : memref<20736xf32, #tpu.memory_space<vmem>>[vector<16xi32>], vector<16xf32>,
        %parallel_loop3A_879 = arith.constant 0.707106769 : f32
        %parallel_loop3A_880 = vector.broadcast %parallel_loop3A_879 : f32 to vector<16xf32>
        %parallel_loop3A_881 = arith.mulf %parallel_loop3A_794, %parallel_loop3A_880 : vector<16xf32>
        %parallel_loop3A_882 = arith.constant -0.707106769 : f32
        %parallel_loop3A_883 = vector.broadcast %parallel_loop3A_882 : f32 to vector<16xf32>
        %parallel_loop3A_884 = arith.mulf %parallel_loop3A_795, %parallel_loop3A_883 : vector<16xf32>
        %parallel_loop3A_885 = arith.addf %parallel_loop3A_881, %parallel_loop3A_884 : vector<16xf32>
        %parallel_loop3A_886 = arith.constant 33 : i32
        %parallel_loop3A_887 = vector.broadcast %parallel_loop3A_886 : i32 to vector<16xi32>
        %parallel_loop3A_888 = arith.addi %parallel_loop3A_34, %parallel_loop3A_887 : vector<16xi32>
        tpu.vector_store_idx %arg9[%parallel_loop3A_888], %parallel_loop3A_885 : memref<20736xf32, #tpu.memory_space<vmem>>[vector<16xi32>], vector<16xf32>,
        %parallel_loop3A_889 = arith.constant 0.408248305 : f32
        %parallel_loop3A_890 = vector.broadcast %parallel_loop3A_889 : f32 to vector<16xf32>
        %parallel_loop3A_891 = arith.mulf %parallel_loop3A_782, %parallel_loop3A_890 : vector<16xf32>
        %parallel_loop3A_892 = arith.constant -0.408248305 : f32
        %parallel_loop3A_893 = vector.broadcast %parallel_loop3A_892 : f32 to vector<16xf32>
        %parallel_loop3A_894 = arith.mulf %parallel_loop3A_783, %parallel_loop3A_893 : vector<16xf32>
        %parallel_loop3A_895 = arith.addf %parallel_loop3A_891, %parallel_loop3A_894 : vector<16xf32>
        %parallel_loop3A_896 = arith.constant 0.707106769 : f32
        %parallel_loop3A_897 = vector.broadcast %parallel_loop3A_896 : f32 to vector<16xf32>
        %parallel_loop3A_898 = arith.mulf %parallel_loop3A_784, %parallel_loop3A_897 : vector<16xf32>
        %parallel_loop3A_899 = arith.addf %parallel_loop3A_895, %parallel_loop3A_898 : vector<16xf32>
        %parallel_loop3A_900 = arith.constant -0.408248305 : f32
        %parallel_loop3A_901 = vector.broadcast %parallel_loop3A_900 : f32 to vector<16xf32>
        %parallel_loop3A_902 = arith.mulf %parallel_loop3A_785, %parallel_loop3A_901 : vector<16xf32>
        %parallel_loop3A_903 = arith.addf %parallel_loop3A_899, %parallel_loop3A_902 : vector<16xf32>
        %parallel_loop3A_904 = arith.constant 34 : i32
        %parallel_loop3A_905 = vector.broadcast %parallel_loop3A_904 : i32 to vector<16xi32>
        %parallel_loop3A_906 = arith.addi %parallel_loop3A_34, %parallel_loop3A_905 : vector<16xi32>
        tpu.vector_store_idx %arg9[%parallel_loop3A_906], %parallel_loop3A_903 : memref<20736xf32, #tpu.memory_space<vmem>>[vector<16xi32>], vector<16xf32>,
        %parallel_loop3A_907 = arith.constant -0.816496611 : f32
        %parallel_loop3A_908 = vector.broadcast %parallel_loop3A_907 : f32 to vector<16xf32>
        %parallel_loop3A_909 = arith.mulf %parallel_loop3A_796, %parallel_loop3A_908 : vector<16xf32>
        %parallel_loop3A_910 = arith.constant 0.408248305 : f32
        %parallel_loop3A_911 = vector.broadcast %parallel_loop3A_910 : f32 to vector<16xf32>
        %parallel_loop3A_912 = arith.mulf %parallel_loop3A_794, %parallel_loop3A_911 : vector<16xf32>
        %parallel_loop3A_913 = arith.addf %parallel_loop3A_909, %parallel_loop3A_912 : vector<16xf32>
        %parallel_loop3A_914 = arith.constant 0.408248305 : f32
        %parallel_loop3A_915 = vector.broadcast %parallel_loop3A_914 : f32 to vector<16xf32>
        %parallel_loop3A_916 = arith.mulf %parallel_loop3A_795, %parallel_loop3A_915 : vector<16xf32>
        %parallel_loop3A_917 = arith.addf %parallel_loop3A_913, %parallel_loop3A_916 : vector<16xf32>
        %parallel_loop3A_918 = arith.constant 35 : i32
        %parallel_loop3A_919 = vector.broadcast %parallel_loop3A_918 : i32 to vector<16xi32>
        %parallel_loop3A_920 = arith.addi %parallel_loop3A_34, %parallel_loop3A_919 : vector<16xi32>
        tpu.vector_store_idx %arg9[%parallel_loop3A_920], %parallel_loop3A_917 : memref<20736xf32, #tpu.memory_space<vmem>>[vector<16xi32>], vector<16xf32>,
        %parallel_loop3A_921 = arith.constant 0.707106769 : f32
        %parallel_loop3A_922 = vector.broadcast %parallel_loop3A_921 : f32 to vector<16xf32>
        %parallel_loop3A_923 = arith.mulf %parallel_loop3A_782, %parallel_loop3A_922 : vector<16xf32>
        %parallel_loop3A_924 = arith.constant 0.707106769 : f32
        %parallel_loop3A_925 = vector.broadcast %parallel_loop3A_924 : f32 to vector<16xf32>
        %parallel_loop3A_926 = arith.mulf %parallel_loop3A_785, %parallel_loop3A_925 : vector<16xf32>
        %parallel_loop3A_927 = arith.addf %parallel_loop3A_923, %parallel_loop3A_926 : vector<16xf32>
        %parallel_loop3A_928 = arith.constant 51 : i32
        %parallel_loop3A_929 = vector.broadcast %parallel_loop3A_928 : i32 to vector<16xi32>
        %parallel_loop3A_930 = arith.addi %parallel_loop3A_34, %parallel_loop3A_929 : vector<16xi32>
        tpu.vector_store_idx %arg9[%parallel_loop3A_930], %parallel_loop3A_927 : memref<20736xf32, #tpu.memory_space<vmem>>[vector<16xi32>], vector<16xf32>,
        %parallel_loop3A_931 = arith.constant 0.577350259 : f32
        %parallel_loop3A_932 = vector.broadcast %parallel_loop3A_931 : f32 to vector<16xf32>
        %parallel_loop3A_933 = arith.mulf %parallel_loop3A_796, %parallel_loop3A_932 : vector<16xf32>
        %parallel_loop3A_934 = arith.constant 0.577350259 : f32
        %parallel_loop3A_935 = vector.broadcast %parallel_loop3A_934 : f32 to vector<16xf32>
        %parallel_loop3A_936 = arith.mulf %parallel_loop3A_794, %parallel_loop3A_935 : vector<16xf32>
        %parallel_loop3A_937 = arith.addf %parallel_loop3A_933, %parallel_loop3A_936 : vector<16xf32>
        %parallel_loop3A_938 = arith.constant 0.577350259 : f32
        %parallel_loop3A_939 = vector.broadcast %parallel_loop3A_938 : f32 to vector<16xf32>
        %parallel_loop3A_940 = arith.mulf %parallel_loop3A_795, %parallel_loop3A_939 : vector<16xf32>
        %parallel_loop3A_941 = arith.addf %parallel_loop3A_937, %parallel_loop3A_940 : vector<16xf32>
        %parallel_loop3A_942 = arith.constant 52 : i32
        %parallel_loop3A_943 = vector.broadcast %parallel_loop3A_942 : i32 to vector<16xi32>
        %parallel_loop3A_944 = arith.addi %parallel_loop3A_34, %parallel_loop3A_943 : vector<16xi32>
        tpu.vector_store_idx %arg9[%parallel_loop3A_944], %parallel_loop3A_941 : memref<20736xf32, #tpu.memory_space<vmem>>[vector<16xi32>], vector<16xf32>,
        %parallel_loop3A_945 = arith.constant -0.182574183 : f32
        %parallel_loop3A_946 = vector.broadcast %parallel_loop3A_945 : f32 to vector<16xf32>
        %parallel_loop3A_947 = arith.mulf %parallel_loop3A_782, %parallel_loop3A_946 : vector<16xf32>
        %parallel_loop3A_948 = arith.constant 0.730296731 : f32
        %parallel_loop3A_949 = vector.broadcast %parallel_loop3A_948 : f32 to vector<16xf32>
        %parallel_loop3A_950 = arith.mulf %parallel_loop3A_783, %parallel_loop3A_949 : vector<16xf32>
        %parallel_loop3A_951 = arith.addf %parallel_loop3A_947, %parallel_loop3A_950 : vector<16xf32>
        %parallel_loop3A_952 = arith.constant 0.632455527 : f32
        %parallel_loop3A_953 = vector.broadcast %parallel_loop3A_952 : f32 to vector<16xf32>
        %parallel_loop3A_954 = arith.mulf %parallel_loop3A_784, %parallel_loop3A_953 : vector<16xf32>
        %parallel_loop3A_955 = arith.addf %parallel_loop3A_951, %parallel_loop3A_954 : vector<16xf32>
        %parallel_loop3A_956 = arith.constant 0.182574183 : f32
        %parallel_loop3A_957 = vector.broadcast %parallel_loop3A_956 : f32 to vector<16xf32>
        %parallel_loop3A_958 = arith.mulf %parallel_loop3A_785, %parallel_loop3A_957 : vector<16xf32>
        %parallel_loop3A_959 = arith.addf %parallel_loop3A_955, %parallel_loop3A_958 : vector<16xf32>
        %parallel_loop3A_960 = arith.constant 53 : i32
        %parallel_loop3A_961 = vector.broadcast %parallel_loop3A_960 : i32 to vector<16xi32>
        %parallel_loop3A_962 = arith.addi %parallel_loop3A_34, %parallel_loop3A_961 : vector<16xi32>
        tpu.vector_store_idx %arg9[%parallel_loop3A_962], %parallel_loop3A_959 : memref<20736xf32, #tpu.memory_space<vmem>>[vector<16xi32>], vector<16xf32>,
        %parallel_loop3A_963 = arith.constant -0.44721359 : f32
        %parallel_loop3A_964 = vector.broadcast %parallel_loop3A_963 : f32 to vector<16xf32>
        %parallel_loop3A_965 = arith.mulf %parallel_loop3A_786, %parallel_loop3A_964 : vector<16xf32>
        %parallel_loop3A_966 = arith.constant 0.774596691 : f32
        %parallel_loop3A_967 = vector.broadcast %parallel_loop3A_966 : f32 to vector<16xf32>
        %parallel_loop3A_968 = arith.mulf %parallel_loop3A_787, %parallel_loop3A_967 : vector<16xf32>
        %parallel_loop3A_969 = arith.addf %parallel_loop3A_965, %parallel_loop3A_968 : vector<16xf32>
        %parallel_loop3A_970 = arith.constant -0.44721359 : f32
        %parallel_loop3A_971 = vector.broadcast %parallel_loop3A_970 : f32 to vector<16xf32>
        %parallel_loop3A_972 = arith.mulf %parallel_loop3A_788, %parallel_loop3A_971 : vector<16xf32>
        %parallel_loop3A_973 = arith.addf %parallel_loop3A_969, %parallel_loop3A_972 : vector<16xf32>
        %parallel_loop3A_974 = arith.constant 54 : i32
        %parallel_loop3A_975 = vector.broadcast %parallel_loop3A_974 : i32 to vector<16xi32>
        %parallel_loop3A_976 = arith.addi %parallel_loop3A_34, %parallel_loop3A_975 : vector<16xi32>
        tpu.vector_store_idx %arg9[%parallel_loop3A_976], %parallel_loop3A_973 : memref<20736xf32, #tpu.memory_space<vmem>>[vector<16xi32>], vector<16xf32>,
        %parallel_loop3A_977 = arith.constant -0.182574183 : f32
        %parallel_loop3A_978 = vector.broadcast %parallel_loop3A_977 : f32 to vector<16xf32>
        %parallel_loop3A_979 = arith.mulf %parallel_loop3A_789, %parallel_loop3A_978 : vector<16xf32>
        %parallel_loop3A_980 = arith.constant 0.632455527 : f32
        %parallel_loop3A_981 = vector.broadcast %parallel_loop3A_980 : f32 to vector<16xf32>
        %parallel_loop3A_982 = arith.mulf %parallel_loop3A_790, %parallel_loop3A_981 : vector<16xf32>
        %parallel_loop3A_983 = arith.addf %parallel_loop3A_979, %parallel_loop3A_982 : vector<16xf32>
        %parallel_loop3A_984 = arith.constant 0.730296731 : f32
        %parallel_loop3A_985 = vector.broadcast %parallel_loop3A_984 : f32 to vector<16xf32>
        %parallel_loop3A_986 = arith.mulf %parallel_loop3A_791, %parallel_loop3A_985 : vector<16xf32>
        %parallel_loop3A_987 = arith.addf %parallel_loop3A_983, %parallel_loop3A_986 : vector<16xf32>
        %parallel_loop3A_988 = arith.constant -0.182574183 : f32
        %parallel_loop3A_989 = vector.broadcast %parallel_loop3A_988 : f32 to vector<16xf32>
        %parallel_loop3A_990 = arith.mulf %parallel_loop3A_792, %parallel_loop3A_989 : vector<16xf32>
        %parallel_loop3A_991 = arith.addf %parallel_loop3A_987, %parallel_loop3A_990 : vector<16xf32>
        %parallel_loop3A_992 = arith.constant 55 : i32
        %parallel_loop3A_993 = vector.broadcast %parallel_loop3A_992 : i32 to vector<16xi32>
        %parallel_loop3A_994 = arith.addi %parallel_loop3A_34, %parallel_loop3A_993 : vector<16xi32>
        tpu.vector_store_idx %arg9[%parallel_loop3A_994], %parallel_loop3A_991 : memref<20736xf32, #tpu.memory_space<vmem>>[vector<16xi32>], vector<16xf32>,
        %parallel_loop3A_995 = arith.constant -0.577350259 : f32
        %parallel_loop3A_996 = vector.broadcast %parallel_loop3A_995 : f32 to vector<16xf32>
        %parallel_loop3A_997 = arith.mulf %parallel_loop3A_786, %parallel_loop3A_996 : vector<16xf32>
        %parallel_loop3A_998 = arith.constant 0.577350259 : f32
        %parallel_loop3A_999 = vector.broadcast %parallel_loop3A_998 : f32 to vector<16xf32>
        %parallel_loop3A_1000 = arith.mulf %parallel_loop3A_788, %parallel_loop3A_999 : vector<16xf32>
        %parallel_loop3A_1001 = arith.addf %parallel_loop3A_997, %parallel_loop3A_1000 : vector<16xf32>
        %parallel_loop3A_1002 = arith.constant 0.577350259 : f32
        %parallel_loop3A_1003 = vector.broadcast %parallel_loop3A_1002 : f32 to vector<16xf32>
        %parallel_loop3A_1004 = arith.mulf %parallel_loop3A_793, %parallel_loop3A_1003 : vector<16xf32>
        %parallel_loop3A_1005 = arith.addf %parallel_loop3A_1001, %parallel_loop3A_1004 : vector<16xf32>
        %parallel_loop3A_1006 = arith.constant 56 : i32
        %parallel_loop3A_1007 = vector.broadcast %parallel_loop3A_1006 : i32 to vector<16xi32>
        %parallel_loop3A_1008 = arith.addi %parallel_loop3A_34, %parallel_loop3A_1007 : vector<16xi32>
        tpu.vector_store_idx %arg9[%parallel_loop3A_1008], %parallel_loop3A_1005 : memref<20736xf32, #tpu.memory_space<vmem>>[vector<16xi32>], vector<16xf32>,
        %parallel_loop3A_1009 = arith.constant -0.707106769 : f32
        %parallel_loop3A_1010 = vector.broadcast %parallel_loop3A_1009 : f32 to vector<16xf32>
        %parallel_loop3A_1011 = arith.mulf %parallel_loop3A_789, %parallel_loop3A_1010 : vector<16xf32>
        %parallel_loop3A_1012 = arith.constant 0.707106769 : f32
        %parallel_loop3A_1013 = vector.broadcast %parallel_loop3A_1012 : f32 to vector<16xf32>
        %parallel_loop3A_1014 = arith.mulf %parallel_loop3A_792, %parallel_loop3A_1013 : vector<16xf32>
        %parallel_loop3A_1015 = arith.addf %parallel_loop3A_1011, %parallel_loop3A_1014 : vector<16xf32>
        %parallel_loop3A_1016 = arith.constant 57 : i32
        %parallel_loop3A_1017 = vector.broadcast %parallel_loop3A_1016 : i32 to vector<16xi32>
        %parallel_loop3A_1018 = arith.addi %parallel_loop3A_34, %parallel_loop3A_1017 : vector<16xi32>
        tpu.vector_store_idx %arg9[%parallel_loop3A_1018], %parallel_loop3A_1015 : memref<20736xf32, #tpu.memory_space<vmem>>[vector<16xi32>], vector<16xf32>,
        %parallel_loop3A_1019 = arith.mulf %parallel_loop3A_62, %parallel_loop3A_78 : vector<16xf32>
        %parallel_loop3A_1020 = arith.mulf %parallel_loop3A_70, %parallel_loop3A_78 : vector<16xf32>
        %parallel_loop3A_1021 = arith.mulf %parallel_loop3A_58, %parallel_loop3A_82 : vector<16xf32>
        %parallel_loop3A_1022 = arith.mulf %parallel_loop3A_54, %parallel_loop3A_86 : vector<16xf32>
        %parallel_loop3A_1023 = arith.mulf %parallel_loop3A_58, %parallel_loop3A_78 : vector<16xf32>
        %parallel_loop3A_1024 = arith.mulf %parallel_loop3A_62, %parallel_loop3A_82 : vector<16xf32>
        %parallel_loop3A_1025 = arith.mulf %parallel_loop3A_66, %parallel_loop3A_86 : vector<16xf32>
        %parallel_loop3A_1026 = arith.mulf %parallel_loop3A_54, %parallel_loop3A_78 : vector<16xf32>
        %parallel_loop3A_1027 = arith.mulf %parallel_loop3A_66, %parallel_loop3A_82 : vector<16xf32>
        %parallel_loop3A_1028 = arith.mulf %parallel_loop3A_62, %parallel_loop3A_86 : vector<16xf32>
        %parallel_loop3A_1029 = arith.mulf %parallel_loop3A_70, %parallel_loop3A_86 : vector<16xf32>
        %parallel_loop3A_1030 = arith.mulf %parallel_loop3A_70, %parallel_loop3A_82 : vector<16xf32>
        %parallel_loop3A_1031 = arith.mulf %parallel_loop3A_66, %parallel_loop3A_78 : vector<16xf32>
        %parallel_loop3A_1032 = arith.mulf %parallel_loop3A_58, %parallel_loop3A_86 : vector<16xf32>
        %parallel_loop3A_1033 = arith.mulf %parallel_loop3A_54, %parallel_loop3A_82 : vector<16xf32>
        %parallel_loop3A_1034 = arith.constant -0.316227764 : f32
        %parallel_loop3A_1035 = vector.broadcast %parallel_loop3A_1034 : f32 to vector<16xf32>
        %parallel_loop3A_1036 = arith.mulf %parallel_loop3A_1019, %parallel_loop3A_1035 : vector<16xf32>
        %parallel_loop3A_1037 = arith.constant -0.547722578 : f32
        %parallel_loop3A_1038 = vector.broadcast %parallel_loop3A_1037 : f32 to vector<16xf32>
        %parallel_loop3A_1039 = arith.mulf %parallel_loop3A_1020, %parallel_loop3A_1038 : vector<16xf32>
        %parallel_loop3A_1040 = arith.addf %parallel_loop3A_1036, %parallel_loop3A_1039 : vector<16xf32>
        %parallel_loop3A_1041 = arith.constant 0.547722578 : f32
        %parallel_loop3A_1042 = vector.broadcast %parallel_loop3A_1041 : f32 to vector<16xf32>
        %parallel_loop3A_1043 = arith.mulf %parallel_loop3A_1021, %parallel_loop3A_1042 : vector<16xf32>
        %parallel_loop3A_1044 = arith.addf %parallel_loop3A_1040, %parallel_loop3A_1043 : vector<16xf32>
        %parallel_loop3A_1045 = arith.constant 0.547722578 : f32
        %parallel_loop3A_1046 = vector.broadcast %parallel_loop3A_1045 : f32 to vector<16xf32>
        %parallel_loop3A_1047 = arith.mulf %parallel_loop3A_1022, %parallel_loop3A_1046 : vector<16xf32>
        %parallel_loop3A_1048 = arith.addf %parallel_loop3A_1044, %parallel_loop3A_1047 : vector<16xf32>
        %parallel_loop3A_1049 = arith.constant 15 : i32
        %parallel_loop3A_1050 = vector.broadcast %parallel_loop3A_1049 : i32 to vector<16xi32>
        %parallel_loop3A_1051 = arith.addi %parallel_loop3A_34, %parallel_loop3A_1050 : vector<16xi32>
        tpu.vector_store_idx %arg9[%parallel_loop3A_1051], %parallel_loop3A_1048 : memref<20736xf32, #tpu.memory_space<vmem>>[vector<16xi32>], vector<16xf32>,
        %parallel_loop3A_1052 = arith.constant 0.547722578 : f32
        %parallel_loop3A_1053 = vector.broadcast %parallel_loop3A_1052 : f32 to vector<16xf32>
        %parallel_loop3A_1054 = arith.mulf %parallel_loop3A_1023, %parallel_loop3A_1053 : vector<16xf32>
        %parallel_loop3A_1055 = arith.constant 0.632455527 : f32
        %parallel_loop3A_1056 = vector.broadcast %parallel_loop3A_1055 : f32 to vector<16xf32>
        %parallel_loop3A_1057 = arith.mulf %parallel_loop3A_1024, %parallel_loop3A_1056 : vector<16xf32>
        %parallel_loop3A_1058 = arith.addf %parallel_loop3A_1054, %parallel_loop3A_1057 : vector<16xf32>
        %parallel_loop3A_1059 = arith.constant 0.547722578 : f32
        %parallel_loop3A_1060 = vector.broadcast %parallel_loop3A_1059 : f32 to vector<16xf32>
        %parallel_loop3A_1061 = arith.mulf %parallel_loop3A_1025, %parallel_loop3A_1060 : vector<16xf32>
        %parallel_loop3A_1062 = arith.addf %parallel_loop3A_1058, %parallel_loop3A_1061 : vector<16xf32>
        %parallel_loop3A_1063 = arith.constant 16 : i32
        %parallel_loop3A_1064 = vector.broadcast %parallel_loop3A_1063 : i32 to vector<16xi32>
        %parallel_loop3A_1065 = arith.addi %parallel_loop3A_34, %parallel_loop3A_1064 : vector<16xi32>
        tpu.vector_store_idx %arg9[%parallel_loop3A_1065], %parallel_loop3A_1062 : memref<20736xf32, #tpu.memory_space<vmem>>[vector<16xi32>], vector<16xf32>,
        %parallel_loop3A_1066 = arith.constant 0.547722578 : f32
        %parallel_loop3A_1067 = vector.broadcast %parallel_loop3A_1066 : f32 to vector<16xf32>
        %parallel_loop3A_1068 = arith.mulf %parallel_loop3A_1026, %parallel_loop3A_1067 : vector<16xf32>
        %parallel_loop3A_1069 = arith.constant 0.547722578 : f32
        %parallel_loop3A_1070 = vector.broadcast %parallel_loop3A_1069 : f32 to vector<16xf32>
        %parallel_loop3A_1071 = arith.mulf %parallel_loop3A_1027, %parallel_loop3A_1070 : vector<16xf32>
        %parallel_loop3A_1072 = arith.addf %parallel_loop3A_1068, %parallel_loop3A_1071 : vector<16xf32>
        %parallel_loop3A_1073 = arith.constant -0.316227764 : f32
        %parallel_loop3A_1074 = vector.broadcast %parallel_loop3A_1073 : f32 to vector<16xf32>
        %parallel_loop3A_1075 = arith.mulf %parallel_loop3A_1028, %parallel_loop3A_1074 : vector<16xf32>
        %parallel_loop3A_1076 = arith.addf %parallel_loop3A_1072, %parallel_loop3A_1075 : vector<16xf32>
        %parallel_loop3A_1077 = arith.constant 0.547722578 : f32
        %parallel_loop3A_1078 = vector.broadcast %parallel_loop3A_1077 : f32 to vector<16xf32>
        %parallel_loop3A_1079 = arith.mulf %parallel_loop3A_1029, %parallel_loop3A_1078 : vector<16xf32>
        %parallel_loop3A_1080 = arith.addf %parallel_loop3A_1076, %parallel_loop3A_1079 : vector<16xf32>
        %parallel_loop3A_1081 = arith.constant 17 : i32
        %parallel_loop3A_1082 = vector.broadcast %parallel_loop3A_1081 : i32 to vector<16xi32>
        %parallel_loop3A_1083 = arith.addi %parallel_loop3A_34, %parallel_loop3A_1082 : vector<16xi32>
        tpu.vector_store_idx %arg9[%parallel_loop3A_1083], %parallel_loop3A_1080 : memref<20736xf32, #tpu.memory_space<vmem>>[vector<16xi32>], vector<16xf32>,
        %parallel_loop3A_1084 = arith.constant -0.408248305 : f32
        %parallel_loop3A_1085 = vector.broadcast %parallel_loop3A_1084 : f32 to vector<16xf32>
        %parallel_loop3A_1086 = arith.mulf %parallel_loop3A_1023, %parallel_loop3A_1085 : vector<16xf32>
        %parallel_loop3A_1087 = arith.constant -0.816496611 : f32
        %parallel_loop3A_1088 = vector.broadcast %parallel_loop3A_1087 : f32 to vector<16xf32>
        %parallel_loop3A_1089 = arith.mulf %parallel_loop3A_1030, %parallel_loop3A_1088 : vector<16xf32>
        %parallel_loop3A_1090 = arith.addf %parallel_loop3A_1086, %parallel_loop3A_1089 : vector<16xf32>
        %parallel_loop3A_1091 = arith.constant 0.408248305 : f32
        %parallel_loop3A_1092 = vector.broadcast %parallel_loop3A_1091 : f32 to vector<16xf32>
        %parallel_loop3A_1093 = arith.mulf %parallel_loop3A_1025, %parallel_loop3A_1092 : vector<16xf32>
        %parallel_loop3A_1094 = arith.addf %parallel_loop3A_1090, %parallel_loop3A_1093 : vector<16xf32>
        %parallel_loop3A_1095 = arith.constant 41 : i32
        %parallel_loop3A_1096 = vector.broadcast %parallel_loop3A_1095 : i32 to vector<16xi32>
        %parallel_loop3A_1097 = arith.addi %parallel_loop3A_34, %parallel_loop3A_1096 : vector<16xi32>
        tpu.vector_store_idx %arg9[%parallel_loop3A_1097], %parallel_loop3A_1094 : memref<20736xf32, #tpu.memory_space<vmem>>[vector<16xi32>], vector<16xf32>,
        %parallel_loop3A_1098 = arith.constant 0.408248305 : f32
        %parallel_loop3A_1099 = vector.broadcast %parallel_loop3A_1098 : f32 to vector<16xf32>
        %parallel_loop3A_1100 = arith.mulf %parallel_loop3A_1026, %parallel_loop3A_1099 : vector<16xf32>
        %parallel_loop3A_1101 = arith.constant -0.408248305 : f32
        %parallel_loop3A_1102 = vector.broadcast %parallel_loop3A_1101 : f32 to vector<16xf32>
        %parallel_loop3A_1103 = arith.mulf %parallel_loop3A_1027, %parallel_loop3A_1102 : vector<16xf32>
        %parallel_loop3A_1104 = arith.addf %parallel_loop3A_1100, %parallel_loop3A_1103 : vector<16xf32>
        %parallel_loop3A_1105 = arith.constant 0.707106769 : f32
        %parallel_loop3A_1106 = vector.broadcast %parallel_loop3A_1105 : f32 to vector<16xf32>
        %parallel_loop3A_1107 = arith.mulf %parallel_loop3A_1028, %parallel_loop3A_1106 : vector<16xf32>
        %parallel_loop3A_1108 = arith.addf %parallel_loop3A_1104, %parallel_loop3A_1107 : vector<16xf32>
        %parallel_loop3A_1109 = arith.constant 0.408248305 : f32
        %parallel_loop3A_1110 = vector.broadcast %parallel_loop3A_1109 : f32 to vector<16xf32>
        %parallel_loop3A_1111 = arith.mulf %parallel_loop3A_1029, %parallel_loop3A_1110 : vector<16xf32>
        %parallel_loop3A_1112 = arith.addf %parallel_loop3A_1108, %parallel_loop3A_1111 : vector<16xf32>
        %parallel_loop3A_1113 = arith.constant 42 : i32
        %parallel_loop3A_1114 = vector.broadcast %parallel_loop3A_1113 : i32 to vector<16xi32>
        %parallel_loop3A_1115 = arith.addi %parallel_loop3A_34, %parallel_loop3A_1114 : vector<16xi32>
        tpu.vector_store_idx %arg9[%parallel_loop3A_1115], %parallel_loop3A_1112 : memref<20736xf32, #tpu.memory_space<vmem>>[vector<16xi32>], vector<16xf32>,
        %parallel_loop3A_1116 = arith.constant 0.707106769 : f32
        %parallel_loop3A_1117 = vector.broadcast %parallel_loop3A_1116 : f32 to vector<16xf32>
        %parallel_loop3A_1118 = arith.mulf %parallel_loop3A_1031, %parallel_loop3A_1117 : vector<16xf32>
        %parallel_loop3A_1119 = arith.constant -0.707106769 : f32
        %parallel_loop3A_1120 = vector.broadcast %parallel_loop3A_1119 : f32 to vector<16xf32>
        %parallel_loop3A_1121 = arith.mulf %parallel_loop3A_1032, %parallel_loop3A_1120 : vector<16xf32>
        %parallel_loop3A_1122 = arith.addf %parallel_loop3A_1118, %parallel_loop3A_1121 : vector<16xf32>
        %parallel_loop3A_1123 = arith.constant 43 : i32
        %parallel_loop3A_1124 = vector.broadcast %parallel_loop3A_1123 : i32 to vector<16xi32>
        %parallel_loop3A_1125 = arith.addi %parallel_loop3A_34, %parallel_loop3A_1124 : vector<16xi32>
        tpu.vector_store_idx %arg9[%parallel_loop3A_1125], %parallel_loop3A_1122 : memref<20736xf32, #tpu.memory_space<vmem>>[vector<16xi32>], vector<16xf32>,
        %parallel_loop3A_1126 = arith.constant -0.707106769 : f32
        %parallel_loop3A_1127 = vector.broadcast %parallel_loop3A_1126 : f32 to vector<16xf32>
        %parallel_loop3A_1128 = arith.mulf %parallel_loop3A_1019, %parallel_loop3A_1127 : vector<16xf32>
        %parallel_loop3A_1129 = arith.constant 0.408248305 : f32
        %parallel_loop3A_1130 = vector.broadcast %parallel_loop3A_1129 : f32 to vector<16xf32>
        %parallel_loop3A_1131 = arith.mulf %parallel_loop3A_1020, %parallel_loop3A_1130 : vector<16xf32>
        %parallel_loop3A_1132 = arith.addf %parallel_loop3A_1128, %parallel_loop3A_1131 : vector<16xf32>
        %parallel_loop3A_1133 = arith.constant 0.408248305 : f32
        %parallel_loop3A_1134 = vector.broadcast %parallel_loop3A_1133 : f32 to vector<16xf32>
        %parallel_loop3A_1135 = arith.mulf %parallel_loop3A_1021, %parallel_loop3A_1134 : vector<16xf32>
        %parallel_loop3A_1136 = arith.addf %parallel_loop3A_1132, %parallel_loop3A_1135 : vector<16xf32>
        %parallel_loop3A_1137 = arith.constant -0.408248305 : f32
        %parallel_loop3A_1138 = vector.broadcast %parallel_loop3A_1137 : f32 to vector<16xf32>
        %parallel_loop3A_1139 = arith.mulf %parallel_loop3A_1022, %parallel_loop3A_1138 : vector<16xf32>
        %parallel_loop3A_1140 = arith.addf %parallel_loop3A_1136, %parallel_loop3A_1139 : vector<16xf32>
        %parallel_loop3A_1141 = arith.constant 44 : i32
        %parallel_loop3A_1142 = vector.broadcast %parallel_loop3A_1141 : i32 to vector<16xi32>
        %parallel_loop3A_1143 = arith.addi %parallel_loop3A_34, %parallel_loop3A_1142 : vector<16xi32>
        tpu.vector_store_idx %arg9[%parallel_loop3A_1143], %parallel_loop3A_1140 : memref<20736xf32, #tpu.memory_space<vmem>>[vector<16xi32>], vector<16xf32>,
        %parallel_loop3A_1144 = arith.constant -0.408248305 : f32
        %parallel_loop3A_1145 = vector.broadcast %parallel_loop3A_1144 : f32 to vector<16xf32>
        %parallel_loop3A_1146 = arith.mulf %parallel_loop3A_1031, %parallel_loop3A_1145 : vector<16xf32>
        %parallel_loop3A_1147 = arith.constant 0.816496611 : f32
        %parallel_loop3A_1148 = vector.broadcast %parallel_loop3A_1147 : f32 to vector<16xf32>
        %parallel_loop3A_1149 = arith.mulf %parallel_loop3A_1033, %parallel_loop3A_1148 : vector<16xf32>
        %parallel_loop3A_1150 = arith.addf %parallel_loop3A_1146, %parallel_loop3A_1149 : vector<16xf32>
        %parallel_loop3A_1151 = arith.constant -0.408248305 : f32
        %parallel_loop3A_1152 = vector.broadcast %parallel_loop3A_1151 : f32 to vector<16xf32>
        %parallel_loop3A_1153 = arith.mulf %parallel_loop3A_1032, %parallel_loop3A_1152 : vector<16xf32>
        %parallel_loop3A_1154 = arith.addf %parallel_loop3A_1150, %parallel_loop3A_1153 : vector<16xf32>
        %parallel_loop3A_1155 = arith.constant 45 : i32
        %parallel_loop3A_1156 = vector.broadcast %parallel_loop3A_1155 : i32 to vector<16xi32>
        %parallel_loop3A_1157 = arith.addi %parallel_loop3A_34, %parallel_loop3A_1156 : vector<16xi32>
        tpu.vector_store_idx %arg9[%parallel_loop3A_1157], %parallel_loop3A_1154 : memref<20736xf32, #tpu.memory_space<vmem>>[vector<16xi32>], vector<16xf32>,
        %parallel_loop3A_1158 = arith.constant 0.707106769 : f32
        %parallel_loop3A_1159 = vector.broadcast %parallel_loop3A_1158 : f32 to vector<16xf32>
        %parallel_loop3A_1160 = arith.mulf %parallel_loop3A_1020, %parallel_loop3A_1159 : vector<16xf32>
        %parallel_loop3A_1161 = arith.constant 0.707106769 : f32
        %parallel_loop3A_1162 = vector.broadcast %parallel_loop3A_1161 : f32 to vector<16xf32>
        %parallel_loop3A_1163 = arith.mulf %parallel_loop3A_1022, %parallel_loop3A_1162 : vector<16xf32>
        %parallel_loop3A_1164 = arith.addf %parallel_loop3A_1160, %parallel_loop3A_1163 : vector<16xf32>
        %parallel_loop3A_1165 = arith.constant 58 : i32
        %parallel_loop3A_1166 = vector.broadcast %parallel_loop3A_1165 : i32 to vector<16xi32>
        %parallel_loop3A_1167 = arith.addi %parallel_loop3A_34, %parallel_loop3A_1166 : vector<16xi32>
        tpu.vector_store_idx %arg9[%parallel_loop3A_1167], %parallel_loop3A_1164 : memref<20736xf32, #tpu.memory_space<vmem>>[vector<16xi32>], vector<16xf32>,
        %parallel_loop3A_1168 = arith.constant 0.577350259 : f32
        %parallel_loop3A_1169 = vector.broadcast %parallel_loop3A_1168 : f32 to vector<16xf32>
        %parallel_loop3A_1170 = arith.mulf %parallel_loop3A_1031, %parallel_loop3A_1169 : vector<16xf32>
        %parallel_loop3A_1171 = arith.constant 0.577350259 : f32
        %parallel_loop3A_1172 = vector.broadcast %parallel_loop3A_1171 : f32 to vector<16xf32>
        %parallel_loop3A_1173 = arith.mulf %parallel_loop3A_1033, %parallel_loop3A_1172 : vector<16xf32>
        %parallel_loop3A_1174 = arith.addf %parallel_loop3A_1170, %parallel_loop3A_1173 : vector<16xf32>
        %parallel_loop3A_1175 = arith.constant 0.577350259 : f32
        %parallel_loop3A_1176 = vector.broadcast %parallel_loop3A_1175 : f32 to vector<16xf32>
        %parallel_loop3A_1177 = arith.mulf %parallel_loop3A_1032, %parallel_loop3A_1176 : vector<16xf32>
        %parallel_loop3A_1178 = arith.addf %parallel_loop3A_1174, %parallel_loop3A_1177 : vector<16xf32>
        %parallel_loop3A_1179 = arith.constant 59 : i32
        %parallel_loop3A_1180 = vector.broadcast %parallel_loop3A_1179 : i32 to vector<16xi32>
        %parallel_loop3A_1181 = arith.addi %parallel_loop3A_34, %parallel_loop3A_1180 : vector<16xi32>
        tpu.vector_store_idx %arg9[%parallel_loop3A_1181], %parallel_loop3A_1178 : memref<20736xf32, #tpu.memory_space<vmem>>[vector<16xi32>], vector<16xf32>,
        %parallel_loop3A_1182 = arith.constant 0.632455527 : f32
        %parallel_loop3A_1183 = vector.broadcast %parallel_loop3A_1182 : f32 to vector<16xf32>
        %parallel_loop3A_1184 = arith.mulf %parallel_loop3A_1019, %parallel_loop3A_1183 : vector<16xf32>
        %parallel_loop3A_1185 = arith.constant 0.182574183 : f32
        %parallel_loop3A_1186 = vector.broadcast %parallel_loop3A_1185 : f32 to vector<16xf32>
        %parallel_loop3A_1187 = arith.mulf %parallel_loop3A_1020, %parallel_loop3A_1186 : vector<16xf32>
        %parallel_loop3A_1188 = arith.addf %parallel_loop3A_1184, %parallel_loop3A_1187 : vector<16xf32>
        %parallel_loop3A_1189 = arith.constant 0.730296731 : f32
        %parallel_loop3A_1190 = vector.broadcast %parallel_loop3A_1189 : f32 to vector<16xf32>
        %parallel_loop3A_1191 = arith.mulf %parallel_loop3A_1021, %parallel_loop3A_1190 : vector<16xf32>
        %parallel_loop3A_1192 = arith.addf %parallel_loop3A_1188, %parallel_loop3A_1191 : vector<16xf32>
        %parallel_loop3A_1193 = arith.constant -0.182574183 : f32
        %parallel_loop3A_1194 = vector.broadcast %parallel_loop3A_1193 : f32 to vector<16xf32>
        %parallel_loop3A_1195 = arith.mulf %parallel_loop3A_1022, %parallel_loop3A_1194 : vector<16xf32>
        %parallel_loop3A_1196 = arith.addf %parallel_loop3A_1192, %parallel_loop3A_1195 : vector<16xf32>
        %parallel_loop3A_1197 = arith.constant 60 : i32
        %parallel_loop3A_1198 = vector.broadcast %parallel_loop3A_1197 : i32 to vector<16xi32>
        %parallel_loop3A_1199 = arith.addi %parallel_loop3A_34, %parallel_loop3A_1198 : vector<16xi32>
        tpu.vector_store_idx %arg9[%parallel_loop3A_1199], %parallel_loop3A_1196 : memref<20736xf32, #tpu.memory_space<vmem>>[vector<16xi32>], vector<16xf32>,
        %parallel_loop3A_1200 = arith.constant -0.44721359 : f32
        %parallel_loop3A_1201 = vector.broadcast %parallel_loop3A_1200 : f32 to vector<16xf32>
        %parallel_loop3A_1202 = arith.mulf %parallel_loop3A_1023, %parallel_loop3A_1201 : vector<16xf32>
        %parallel_loop3A_1203 = arith.constant 0.774596691 : f32
        %parallel_loop3A_1204 = vector.broadcast %parallel_loop3A_1203 : f32 to vector<16xf32>
        %parallel_loop3A_1205 = arith.mulf %parallel_loop3A_1024, %parallel_loop3A_1204 : vector<16xf32>
        %parallel_loop3A_1206 = arith.addf %parallel_loop3A_1202, %parallel_loop3A_1205 : vector<16xf32>
        %parallel_loop3A_1207 = arith.constant -0.44721359 : f32
        %parallel_loop3A_1208 = vector.broadcast %parallel_loop3A_1207 : f32 to vector<16xf32>
        %parallel_loop3A_1209 = arith.mulf %parallel_loop3A_1025, %parallel_loop3A_1208 : vector<16xf32>
        %parallel_loop3A_1210 = arith.addf %parallel_loop3A_1206, %parallel_loop3A_1209 : vector<16xf32>
        %parallel_loop3A_1211 = arith.constant 61 : i32
        %parallel_loop3A_1212 = vector.broadcast %parallel_loop3A_1211 : i32 to vector<16xi32>
        %parallel_loop3A_1213 = arith.addi %parallel_loop3A_34, %parallel_loop3A_1212 : vector<16xi32>
        tpu.vector_store_idx %arg9[%parallel_loop3A_1213], %parallel_loop3A_1210 : memref<20736xf32, #tpu.memory_space<vmem>>[vector<16xi32>], vector<16xf32>,
        %parallel_loop3A_1214 = arith.constant -0.182574183 : f32
        %parallel_loop3A_1215 = vector.broadcast %parallel_loop3A_1214 : f32 to vector<16xf32>
        %parallel_loop3A_1216 = arith.mulf %parallel_loop3A_1026, %parallel_loop3A_1215 : vector<16xf32>
        %parallel_loop3A_1217 = arith.constant 0.730296731 : f32
        %parallel_loop3A_1218 = vector.broadcast %parallel_loop3A_1217 : f32 to vector<16xf32>
        %parallel_loop3A_1219 = arith.mulf %parallel_loop3A_1027, %parallel_loop3A_1218 : vector<16xf32>
        %parallel_loop3A_1220 = arith.addf %parallel_loop3A_1216, %parallel_loop3A_1219 : vector<16xf32>
        %parallel_loop3A_1221 = arith.constant 0.632455527 : f32
        %parallel_loop3A_1222 = vector.broadcast %parallel_loop3A_1221 : f32 to vector<16xf32>
        %parallel_loop3A_1223 = arith.mulf %parallel_loop3A_1028, %parallel_loop3A_1222 : vector<16xf32>
        %parallel_loop3A_1224 = arith.addf %parallel_loop3A_1220, %parallel_loop3A_1223 : vector<16xf32>
        %parallel_loop3A_1225 = arith.constant -0.182574183 : f32
        %parallel_loop3A_1226 = vector.broadcast %parallel_loop3A_1225 : f32 to vector<16xf32>
        %parallel_loop3A_1227 = arith.mulf %parallel_loop3A_1029, %parallel_loop3A_1226 : vector<16xf32>
        %parallel_loop3A_1228 = arith.addf %parallel_loop3A_1224, %parallel_loop3A_1227 : vector<16xf32>
        %parallel_loop3A_1229 = arith.constant 62 : i32
        %parallel_loop3A_1230 = vector.broadcast %parallel_loop3A_1229 : i32 to vector<16xi32>
        %parallel_loop3A_1231 = arith.addi %parallel_loop3A_34, %parallel_loop3A_1230 : vector<16xi32>
        tpu.vector_store_idx %arg9[%parallel_loop3A_1231], %parallel_loop3A_1228 : memref<20736xf32, #tpu.memory_space<vmem>>[vector<16xi32>], vector<16xf32>,
        %parallel_loop3A_1232 = arith.constant -0.577350259 : f32
        %parallel_loop3A_1233 = vector.broadcast %parallel_loop3A_1232 : f32 to vector<16xf32>
        %parallel_loop3A_1234 = arith.mulf %parallel_loop3A_1023, %parallel_loop3A_1233 : vector<16xf32>
        %parallel_loop3A_1235 = arith.constant 0.577350259 : f32
        %parallel_loop3A_1236 = vector.broadcast %parallel_loop3A_1235 : f32 to vector<16xf32>
        %parallel_loop3A_1237 = arith.mulf %parallel_loop3A_1030, %parallel_loop3A_1236 : vector<16xf32>
        %parallel_loop3A_1238 = arith.addf %parallel_loop3A_1234, %parallel_loop3A_1237 : vector<16xf32>
        %parallel_loop3A_1239 = arith.constant 0.577350259 : f32
        %parallel_loop3A_1240 = vector.broadcast %parallel_loop3A_1239 : f32 to vector<16xf32>
        %parallel_loop3A_1241 = arith.mulf %parallel_loop3A_1025, %parallel_loop3A_1240 : vector<16xf32>
        %parallel_loop3A_1242 = arith.addf %parallel_loop3A_1238, %parallel_loop3A_1241 : vector<16xf32>
        %parallel_loop3A_1243 = arith.constant 63 : i32
        %parallel_loop3A_1244 = vector.broadcast %parallel_loop3A_1243 : i32 to vector<16xi32>
        %parallel_loop3A_1245 = arith.addi %parallel_loop3A_34, %parallel_loop3A_1244 : vector<16xi32>
        tpu.vector_store_idx %arg9[%parallel_loop3A_1245], %parallel_loop3A_1242 : memref<20736xf32, #tpu.memory_space<vmem>>[vector<16xi32>], vector<16xf32>,
        %parallel_loop3A_1246 = arith.constant -0.707106769 : f32
        %parallel_loop3A_1247 = vector.broadcast %parallel_loop3A_1246 : f32 to vector<16xf32>
        %parallel_loop3A_1248 = arith.mulf %parallel_loop3A_1026, %parallel_loop3A_1247 : vector<16xf32>
        %parallel_loop3A_1249 = arith.constant 0.707106769 : f32
        %parallel_loop3A_1250 = vector.broadcast %parallel_loop3A_1249 : f32 to vector<16xf32>
        %parallel_loop3A_1251 = arith.mulf %parallel_loop3A_1029, %parallel_loop3A_1250 : vector<16xf32>
        %parallel_loop3A_1252 = arith.addf %parallel_loop3A_1248, %parallel_loop3A_1251 : vector<16xf32>
        %parallel_loop3A_1253 = arith.constant 64 : i32
        %parallel_loop3A_1254 = vector.broadcast %parallel_loop3A_1253 : i32 to vector<16xi32>
        %parallel_loop3A_1255 = arith.addi %parallel_loop3A_34, %parallel_loop3A_1254 : vector<16xi32>
        tpu.vector_store_idx %arg9[%parallel_loop3A_1255], %parallel_loop3A_1252 : memref<20736xf32, #tpu.memory_space<vmem>>[vector<16xi32>], vector<16xf32>,
        %parallel_loop3A_1256 = arith.mulf %parallel_loop3A_38, %parallel_loop3A_90 : vector<16xf32>
        %parallel_loop3A_1257 = arith.mulf %parallel_loop3A_38, %parallel_loop3A_94 : vector<16xf32>
        %parallel_loop3A_1258 = arith.mulf %parallel_loop3A_38, %parallel_loop3A_98 : vector<16xf32>
        %parallel_loop3A_1259 = arith.mulf %parallel_loop3A_38, %parallel_loop3A_102 : vector<16xf32>
        %parallel_loop3A_1260 = arith.mulf %parallel_loop3A_38, %parallel_loop3A_106 : vector<16xf32>
        %parallel_loop3A_1261 = arith.constant 1.000000e+00 : f32
        %parallel_loop3A_1262 = vector.broadcast %parallel_loop3A_1261 : f32 to vector<16xf32>
        %parallel_loop3A_1263 = arith.mulf %parallel_loop3A_1256, %parallel_loop3A_1262 : vector<16xf32>
        %parallel_loop3A_1264 = arith.constant 21 : i32
        %parallel_loop3A_1265 = vector.broadcast %parallel_loop3A_1264 : i32 to vector<16xi32>
        %parallel_loop3A_1266 = arith.addi %parallel_loop3A_34, %parallel_loop3A_1265 : vector<16xi32>
        tpu.vector_store_idx %arg9[%parallel_loop3A_1266], %parallel_loop3A_1263 : memref<20736xf32, #tpu.memory_space<vmem>>[vector<16xi32>], vector<16xf32>,
        %parallel_loop3A_1267 = arith.constant 1.000000e+00 : f32
        %parallel_loop3A_1268 = vector.broadcast %parallel_loop3A_1267 : f32 to vector<16xf32>
        %parallel_loop3A_1269 = arith.mulf %parallel_loop3A_1257, %parallel_loop3A_1268 : vector<16xf32>
        %parallel_loop3A_1270 = arith.constant 22 : i32
        %parallel_loop3A_1271 = vector.broadcast %parallel_loop3A_1270 : i32 to vector<16xi32>
        %parallel_loop3A_1272 = arith.addi %parallel_loop3A_34, %parallel_loop3A_1271 : vector<16xi32>
        tpu.vector_store_idx %arg9[%parallel_loop3A_1272], %parallel_loop3A_1269 : memref<20736xf32, #tpu.memory_space<vmem>>[vector<16xi32>], vector<16xf32>,
        %parallel_loop3A_1273 = arith.constant 1.000000e+00 : f32
        %parallel_loop3A_1274 = vector.broadcast %parallel_loop3A_1273 : f32 to vector<16xf32>
        %parallel_loop3A_1275 = arith.mulf %parallel_loop3A_1258, %parallel_loop3A_1274 : vector<16xf32>
        %parallel_loop3A_1276 = arith.constant 23 : i32
        %parallel_loop3A_1277 = vector.broadcast %parallel_loop3A_1276 : i32 to vector<16xi32>
        %parallel_loop3A_1278 = arith.addi %parallel_loop3A_34, %parallel_loop3A_1277 : vector<16xi32>
        tpu.vector_store_idx %arg9[%parallel_loop3A_1278], %parallel_loop3A_1275 : memref<20736xf32, #tpu.memory_space<vmem>>[vector<16xi32>], vector<16xf32>,
        %parallel_loop3A_1279 = arith.constant 1.000000e+00 : f32
        %parallel_loop3A_1280 = vector.broadcast %parallel_loop3A_1279 : f32 to vector<16xf32>
        %parallel_loop3A_1281 = arith.mulf %parallel_loop3A_1259, %parallel_loop3A_1280 : vector<16xf32>
        %parallel_loop3A_1282 = arith.constant 24 : i32
        %parallel_loop3A_1283 = vector.broadcast %parallel_loop3A_1282 : i32 to vector<16xi32>
        %parallel_loop3A_1284 = arith.addi %parallel_loop3A_34, %parallel_loop3A_1283 : vector<16xi32>
        tpu.vector_store_idx %arg9[%parallel_loop3A_1284], %parallel_loop3A_1281 : memref<20736xf32, #tpu.memory_space<vmem>>[vector<16xi32>], vector<16xf32>,
        %parallel_loop3A_1285 = arith.constant 1.000000e+00 : f32
        %parallel_loop3A_1286 = vector.broadcast %parallel_loop3A_1285 : f32 to vector<16xf32>
        %parallel_loop3A_1287 = arith.mulf %parallel_loop3A_1260, %parallel_loop3A_1286 : vector<16xf32>
        %parallel_loop3A_1288 = arith.constant 25 : i32
        %parallel_loop3A_1289 = vector.broadcast %parallel_loop3A_1288 : i32 to vector<16xi32>
        %parallel_loop3A_1290 = arith.addi %parallel_loop3A_34, %parallel_loop3A_1289 : vector<16xi32>
        tpu.vector_store_idx %arg9[%parallel_loop3A_1290], %parallel_loop3A_1287 : memref<20736xf32, #tpu.memory_space<vmem>>[vector<16xi32>], vector<16xf32>,
        %parallel_loop3A_1291 = arith.mulf %parallel_loop3A_54, %parallel_loop3A_74 : vector<16xf32>
        %parallel_loop3A_1292 = arith.mulf %parallel_loop3A_58, %parallel_loop3A_74 : vector<16xf32>
        %parallel_loop3A_1293 = arith.mulf %parallel_loop3A_62, %parallel_loop3A_74 : vector<16xf32>
        %parallel_loop3A_1294 = arith.mulf %parallel_loop3A_66, %parallel_loop3A_74 : vector<16xf32>
        %parallel_loop3A_1295 = arith.mulf %parallel_loop3A_70, %parallel_loop3A_74 : vector<16xf32>
        %parallel_loop3A_1296 = arith.constant 1.000000e+00 : f32
        %parallel_loop3A_1297 = vector.broadcast %parallel_loop3A_1296 : f32 to vector<16xf32>
        %parallel_loop3A_1298 = arith.mulf %parallel_loop3A_1291, %parallel_loop3A_1297 : vector<16xf32>
        %parallel_loop3A_1299 = arith.constant 36 : i32
        %parallel_loop3A_1300 = vector.broadcast %parallel_loop3A_1299 : i32 to vector<16xi32>
        %parallel_loop3A_1301 = arith.addi %parallel_loop3A_34, %parallel_loop3A_1300 : vector<16xi32>
        tpu.vector_store_idx %arg9[%parallel_loop3A_1301], %parallel_loop3A_1298 : memref<20736xf32, #tpu.memory_space<vmem>>[vector<16xi32>], vector<16xf32>,
        %parallel_loop3A_1302 = arith.constant 1.000000e+00 : f32
        %parallel_loop3A_1303 = vector.broadcast %parallel_loop3A_1302 : f32 to vector<16xf32>
        %parallel_loop3A_1304 = arith.mulf %parallel_loop3A_1292, %parallel_loop3A_1303 : vector<16xf32>
        %parallel_loop3A_1305 = arith.constant 37 : i32
        %parallel_loop3A_1306 = vector.broadcast %parallel_loop3A_1305 : i32 to vector<16xi32>
        %parallel_loop3A_1307 = arith.addi %parallel_loop3A_34, %parallel_loop3A_1306 : vector<16xi32>
        tpu.vector_store_idx %arg9[%parallel_loop3A_1307], %parallel_loop3A_1304 : memref<20736xf32, #tpu.memory_space<vmem>>[vector<16xi32>], vector<16xf32>,
        %parallel_loop3A_1308 = arith.constant 1.000000e+00 : f32
        %parallel_loop3A_1309 = vector.broadcast %parallel_loop3A_1308 : f32 to vector<16xf32>
        %parallel_loop3A_1310 = arith.mulf %parallel_loop3A_1293, %parallel_loop3A_1309 : vector<16xf32>
        %parallel_loop3A_1311 = arith.constant 38 : i32
        %parallel_loop3A_1312 = vector.broadcast %parallel_loop3A_1311 : i32 to vector<16xi32>
        %parallel_loop3A_1313 = arith.addi %parallel_loop3A_34, %parallel_loop3A_1312 : vector<16xi32>
        tpu.vector_store_idx %arg9[%parallel_loop3A_1313], %parallel_loop3A_1310 : memref<20736xf32, #tpu.memory_space<vmem>>[vector<16xi32>], vector<16xf32>,
        %parallel_loop3A_1314 = arith.constant 1.000000e+00 : f32
        %parallel_loop3A_1315 = vector.broadcast %parallel_loop3A_1314 : f32 to vector<16xf32>
        %parallel_loop3A_1316 = arith.mulf %parallel_loop3A_1294, %parallel_loop3A_1315 : vector<16xf32>
        %parallel_loop3A_1317 = arith.constant 39 : i32
        %parallel_loop3A_1318 = vector.broadcast %parallel_loop3A_1317 : i32 to vector<16xi32>
        %parallel_loop3A_1319 = arith.addi %parallel_loop3A_34, %parallel_loop3A_1318 : vector<16xi32>
        tpu.vector_store_idx %arg9[%parallel_loop3A_1319], %parallel_loop3A_1316 : memref<20736xf32, #tpu.memory_space<vmem>>[vector<16xi32>], vector<16xf32>,
        %parallel_loop3A_1320 = arith.constant 1.000000e+00 : f32
        %parallel_loop3A_1321 = vector.broadcast %parallel_loop3A_1320 : f32 to vector<16xf32>
        %parallel_loop3A_1322 = arith.mulf %parallel_loop3A_1295, %parallel_loop3A_1321 : vector<16xf32>
        %parallel_loop3A_1323 = arith.constant 40 : i32
        %parallel_loop3A_1324 = vector.broadcast %parallel_loop3A_1323 : i32 to vector<16xi32>
        %parallel_loop3A_1325 = arith.addi %parallel_loop3A_34, %parallel_loop3A_1324 : vector<16xi32>
        tpu.vector_store_idx %arg9[%parallel_loop3A_1325], %parallel_loop3A_1322 : memref<20736xf32, #tpu.memory_space<vmem>>[vector<16xi32>], vector<16xf32>,
      } {sc.loop_unroll_factor = 1 : i64, sc.parallel_access}
      %parallel_loop3A_17 = arith.constant 0 : i32
      %parallel_loop3A_18 = arith.constant 256 : i32
      %parallel_loop3A_19 = arith.constant 1 : i32
      scf.for %parallel_loop3A_20 = %parallel_loop3A_17 to %parallel_loop3A_18 step %parallel_loop3A_19  : i32 {
        %parallel_loop3A_21 = arith.constant 81 : i32
        %parallel_loop3A_22 = arith.muli %parallel_loop3A_20, %parallel_loop3A_21 : i32
        %parallel_loop3A_23 = arith.constant 0 : i32
        %parallel_loop3A_24 = arith.addi %parallel_loop3A_22, %parallel_loop3A_23 : i32
        %parallel_loop3A_25 = arith.index_cast %parallel_loop3A_24 : i32 to index
        %parallel_loop3A_26 = tpu.vector_load %arg9[%parallel_loop3A_25] {strides = array<i32>} : memref<20736xf32, #tpu.memory_space<vmem>>, vector<16xf32>,
        %parallel_loop3A_27 = arith.index_cast %parallel_loop3A_20 : i32 to index
        %parallel_loop3A_28 = arith.constant 0 : index
        %parallel_loop3A_29 = tpu.vector_load %arg10[%parallel_loop3A_27, %parallel_loop3A_28] {strides = array<i32>} : memref<256x81xf32, #tpu.memory_space<vmem>>, vector<16xf32>,
        tpu.vector_store %arg10[%parallel_loop3A_27, %parallel_loop3A_28], %parallel_loop3A_26 {strides = array<i32>} : memref<256x81xf32, #tpu.memory_space<vmem>>, vector<16xf32>,
        %parallel_loop3A_30 = arith.constant 81 : i32
        %parallel_loop3A_31 = arith.muli %parallel_loop3A_20, %parallel_loop3A_30 : i32
        %parallel_loop3A_32 = arith.constant 16 : i32
        %parallel_loop3A_33 = arith.addi %parallel_loop3A_31, %parallel_loop3A_32 : i32
        %parallel_loop3A_34 = arith.index_cast %parallel_loop3A_33 : i32 to index
        %parallel_loop3A_35 = tpu.vector_load %arg9[%parallel_loop3A_34] {strides = array<i32>} : memref<20736xf32, #tpu.memory_space<vmem>>, vector<16xf32>,
        %parallel_loop3A_36 = arith.index_cast %parallel_loop3A_20 : i32 to index
        %parallel_loop3A_37 = arith.constant 16 : index
        %parallel_loop3A_38 = tpu.vector_load %arg10[%parallel_loop3A_36, %parallel_loop3A_37] {strides = array<i32>} : memref<256x81xf32, #tpu.memory_space<vmem>>, vector<16xf32>,
        tpu.vector_store %arg10[%parallel_loop3A_36, %parallel_loop3A_37], %parallel_loop3A_35 {strides = array<i32>} : memref<256x81xf32, #tpu.memory_space<vmem>>, vector<16xf32>,
        %parallel_loop3A_39 = arith.constant 81 : i32
        %parallel_loop3A_40 = arith.muli %parallel_loop3A_20, %parallel_loop3A_39 : i32
        %parallel_loop3A_41 = arith.constant 32 : i32
        %parallel_loop3A_42 = arith.addi %parallel_loop3A_40, %parallel_loop3A_41 : i32
        %parallel_loop3A_43 = arith.index_cast %parallel_loop3A_42 : i32 to index
        %parallel_loop3A_44 = tpu.vector_load %arg9[%parallel_loop3A_43] {strides = array<i32>} : memref<20736xf32, #tpu.memory_space<vmem>>, vector<16xf32>,
        %parallel_loop3A_45 = arith.index_cast %parallel_loop3A_20 : i32 to index
        %parallel_loop3A_46 = arith.constant 32 : index
        %parallel_loop3A_47 = tpu.vector_load %arg10[%parallel_loop3A_45, %parallel_loop3A_46] {strides = array<i32>} : memref<256x81xf32, #tpu.memory_space<vmem>>, vector<16xf32>,
        tpu.vector_store %arg10[%parallel_loop3A_45, %parallel_loop3A_46], %parallel_loop3A_44 {strides = array<i32>} : memref<256x81xf32, #tpu.memory_space<vmem>>, vector<16xf32>,
        %parallel_loop3A_48 = arith.constant 81 : i32
        %parallel_loop3A_49 = arith.muli %parallel_loop3A_20, %parallel_loop3A_48 : i32
        %parallel_loop3A_50 = arith.constant 48 : i32
        %parallel_loop3A_51 = arith.addi %parallel_loop3A_49, %parallel_loop3A_50 : i32
        %parallel_loop3A_52 = arith.index_cast %parallel_loop3A_51 : i32 to index
        %parallel_loop3A_53 = tpu.vector_load %arg9[%parallel_loop3A_52] {strides = array<i32>} : memref<20736xf32, #tpu.memory_space<vmem>>, vector<16xf32>,
        %parallel_loop3A_54 = arith.index_cast %parallel_loop3A_20 : i32 to index
        %parallel_loop3A_55 = arith.constant 48 : index
        %parallel_loop3A_56 = tpu.vector_load %arg10[%parallel_loop3A_54, %parallel_loop3A_55] {strides = array<i32>} : memref<256x81xf32, #tpu.memory_space<vmem>>, vector<16xf32>,
        tpu.vector_store %arg10[%parallel_loop3A_54, %parallel_loop3A_55], %parallel_loop3A_53 {strides = array<i32>} : memref<256x81xf32, #tpu.memory_space<vmem>>, vector<16xf32>,
        %parallel_loop3A_57 = arith.constant 81 : i32
        %parallel_loop3A_58 = arith.muli %parallel_loop3A_20, %parallel_loop3A_57 : i32
        %parallel_loop3A_59 = arith.constant 64 : i32
        %parallel_loop3A_60 = arith.addi %parallel_loop3A_58, %parallel_loop3A_59 : i32
        %parallel_loop3A_61 = arith.index_cast %parallel_loop3A_60 : i32 to index
        %parallel_loop3A_62 = tpu.vector_load %arg9[%parallel_loop3A_61] {strides = array<i32>} : memref<20736xf32, #tpu.memory_space<vmem>>, vector<16xf32>,
        %parallel_loop3A_63 = arith.index_cast %parallel_loop3A_20 : i32 to index
        %parallel_loop3A_64 = arith.constant 64 : index
        %parallel_loop3A_65 = tpu.vector_load %arg10[%parallel_loop3A_63, %parallel_loop3A_64] {strides = array<i32>} : memref<256x81xf32, #tpu.memory_space<vmem>>, vector<16xf32>,
        tpu.vector_store %arg10[%parallel_loop3A_63, %parallel_loop3A_64], %parallel_loop3A_62 {strides = array<i32>} : memref<256x81xf32, #tpu.memory_space<vmem>>, vector<16xf32>,
        %parallel_loop3A_66 = arith.constant 81 : i32
        %parallel_loop3A_67 = arith.muli %parallel_loop3A_20, %parallel_loop3A_66 : i32
        %parallel_loop3A_68 = arith.constant 65 : i32
        %parallel_loop3A_69 = arith.addi %parallel_loop3A_67, %parallel_loop3A_68 : i32
        %parallel_loop3A_70 = arith.index_cast %parallel_loop3A_69 : i32 to index
        %parallel_loop3A_71 = tpu.vector_load %arg9[%parallel_loop3A_70] {strides = array<i32>} : memref<20736xf32, #tpu.memory_space<vmem>>, vector<16xf32>,
        %parallel_loop3A_72 = arith.index_cast %parallel_loop3A_20 : i32 to index
        %parallel_loop3A_73 = arith.constant 65 : index
        %parallel_loop3A_74 = tpu.vector_load %arg10[%parallel_loop3A_72, %parallel_loop3A_73] {strides = array<i32>} : memref<256x81xf32, #tpu.memory_space<vmem>>, vector<16xf32>,
        tpu.vector_store %arg10[%parallel_loop3A_72, %parallel_loop3A_73], %parallel_loop3A_71 {strides = array<i32>} : memref<256x81xf32, #tpu.memory_space<vmem>>, vector<16xf32>,
      } {sc.loop_unroll_factor = 1 : i64, sc.parallel_access}
      "tpu.region"() ({
        %run_scoped3A = tpu.sem_alloc : memref<!tpu.dma_semaphore, #tpu.memory_space<semaphore_mem>>
        %dma_start3A = arith.constant 0 : i32
        %dma_start3A_20 = tpu.memref_slice %arg4[%add3A_11, %dma_start3A] : memref<65536x81xf32, #tpu.memory_space<hbm>> -> memref<256x81xf32, #tpu.memory_space<hbm>>
        %dma_start3A_21 = arith.constant 0 : i32
        %dma_start3A_22 = tpu.memref_slice %arg4[%add3A_11, %dma_start3A_21] : memref<65536x81xf32, #tpu.memory_space<hbm>> -> memref<256x81xf32, #tpu.memory_space<hbm>>
        tpu.enqueue_dma source(%arg10 : memref<256x81xf32, #tpu.memory_space<vmem>>) target(%dma_start3A_22 : memref<256x81xf32, #tpu.memory_space<hbm>>) target_semaphore(%run_scoped3A : memref<!tpu.dma_semaphore, #tpu.memory_space<semaphore_mem>>)
        %dma_wait3A = arith.constant 0 : i32
        %dma_wait3A_23 = tpu.memref_slice %arg4[%add3A_11, %dma_wait3A] : memref<65536x81xf32, #tpu.memory_space<hbm>> -> memref<256x81xf32, #tpu.memory_space<hbm>>
        %dma_wait3A_24 = arith.constant 0 : i32
        %dma_wait3A_25 = tpu.memref_slice %arg4[%add3A_11, %dma_wait3A_24] : memref<65536x81xf32, #tpu.memory_space<hbm>> -> memref<256x81xf32, #tpu.memory_space<hbm>>
        tpu.wait_dma2 semaphore(%run_scoped3A : memref<!tpu.dma_semaphore, #tpu.memory_space<semaphore_mem>>) src(%arg10 : memref<256x81xf32, #tpu.memory_space<vmem>>) dst(%dma_wait3A_25 : memref<256x81xf32, #tpu.memory_space<hbm>>)
        tpu.yield
      }) : () -> ()
    }
    %scan3A_7 = arith.constant 8 : i32
    return
  }
}

</mosaic_0001>

<sc_bundles>
// kernel: kernel.3.cloned.1.call-start
scs
__scs_entry_jumppad:
0x0: {  	(pc) =	sbr.rel $0x88, $3  }
0x1: {  	(tag) =	ssettag $0x0;
	lr =	simm.s32 $0x1  }
0x2: {  	[smem:$0x3F9F] =	sst lr;
	_ =	strace $0xD0000000  }
0x3: {  	_ = 	snop  }
0x4: {  	_ = 	snop  }
0x5: {  	_ = 	snop  }
0x6: {  	_ = 	snop  }
0x7: {  	_ = 	snop  }
__scs_overlays_trampoline_lowered:
0x8: {  	[smem:$0x3FAE] =	sst s0  }
0x9: {  	[smem:$0x3FAF] =	sst s1  }
0xa: {  	[smem:$0x3FB0] =	sst s2  }
0xb: {  	[smem:$0x3FB1] =	sst s3  }
0xc: {  	[smem:$0x3FB2] =	sst s4  }
0xd: {  	[smem:$0x3FB3] =	sst s5  }
0xe: {  	[smem:$0x3FB4] =	sst s6  }
0xf: {  	[smem:$0x3FB5] =	sst s7  }
0x10: {  	[smem:$0x3FB6] =	sst s8  }
0x11: {  	[smem:$0x3FB7] =	sst s9;
	s0 =	simm.s32 @!p0 $0x0  }
0x12: {  	s1 =	sld [smem:$0x3F9D];
	s0 =	simm.s32 @p0 $0x1  }
0x13: {  	[smem:$0x3FB8] =	sst s0;
	s0 =	simm.s32 @!p1 $0x0  }
0x14: {  	s2 =	sld [smem:$0x3F9C];
	s0 =	simm.s32 @p1 $0x1  }
0x15: {  	[smem:$0x3FB9] =	sst s0;
	s0 =	simm.s32 @!p2 $0x0  }
0x16: {  	s3 =	sld [smem:$0x3FDB];
	s0 =	simm.s32 @p2 $0x1  }
0x17: {  	s4 =	simm.s32 $0x1BF5;
	[smem:$0x3FBB] =	sst s0  }
0x18: {  	s0 =	sld [smem:$0x3F9E];
	_ =	swait.ge [sflag:s4], $0x0  }
0x19: {  	s7 =	sld [smem:$0x3F9F]  }
0x1a: {  	s8 =	sadd.s32 $0xFFFFE003, lr  }
0x1b: {  	s9 =	sadd.s32 $0xFFFFFEF7, lr;
	s5 =	simm.s32 $0xFFFFFFFF;
	p2 =	slt.u32 s8, $0xFFFFF086  }
0x1c: {  	p1 =	slt.u32 s9, $0xF7A;
	s5 =	simm.s32 @!p2 $0x0  }
0x1d: {  	s5 =	simm.s32 @p1 $0x1;
	p0 =	seq.s32 s7, s2  }
0x1e: {  	s7 =	smul.u32 @!p0 $0xF7A, s2;
	p2 =	seq.s32 @!p0 s5, $0x0  }
0x1f: {  	s9 =	smul.u32 $0xF7A, s1;
	s8 =	simm.s32 @!p0 $0x1BF5;
	p2 =	por !p2, p0  }
0x20: {  	[sflag:s8] =	ssyncset.s32 @!p0 $0xFFFFF086;
	s6 =	sadd.s32 @!p0 s3, s7;
	s7 =	simm.s32 @!p0 $0x108  }
0x21: {  	s3 =	sadd.s32 s3, s9;
	s6 =	sadd.s32 @!p0 $0x88, s6;
	s7 =	simm.s32 @p2 $0x1082  }
0x22: {  	[simem:s7], [sflag:s8] =	dma.local @!p0 [hbm:s6], $0xF7A  }
0x23: {  	s9 =	sor.u32 $0xD0000000, s2;
	s6 =	simm.s32 $0x108;
	_ =	swait.ge @!p0 [sflag:s8], $0x0  }
0x24: {  	s3 =	sadd.s32 $0x88, s3;
	s6 =	simm.s32 @!p1 $0x1082;
	[sflag:s4] =	ssyncset.s32 $0xFFFFF086  }
0x25: {  	[simem:s6], [sflag:s4] =	dma.local [hbm:s3], $0xF7A  }
0x26: {  	[smem:$0x3F9F] =	sst s1;
	(tag) =	ssettag s2;
	_ =	strace s9  }
0x27: {  	s1 =	sld [smem:$0x3FAF]  }
0x28: {  	s2 =	sld [smem:$0x3FB0]  }
0x29: {  	s4 =	sld [smem:$0x3FB2]  }
0x2a: {  	p0 =	seq.s32 s5, $0x0;
	s5 =	sld [smem:$0x3FB3]  }
0x2b: {  	s6 =	sld [smem:$0x3FB4]  }
0x2c: {  	s7 =	sld [smem:$0x3FB5]  }
0x2d: {  	s3 =	simm.s32 $0x108;
	s8 =	sld [smem:$0x3FB6]  }
0x2e: {  	s3 =	simm.s32 @!p0 $0x1082;
	s9 =	sld [smem:$0x3FB7]  }
0x2f: {  	lr =	sadd.s32 s0, s3;
	s0 =	sld [smem:$0x3FAE]  }
0x30: {  	s3 =	sld [smem:$0x3FB1]  }
0x31: {  	[smem:$0x3FBA] =	sst s10  }
0x32: {  	s10 =	sld [smem:$0x3FB8];
	_ =	sdelay $0x3  }
0x33: {  	p0 =	seq.s32 s10, $0x1;
	s10 =	sld [smem:$0x3FBA];
	_ =	sdelay $0x3  }
0x34: {  	[smem:$0x3FBA] =	sst s10  }
0x35: {  	s10 =	sld [smem:$0x3FB9];
	_ =	sdelay $0x3  }
0x36: {  	p1 =	seq.s32 s10, $0x1;
	s10 =	sld [smem:$0x3FBA];
	_ =	sdelay $0x3  }
0x37: {  	[smem:$0x3FBA] =	sst s10  }
0x38: {  	s10 =	sld [smem:$0x3FBB]  }
0x39: {  	_ = 	snop;
	(pc) =	sbr.ind lr, $3  }
0x3a: {  	_ = 	snop  }
0x3b: {  	_ = 	snop  }
0x3c: {  	p2 =	seq.s32 s10, $0x1;
	s10 =	sld [smem:$0x3FBA]  }
0x3d: {  	_ =	shalt  }
0x3e: {  	_ =	shalt  }
0x3f: {  	_ =	shalt  }
0x40: {  	_ =	shalt  }
0x41: {  	_ =	shalt  }
0x42: {  	_ =	shalt  }
0x43: {  	_ =	shalt  }
0x44: {  	_ =	shalt  }
0x45: {  	_ =	shalt  }
0x46: {  	_ =	shalt  }
0x47: {  	_ =	shalt  }
0x48: {  	_ =	shalt  }
0x49: {  	_ =	shalt  }
0x4a: {  	_ =	shalt  }
0x4b: {  	_ =	shalt  }
0x4c: {  	_ =	shalt  }
0x4d: {  	_ =	shalt  }
0x4e: {  	_ =	shalt  }
0x4f: {  	_ =	shalt  }
0x50: {  	_ =	shalt  }
0x51: {  	_ =	shalt  }
0x52: {  	_ =	shalt  }
0x53: {  	_ =	shalt  }
0x54: {  	_ =	shalt  }
0x55: {  	_ =	shalt  }
0x56: {  	_ =	shalt  }
0x57: {  	_ =	shalt  }
0x58: {  	_ =	shalt  }
0x59: {  	_ =	shalt  }
0x5a: {  	_ =	shalt  }
0x5b: {  	_ =	shalt  }
0x5c: {  	_ =	shalt  }
0x5d: {  	_ =	shalt  }
0x5e: {  	_ =	shalt  }
0x5f: {  	_ =	shalt  }
0x60: {  	_ =	shalt  }
0x61: {  	_ =	shalt  }
0x62: {  	_ =	shalt  }
0x63: {  	_ =	shalt  }
0x64: {  	_ =	shalt  }
0x65: {  	_ =	shalt  }
0x66: {  	_ =	shalt  }
0x67: {  	_ =	shalt  }
0x68: {  	_ =	shalt  }
0x69: {  	_ =	shalt  }
0x6a: {  	_ =	shalt  }
0x6b: {  	_ =	shalt  }
0x6c: {  	_ =	shalt  }
0x6d: {  	_ =	shalt  }
0x6e: {  	_ =	shalt  }
0x6f: {  	_ =	shalt  }
0x70: {  	_ =	shalt  }
0x71: {  	_ =	shalt  }
0x72: {  	_ =	shalt  }
0x73: {  	_ =	shalt  }
0x74: {  	_ =	shalt  }
0x75: {  	_ =	shalt  }
0x76: {  	_ =	shalt  }
0x77: {  	_ =	shalt  }
0x78: {  	_ =	shalt  }
0x79: {  	_ =	shalt  }
0x7a: {  	_ =	shalt  }
0x7b: {  	_ =	shalt  }
0x7c: {  	_ =	shalt  }
0x7d: {  	_ =	shalt  }
0x7e: {  	_ =	shalt  }
0x7f: {  	_ =	shalt  }
0x80: {  	_ =	shalt  }
0x81: {  	_ =	shalt  }
0x82: {  	_ =	shalt  }
0x83: {  	_ =	shalt  }
0x84: {  	_ =	shalt  }
0x85: {  	_ =	shalt  }
0x86: {  	_ =	shalt  }
0x87: {  	_ =	shalt  }
.Lfunc_end0:
.L_simem_size_0:
called_computation_lowered:
.L_overlay_start_0:
0x88: {  	s2 =	sld [smem:$0x3FD9]  }
0x89: {  	s3 =	sld [smem:$0x3FFE];
	_ =	sdelay $0x1  }
0x8a: {  	s1 =	srdreg.scid  }
0x8b: {  	s0 =	sand.u32 $0x1, s1  }
0x8c: {  	s16 =	sshll.u32 s0, $0xA;
	s2 =	sadd.s32 s3, s2  }
0x8d: {  	s2 =	sadd.s32 s2, s16  }
0x8e: {  	[smem:$0x3FC6] =	sst s2  }
0x8f: {  	_ = 	snop  }
0x90: {  	(tm) =	ssettm $0x1  }
0x91: {  	s17 =	sld [smem:$0x3FFB];
	_ =	sdelay $0x3  }
0x92: {  	_ =	strace s17  }
0x93: {  	s2 =	sld [smem:$0x3FFC];
	_ =	sdelay $0x3  }
0x94: {  	_ =	strace s2  }
0x95: {  	s2 =	sld [smem:$0x3FFD];
	_ =	sdelay $0x3  }
0x96: {  	_ =	strace s2  }
0x97: {  	_ =	strace $0x8FFFFFFF  }
0x98: {  	s18 =	sld [smem:$0x3FDB];
	_ =	sdelay $0x1  }
0x99: {  	s19 =	simm.s32 $_scs_section_size  }
0x9a: {  	s4 =	simm.s32 $_size__tile_overlayer_lowered;
	s5 =	simm.s32 $_tile_overlayer_lowered  }
0x9b: {  	s22 =	simm.s32 $0x1BFF;
	s21 =	sshll.u32 s5, $0x1;
	s2 =	sadd.s32 s19, s18  }
0x9c: {  	s6 =	simm.s32 $0x0;
	s20 =	sshll.u32 s4, $0x1;
	s4 =	sadd.s32 s21, s2  }
0x9d: {  	[timem:s6], [sflag:s22] =	dma.local [hbm:s4], s20  }
0x9e: {  	_ =	swait.ge [sflag:s22], s20  }
0x9f: {  	s3 =	ssub.s32 $0x0, s20;
	[sflag:s22] =	ssyncset.done $0x0  }
0xa0: {  	[sflag:s22] =	ssyncadd.s32 s3;
	_ =	sdelay $0x1  }
0xa1: {  	s23 =	simm.s32 $0x1B8B  }
0xa2: {  	_ =	swait.ge [sflag:s23], $0x1  }
0xa3: {  	[sflag:s23] =	ssyncset.done $0x0  }
0xa4: {  	s25 =	simm.s32 $0x1B8E;
	s24 =	sld [smem:$0x3FFE];
	[sflag:s23] =	ssyncadd.s32 $0xFFFFFFFF  }
0xa5: {  	s26 =	simm.s32 $execute0_lowered;
	[smem:$0x3FD2] =	sst s25  }
0xa6: {  	s4 =	sshll.u32 s26, $0x1;
	_ =	strace $0x80000046;
	[dreg:$0x1] =	wrdreg $0xFFFFFFFF  }
0xa7: {  	s28 =	simm.s32 $_size_execute0_lowered;
	s2 =	sadd.s32 s2, s4;
	[dreg:$0x0] =	wrdreg $0x0  }
0xa8: {  	s4 =	sshll.u32 s28, $0x1;
	[dreg:$0x2] =	wrdreg s2  }
0xa9: {  	[dreg:$0x3] =	wrdreg s4  }
0xaa: {  	[dreg:$0x4] =	wrdreg $0xC0  }
0xab: {  	_ =	task [dreg:s6], $0x5FFFF  }
0xac: {  	[dreg:$0x1] =	wrdreg $0xFFFFFFFF  }
0xad: {  	[dreg:$0x0] =	wrdreg $0x60  }
0xae: {  	[dreg:$0x2] =	wrdreg s24  }
0xaf: {  	[dreg:$0x3] =	wrdreg $0x9  }
0xb0: {  	_ =	task.clear_ibuf [dreg:s6], $0x4FFFF;
	_ =	strace $0x90000046  }
0xb1: {  	s29 =	simm.s32 $0x9;
	_ =	strace $0x80000048  }
0xb2: {  	_ =	swait.ge [sflag:s29], $0x1  }
0xb3: {  	[sflag:s29] =	ssyncadd.s32 $0xFFFFFFFF  }
0xb4: {  	_ =	strace $0x90000048  }
0xb5: {  	_ =	sfence  }
0xb6: {  	s30 =	sld [smem:$0x0];
	_ =	sdelay $0x2  }
0xb7: {  	s31 =	sshll.u32 s1, $0xD;
	s1 =	sshrl.u32 s1, $0x2  }
0xb8: {  	s3 =	sand.u32 $0x4000, s31;
	s1 =	sadd.s32 s1, s30  }
0xb9: {  	s0 =	sor.u32 s3, s0;
	s1 =	sshll.u32 s1, $0x11  }
0xba: {  	s0 =	sor.u32 s1, s0  }
0xbb: {  	s0 =	sadd.s32 $0x8F2B, s0  }
0xbc: {  	[sflag:s0] =	ssyncadd.remote.s32 $0x1  }
0xbd: {  	_ =	sfence.sel $0xFFFF  }
0xbe: {  	[dreg:$0x0] =	wrdreg $0xFFFFFFFF;
	(pc) =	sbr.abs _section_cstart, $3  }
0xbf: {  	[dreg:$0x1] =	wrdreg $0xFFFFFFFF  }
0xc0: {  	_ =	task.clear_ibuf [dreg:s6], $0x2FFFF;
	_ =	strace $0x9FFFFFFF  }
0xc1: {  	(tm) =	ssettm $0x7FFFFFFF  }
tec
execute0_lowered:
.L_overlay_start_1:
0x0: {  	(tag) =	ssettag $0x1  }
0x1: {  	s5 =	rddreg [dreg:$0x0]  }
0x2: {  	s0 =	rddreg [dreg:$0x1];
	s1 =	simm.s32 $0x0  }
0x3: {  	s2 =	srdreg.scid;
	s9 =	simm.s32 $0x10000;
	s10 =	simm.s32 $0x10900  }
0x4: {  	s11 =	simm.s32 $0x11200;
	s12 =	simm.s32 $0x16300;
	s13 =	simm.s32 $0x0  }
0x5: {  	[smem:$0x7FF] =	sst s1;
	s6 =	sand.u32 $0x1, s2;
	s3 =	sadd.s32 $0x600, s5  }
0x6: {  	s4 =	sadd.s32 $0x100600, s5;
	s2 =	stileid.u32;
	s7 =	ssub.s32 $0x2, s6  }
0x7: {  	s5 =	sadd.s32 $0x200600, s5;
	_ =	strace $0x80000047;
	s8 =	sshrl.u32 s7, $0x1  }
0x8: {  	s31 =	sshll.u32 s2, $0x10;
	s6 =	sshll.u32 s6, $0xF;
	s7 =	ssub.s32 s7, s8  }
0x9: {  	v47 =	vlaneseq.u32;
	s6 =	sor.u32 s6, s31;
	s8 =	simm.s32 $0x1;
	s7 =	smax.u32 s7, $0x1  }
.LBB2_1:
0xa: {  	s14 =	simm.s32 $0x0  }
.LBB2_2:
0xb: {  	s15 =	sshll.u32 s14, $0xC  }
0xc: {  	s15 =	sadd.s32 s6, s15  }
0xd: {  	s16 =	simm.s32 $0x0;
	s17 =	sadd.s32 s3, s15  }
0xe: {  	[tilespmem:s16], [sflag:$0x1] =	stream.linear.gather [hbm4b:s17+s16], $0x8000, $0x38;
	[tilespmem:$0x1E300] =	vst v63  }
0xf: {  	_ =	swait.ge [sflag:s8], $0x8000  }
0x10: {  	[sflag:s8] =	ssyncset.done $0x0  }
0x11: {  	s18 =	sadd.s32 s4, s15;
	s17 =	simm.s32 $0x8000;
	[sflag:s8] =	ssyncadd.s32 $0xFFFF8000  }
0x12: {  	[tilespmem:s17], [sflag:$0x1] =	stream.linear.gather [hbm4b:s18+s16], $0x8000, $0x38;
	[tilespmem:$0x1E300] =	vst v63  }
0x13: {  	_ =	swait.ge [sflag:s8], $0x8000  }
0x14: {  	[sflag:s8] =	ssyncset.done $0x0  }
0x15: {  	[sflag:s8] =	ssyncadd.s32 $0xFFFF8000  }
0x16: {  	v0 =	vadd.s32 s16, v47;
	v2 =	vld [tilespmem:s16+$0x0];
	_ =	sdelay $0x3  }
0x17: {  	s31 =	simm.s32 $0x9;
	s19 =	simm.s32 $0x80  }
0x18: {  	v1 =	vadd.s32 s31, v47;
	v3 =	vld [tilespmem:s19+$0x0];
	[tilespmem:v0+s9+$0x0] =	vst.idx.msk $0x1ff, v2  }
0x19: {  	v2 =	vld [tilespmem:s17+$0x0];
	_ =	sdelay $0x3  }
0x1a: {  	s18 =	simm.s32 $0x12;
	s19 =	simm.s32 $0x100;
	[tilespmem:v1+s9+$0x0] =	vst.idx.msk $0x1ff, v3  }
.LBB2_3:
0x1b: {  	v3 =	vld [tilespmem:s19+$0x0];
	[tilespmem:v0+s10+$0x0] =	vst.idx.msk $0x1ff, v2;
	s17 =	sadd.s32 $0x80, s17;
	v0 =	vmov v1;
	v1 =	vadd.s32 s18, v47;
	p0 =	sne.s32 s18, $0x8F7  }
.Ltmp0:
0x1c: {  	s18 =	sadd.s32 $0x9, s18;
	v2 =	vld [tilespmem:s17+$0x0];
	(pc) =	sbr.rel @p0 .LBB2_3-.Ltmp0, $2  }
0x1d: {  	_ =	sdelay $0x2  }
0x1e: {  	s19 =	sadd.s32 $0x80, s19;
	[tilespmem:v1+s9+$0x0] =	vst.idx.msk $0x1ff, v3  }
0x1f: {  	v3 =	vor.u32 s16, v47  }
0x20: {  	s31 =	sadd.s32 $0x80, s17;
	[tilespmem:$0x1FD50] =	vst v3;
	v11 =	vmul.u32 $0x9, v3  }
0x21: {  	v3 =	vld [tilespmem:s31+$0x0]  }
0x22: {  	v4 =	vadd.s32 $0x3, v11  }
0x23: {  	v5 =	vadd.s32 $0x1, v11;
	_ =	sdelay $0x1  }
0x24: {  	[tilespmem:v0+s10+$0x0] =	vst.idx.msk $0x1ff, v2;
	v2 =	vadd.s32 $0x2, v11  }
0x25: {  	[tilespmem:v1+s10+$0x0] =	vst.idx.msk $0x1ff, v3  }
0x26: {  	v6 =	vld.idx.msk [tilespmem:v4+s10+$0x0], $0xffff  }
0x27: {  	v10 =	vadd.s32 $0x4, v11;
	v12 =	vld.idx.msk [tilespmem:v5+s9+$0x0], $0xffff  }
0x28: {  	v9 =	vadd.s32 $0x5, v11;
	v0 =	vld.idx.msk [tilespmem:v5+s10+$0x0], $0xffff  }
0x29: {  	v8 =	vadd.s32 $0x6, v11;
	v3 =	vld.idx.msk [tilespmem:v2+s10+$0x0], $0xffff  }
0x2a: {  	v1 =	vadd.s32 $0x8, v11;
	v28 =	vld.idx.msk [tilespmem:v4+s9+$0x0], $0xffff  }
0x2b: {  	v34 =	vld.idx.msk [tilespmem:v2+s9+$0x0], $0xffff  }
0x2c: {  	v2 =	vadd.s32 $0x7, v11;
	v14 =	vld.idx.msk [tilespmem:v10+s9+$0x0], $0xffff  }
0x2d: {  	v7 =	vld.idx.msk [tilespmem:v9+s9+$0x0], $0xffff  }
0x2e: {  	v18 =	vld.idx.msk [tilespmem:v8+s9+$0x0], $0xffff  }
0x2f: {  	v17 =	vld.idx.msk [tilespmem:v1+s10+$0x0], $0xffff;
	v15 =	vmul.f32 v6, v28  }
0x30: {  	v61 =	vld.idx.msk [tilespmem:v1+s9+$0x0], $0xffff;
	v16 =	vmul.f32 v3, v28;
	v20 =	vmul.f32 v6, v34  }
0x31: {  	v62 =	vld.idx.msk [tilespmem:v2+s9+$0x0], $0xffff;
	[tilespmem:$0x1FE20] =	vst v6;
	v21 =	vmul.f32 v0, v28;
	v22 =	vmul.f32 v6, v12  }
0x32: {  	v23 =	vmul.f32 v0, v34;
	v24 =	vmul.f32 v3, v12;
	v19 =	vld.idx.msk [tilespmem:v2+s10+$0x0], $0xffff;
	v2 =	vmov v12  }
0x33: {  	v27 =	vmul.f32 v3, v34;
	v26 =	vmul.f32 v0, v2  }
0x34: {  	v42 =	vmul.f32 $5.773502590e-01, v15;
	v16 =	vmul.f32 $7.071067690e-01, v16  }
0x35: {  	v20 =	vmul.f32 $7.071067690e-01, v20;
	v21 =	vmul.f32 $7.071067690e-01, v21  }
0x36: {  	v22 =	vmul.f32 $7.071067690e-01, v22;
	v23 =	vmul.f32 $7.071067690e-01, v23  }
0x37: {  	v24 =	vmul.f32 $7.071067690e-01, v24;
	v44 =	vmul.f32 $4.082483050e-01, v15  }
0x38: {  	[tilespmem:$0x1FE10] =	vst v3;
	v15 =	vmul.f32 $7.071067690e-01, v15;
	v53 =	vmul.f32 $5.773502590e-01, v27  }
0x39: {  	v8 =	vld.idx.msk [tilespmem:v8+s10+$0x0], $0xffff;
	[tilespmem:$0x1FE00] =	vst v0;
	v55 =	vmul.f32 $8.164966110e-01, v27;
	v33 =	vmul.f32 v17, v14  }
0x3a: {  	v6 =	vld.idx.msk [tilespmem:v10+s10+$0x0], $0xffff;
	v12 =	vmul.f32 v17, v18;
	v45 =	vmul.f32 $7.071067690e-01, v26  }
0x3b: {  	v9 =	vld.idx.msk [tilespmem:v9+s10+$0x0], $0xffff;
	v52 =	vmul.f32 $5.773502590e-01, v26;
	v54 =	vmul.f32 $4.082483050e-01, v26  }
0x3c: {  	v10 =	vmov v2;
	v30 =	vmul.f32 v19, v62;
	v2 =	vmul.f32 v19, v7  }
0x3d: {  	v3 =	vmul.f32 $7.071067690e-01, v12;
	v51 =	vmul.f32 $7.071067690e-01, v33  }
0x3e: {  	v31 =	vmul.f32 v8, v14;
	v1 =	vmul.f32 v8, v18  }
0x3f: {  	v37 =	vmul.f32 v8, v61;
	v29 =	vmul.f32 v6, v61  }
0x40: {  	v32 =	vmul.f32 v9, v62;
	v36 =	vmul.f32 v6, v18  }
0x41: {  	v25 =	vmul.f32 v6, v14;
	v38 =	vmul.f32 v9, v7  }
0x42: {  	v0 =	vsub.f32 v21, v22;
	v39 =	vmul.f32 v6, v7;
	v35 =	vmul.f32 v9, v61  }
0x43: {  	v40 =	vmul.f32 v9, v14;
	v41 =	vmul.f32 v6, v62  }
0x44: {  	[tilespmem:$0x1FD80] =	vst v0;
	v0 =	vadd.f32 v22, v21;
	v43 =	vmul.f32 v9, v18;
	v22 =	vmul.f32 v9, v34  }
0x45: {  	v21 =	vmul.f32 v6, v10;
	v46 =	vmul.f32 $7.071067690e-01, v37  }
0x46: {  	v13 =	vsub.f32 v24, v23;
	v49 =	vmul.f32 $7.071067690e-01, v31;
	v4 =	vmul.f32 $5.345224740e-01, v37  }
0x47: {  	v37 =	vmul.f32 $4.629100560e-01, v37;
	v48 =	vmul.f32 $7.071067690e-01, v36  }
0x48: {  	[tilespmem:$0x1FD90] =	vst v13;
	v13 =	vadd.f32 v24, v23;
	v50 =	vmul.f32 $7.071067690e-01, v29;
	v56 =	vmul.f32 $6.324555270e-01, v29  }
0x49: {  	v57 =	vmul.f32 $3.162277640e-01, v32;
	v58 =	vmul.f32 $5.345224740e-01, v36  }
0x4a: {  	[tilespmem:$0x1FDB0] =	vst v13;
	v13 =	vsub.f32 v20, v16;
	v59 =	vmul.f32 $4.629100560e-01, v32;
	v60 =	vmul.f32 $-4.629100560e-01, v38  }
0x4b: {  	[tilespmem:$0x1FDA0] =	vst v0;
	v5 =	vmul.f32 $-5.000000000e-01, v39;
	v63 =	vmul.f32 $5.000000000e-01, v40  }
0x4c: {  	v0 =	vmul.f32 $3.162277640e-01, v29;
	[tilespmem:$0x1FD70] =	vst v13;
	v13 =	vadd.f32 v20, v16;
	v16 =	vmul.f32 $6.324555270e-01, v32  }
0x4d: {  	v27 =	vmul.f32 $5.000000000e-01, v35;
	v36 =	vmul.f32 $4.629100560e-01, v36  }
0x4e: {  	v32 =	vmul.f32 $5.345224740e-01, v32;
	v29 =	vmul.f32 v19, v10  }
0x4f: {  	v3 =	vsub.f32 v3, v46;
	v46 =	vmul.f32 $4.472135900e-01, v25;
	[tilespmem:$0x1FDD0] =	vst v13;
	v13 =	vsub.f32 v15, v45  }
0x50: {  	v15 =	vmul.f32 $5.000000000e-01, v41;
	v45 =	vmul.f32 $5.345224740e-01, v38;
	v36 =	vadd.f32 v32, v36  }
0x51: {  	v32 =	vmul.f32 $-3.162277640e-01, v41;
	[tilespmem:$0x1FE30] =	vst v3;
	v3 =	vsub.f32 v49, v48;
	v48 =	vmul.f32 $4.472135900e-01, v38  }
0x52: {  	v49 =	vsub.f32 v55, v54;
	v55 =	vmul.f32 $2.672612370e-01, v38;
	v54 =	vadd.f32 v63, v5  }
0x53: {  	v38 =	vmul.f32 $4.780914490e-01, v38;
	[tilespmem:$0x1FDE0] =	vst v13;
	v13 =	vsub.f32 v16, v0;
	v16 =	vsub.f32 v27, v15  }
0x54: {  	v15 =	vadd.f32 v27, v15;
	v27 =	vmul.f32 $3.162277640e-01, v40;
	[tilespmem:$0x1FE60] =	vst v3;
	v3 =	vadd.f32 v51, v50  }
0x55: {  	v50 =	vmul.f32 $5.345224740e-01, v25;
	v51 =	vsub.f32 v37, v45;
	v45 =	vadd.f32 v48, v46  }
0x56: {  	v46 =	vmul.f32 $4.629100560e-01, v41;
	[tilespmem:$0x1FE80] =	vst v3;
	v3 =	vadd.f32 v53, v52;
	v52 =	vadd.f32 v57, v56  }
0x57: {  	v56 =	vsub.f32 v59, v58;
	v57 =	vmul.f32 $1.195228620e-01, v25;
	v58 =	vsub.f32 v60, v4  }
0x58: {  	v59 =	vmul.f32 $3.162277640e-01, v39;
	v53 =	vsub.f32 v5, v63;
	v60 =	vmul.f32 $5.477225780e-01, v43  }
0x59: {  	v48 =	vsub.f32 v55, v50;
	v63 =	vmul.f32 $2.672612370e-01, v43;
	v55 =	vmul.f32 $4.629100560e-01, v39  }
0x5a: {  	v5 =	vmul.f32 $6.324555270e-01, v33;
	v33 =	vmul.f32 $3.162277640e-01, v33  }
0x5b: {  	v57 =	vsub.f32 v57, v38;
	v38 =	vmul.f32 $4.629100560e-01, v40;
	v37 =	vsub.f32 v32, v60  }
0x5c: {  	v60 =	vmul.f32 $3.872983460e-01, v39;
	v46 =	vadd.f32 v63, v46;
	v63 =	vmul.f32 $3.872983460e-01, v40  }
0x5d: {  	v27 =	vsub.f32 v59, v27;
	v59 =	vmul.f32 $3.872983460e-01, v41;
	v32 =	vmul.f32 $6.546536680e-01, v43  }
0x5e: {  	v39 =	vmul.f32 $-1.889822330e-01, v39;
	v40 =	vmul.f32 $1.889822330e-01, v40;
	v0 =	vadd.f32 v42, v3  }
0x5f: {  	v3 =	vmul.f32 v8, v62;
	v55 =	vadd.f32 v38, v55;
	v38 =	vmul.f32 $1.889822330e-01, v41  }
0x60: {  	v41 =	vmul.f32 $4.472135900e-01, v43;
	v50 =	vsub.f32 v63, v60;
	v60 =	vmul.f32 v19, v18  }
0x61: {  	[tilespmem:$0x1FD60] =	vst v0;
	v4 =	vsub.f32 v39, v40;
	v39 =	vmul.f32 $5.345224740e-01, v31;
	v0 =	vsub.f32 v49, v44  }
0x62: {  	v63 =	vmul.f32 $4.629100560e-01, v30;
	v31 =	vmul.f32 $4.629100560e-01, v31;
	v41 =	vsub.f32 v59, v41  }
0x63: {  	v59 =	vsub.f32 v32, v38;
	v32 =	vmul.f32 $3.162277640e-01, v2;
	v39 =	vsub.f32 v56, v39  }
0x64: {  	v38 =	vmul.f32 $5.477225780e-01, v3;
	v56 =	vmul.f32 $5.345224740e-01, v1;
	v31 =	vadd.f32 v31, v36  }
0x65: {  	v43 =	vsub.f32 v52, v32;
	v32 =	vmul.f32 $4.472135900e-01, v1;
	v52 =	vadd.f32 v63, v58  }
0x66: {  	v58 =	vmul.f32 $3.162277640e-01, v35;
	v27 =	vsub.f32 v27, v38;
	v63 =	vmul.f32 $4.629100560e-01, v35  }
0x67: {  	v48 =	vadd.f32 v56, v48;
	v56 =	vmul.f32 v17, v61;
	v38 =	vmul.f32 $4.472135900e-01, v3  }
0x68: {  	v1 =	vmul.f32 $7.171371570e-01, v1;
	v42 =	vadd.f32 v32, v45;
	v32 =	vmul.f32 $5.477225780e-01, v60  }
0x69: {  	v37 =	vsub.f32 v37, v58;
	v44 =	vsub.f32 v46, v63;
	v63 =	vmul.f32 $2.672612370e-01, v3  }
0x6a: {  	v58 =	vmul.f32 v19, v61;
	v46 =	vmul.f32 v8, v7;
	v50 =	vsub.f32 v50, v38  }
0x6b: {  	v49 =	vmul.f32 $4.472135900e-01, v56;
	v27 =	vadd.f32 v32, v27;
	v32 =	vmul.f32 $4.472135900e-01, v30  }
0x6c: {  	v43 =	vsub.f32 v43, v5;
	v45 =	vadd.f32 v63, v55;
	v63 =	vmul.f32 $3.162277640e-01, v58  }
0x6d: {  	[tilespmem:$0x1FDC0] =	vst v0;
	v55 =	vmul.f32 v17, v62;
	v0 =	vmul.f32 $5.477225780e-01, v46;
	v40 =	vadd.f32 v32, v42  }
0x6e: {  	v27 =	vsub.f32 v27, v63;
	v63 =	vmul.f32 v19, v14;
	v32 =	vmul.f32 $2.672612370e-01, v46  }
0x6f: {  	v37 =	vadd.f32 v37, v0;
	v0 =	vadd.f32 v49, v40;
	v40 =	vmul.f32 $3.162277640e-01, v55  }
0x70: {  	v1 =	vadd.f32 v1, v57;
	v44 =	vadd.f32 v44, v32;
	v32 =	vmul.f32 $2.672612370e-01, v60  }
0x71: {  	[tilespmem:$0x1FDF0] =	vst v0;
	v0 =	vmul.f32 $3.162277640e-01, v63;
	v38 =	vadd.f32 v27, v40;
	v27 =	vmul.f32 v17, v7  }
0x72: {  	v42 =	vmul.f32 $4.629100560e-01, v63;
	v49 =	vmul.f32 $4.629100560e-01, v58;
	v5 =	vadd.f32 v32, v45  }
0x73: {  	v40 =	vmul.f32 $4.629100560e-01, v2;
	v20 =	vadd.f32 v37, v0;
	v32 =	vmul.f32 $3.162277640e-01, v27  }
0x74: {  	v37 =	vadd.f32 v44, v42;
	v44 =	vmul.f32 $4.629100560e-01, v27;
	v0 =	vmul.f32 $2.672612370e-01, v30  }
0x75: {  	v45 =	vadd.f32 v40, v39;
	v39 =	vadd.f32 v5, v49;
	v49 =	vmul.f32 $3.872983460e-01, v35  }
0x76: {  	v42 =	vmul.f32 $5.345224740e-01, v56;
	v5 =	vmul.f32 $4.629100560e-01, v55;
	v0 =	vadd.f32 v0, v48  }
0x77: {  	v40 =	vsub.f32 v37, v44;
	v44 =	vmul.f32 $4.472135900e-01, v60;
	v41 =	vadd.f32 v41, v49  }
0x78: {  	v48 =	vadd.f32 v39, v5;
	v39 =	vmul.f32 $6.324555270e-01, v2;
	v49 =	vmul.f32 $5.345224740e-01, v12  }
0x79: {  	v37 =	vadd.f32 v44, v50;
	v50 =	vmul.f32 $3.872983460e-01, v58;
	v44 =	vmul.f32 $4.472135900e-01, v46  }
0x7a: {  	v2 =	vmul.f32 $5.345224740e-01, v2;
	v42 =	vsub.f32 v0, v42;
	v13 =	vsub.f32 v13, v39  }
0x7b: {  	v37 =	vadd.f32 v37, v50;
	v41 =	vadd.f32 v41, v44;
	v44 =	vmul.f32 $3.872983460e-01, v55  }
0x7c: {  	v0 =	vmul.f32 $3.872983460e-01, v63;
	v39 =	vsub.f32 v52, v49;
	v46 =	vmul.f32 $6.546536680e-01, v46  }
0x7d: {  	v49 =	vmul.f32 $5.000000000e-01, v27;
	v5 =	vsub.f32 v37, v44;
	v44 =	vmul.f32 $5.000000000e-01, v63  }
0x7e: {  	v50 =	vmul.f32 $1.889822330e-01, v63;
	v41 =	vsub.f32 v41, v0;
	v0 =	vadd.f32 v33, v13  }
0x7f: {  	v37 =	vmul.f32 $3.872983460e-01, v27;
	v13 =	vadd.f32 v44, v16;
	v16 =	vmul.f32 $1.889822330e-01, v35  }
0x80: {  	v63 =	vmul.f32 $7.071067690e-01, v29;
	v15 =	vadd.f32 v44, v15;
	v44 =	vmul.f32 $6.546536680e-01, v3  }
0x81: {  	v41 =	vsub.f32 v41, v37;
	v35 =	vmul.f32 v17, v28;
	v16 =	vadd.f32 v59, v16  }
0x82: {  	[tilespmem:$0x1FE50] =	vst v0;
	v37 =	vadd.f32 v2, v31;
	v2 =	vmul.f32 $1.889822330e-01, v27;
	v0 =	vadd.f32 v44, v4  }
0x83: {  	v16 =	vadd.f32 v16, v46;
	v46 =	vsub.f32 v13, v49;
	v13 =	vmul.f32 $6.546536680e-01, v60  }
0x84: {  	v27 =	vmul.f32 $5.000000000e-01, v55;
	v31 =	vmul.f32 $1.889822330e-01, v58;
	v3 =	vadd.f32 v49, v15  }
0x85: {  	v33 =	vsub.f32 v16, v50;
	v13 =	vadd.f32 v13, v0;
	v0 =	vmul.f32 $4.780914490e-01, v30  }
0x86: {  	[tilespmem:$0x1FE40] =	vst v5;
	v5 =	vmul.f32 v19, v34;
	v4 =	vmul.f32 v17, v10  }
0x87: {  	v1 =	vsub.f32 v1, v0;
	v44 =	vadd.f32 v33, v2;
	v2 =	vmul.f32 $1.195228620e-01, v56  }
0x88: {  	v59 =	vmul.f32 $1.889822330e-01, v55;
	[tilespmem:$0x1FE90] =	vst v3;
	v13 =	vsub.f32 v13, v31;
	v31 =	vmul.f32 $5.345224740e-01, v30  }
0x89: {  	v49 =	vmul.f32 v8, v10;
	v3 =	vmovc v28;
	v28 =	vmul.f32 v19, v28;
	v36 =	vadd.f32 v2, v1  }
0x8a: {  	v1 =	vmul.f32 $4.629100560e-01, v12;
	v12 =	vadd.f32 v31, v51;
	v31 =	vmul.f32 $5.000000000e-01, v58  }
0x8b: {  	v52 =	vmovc v19;
	v19 =	vmul.f32 v6, v3;
	v0 =	vsub.f32 v13, v59;
	v13 =	vmul.f32 $7.071067690e-01, v25  }
0x8c: {  	v51 =	vmovc v17;
	v25 =	vmul.f32 $7.071067690e-01, v56;
	v17 =	vmul.f32 v9, v3;
	v60 =	vsub.f32 v54, v31  }
0x8d: {  	v26 =	vmul.f32 v8, v3;
	v31 =	vadd.f32 v31, v53;
	v54 =	vadd.f32 v1, v12  }
0x8e: {  	v12 =	vmul.f32 $7.071067690e-01, v17;
	v56 =	vsub.f32 v25, v13;
	v13 =	vmul.f32 $5.477225780e-01, v19  }
0x8f: {  	v25 =	vmul.f32 $5.477225780e-01, v22;
	v30 =	vadd.f32 v27, v60;
	v60 =	vmul.f32 $7.071067690e-01, v19  }
0x90: {  	[tilespmem:$0x1FEB0] =	vst v0;
	v57 =	vadd.f32 v27, v31;
	v31 =	vmul.f32 $7.071067690e-01, v4;
	v0 =	vsub.f32 v12, v63  }
0x91: {  	v24 =	vmul.f32 v8, v34;
	v58 =	vmul.f32 $3.162277640e-01, v49;
	v13 =	vadd.f32 v25, v13  }
0x92: {  	v33 =	vmul.f32 $3.162277640e-01, v26;
	[tilespmem:$0x1FF90] =	vst v0;
	v0 =	vadd.f32 v31, v60;
	v60 =	vmul.f32 $5.477225780e-01, v21  }
0x93: {  	v55 =	vmul.f32 $7.071067690e-01, v21;
	v50 =	vmul.f32 v9, v10;
	v13 =	vsub.f32 v13, v58  }
0x94: {  	[tilespmem:$0x1FFF0] =	vst v0;
	v58 =	vsub.f32 v60, v33;
	v60 =	vmul.f32 $4.082483050e-01, v19;
	v0 =	vmul.f32 $4.082483050e-01, v22  }
0x95: {  	v32 =	vadd.f32 v20, v32;
	v25 =	vmul.f32 $5.477225780e-01, v50;
	v63 =	vmul.f32 $6.324555270e-01, v24  }
0x96: {  	v53 =	vmul.f32 $4.082483050e-01, v28;
	v12 =	vmul.f32 $7.071067690e-01, v35;
	v20 =	vsub.f32 v60, v0;
	v0 =	vld [tilespmem:$0x1FD50]  }
0x97: {  	[tilespmem:$0x1FD40] =	vst v8;
	v31 =	vmul.f32 $4.082483050e-01, v50;
	v59 =	vadd.f32 v63, v25;
	v33 =	vmul.f32 $5.477225780e-01, v4  }
0x98: {  	[tilespmem:$0x1FD30] =	vst v9;
	v27 =	vsub.f32 v12, v55;
	v12 =	vmul.f32 $-4.082483050e-01, v21;
	v55 =	vmul.f32 $7.071067690e-01, v26  }
0x99: {  	v9 =	vmovc v6;
	v31 =	vsub.f32 v31, v53;
	v6 =	vld.idx.msk [tilespmem:v11+s9+$0x0], $0xffff;
	v53 =	vsub.f32 v13, v33;
	v13 =	vmul.f32 $5.477225780e-01, v28  }
0x9a: {  	v63 =	vld.idx.msk [tilespmem:v11+s10+$0x0], $0xffff  }
0x9b: {  	v2 =	vsub.f32 v12, v55;
	v55 =	vadd.f32 v13, v59;
	v13 =	vmul.u32 $0x51, v0  }
0x9c: {  	v12 =	vmul.f32 $5.477225780e-01, v5  }
0x9d: {  	v1 =	vmul.f32 $4.082483050e-01, v5  }
0x9e: {  	v58 =	vadd.f32 v12, v58;
	v33 =	vmul.f32 $5.477225780e-01, v35;
	v0 =	vmul.f32 v9, v34  }
0x9f: {  	v11 =	vmov v14;
	v14 =	vadd.f32 v1, v2;
	v60 =	vmul.f32 v63, v6  }
0xa0: {  	v1 =	vmul.f32 $4.082483050e-01, v17;
	v58 =	vadd.f32 v33, v58;
	v33 =	vmul.f32 $8.164966110e-01, v0  }
0xa1: {  	[tilespmem:v13+s11+$0x0] =	vst.idx.msk $0xffff, v60  }
0xa2: {  	v8 =	vmul.f32 v51, v34;
	v15 =	vadd.s32 $0x1, v13;
	v23 =	vsub.f32 v1, v33;
	v1 =	vld [tilespmem:$0x1FD60];
	_ =	sdelay $0x1  }
0xa3: {  	v2 =	vmul.f32 $8.164966110e-01, v8;
	_ =	sdelay $0x1  }
0xa4: {  	v59 =	vadd.f32 v2, v31;
	v31 =	vmul.f32 $4.082483050e-01, v35  }
0xa5: {  	[tilespmem:v15+s11+$0x0] =	vst.idx.msk $0xffff, v1  }
0xa6: {  	v12 =	vmov v18;
	v18 =	vadd.s32 $0x9, v13;
	v33 =	vsub.f32 v14, v31;
	v14 =	vld [tilespmem:$0x1FD70];
	_ =	sdelay $0x4  }
0xa7: {  	[tilespmem:v18+s11+$0x0] =	vst.idx.msk $0xffff, v14  }
0xa8: {  	v16 =	vadd.s32 $0xA, v13;
	v14 =	vld [tilespmem:$0x1FD80];
	_ =	sdelay $0x4  }
0xa9: {  	[tilespmem:v16+s11+$0x0] =	vst.idx.msk $0xffff, v14  }
0xaa: {  	v31 =	vadd.s32 $0xB, v13;
	v14 =	vld [tilespmem:$0x1FD90];
	_ =	sdelay $0x4  }
0xab: {  	[tilespmem:v31+s11+$0x0] =	vst.idx.msk $0xffff, v14  }
0xac: {  	v60 =	vadd.s32 $0x1A, v13;
	v14 =	vld [tilespmem:$0x1FDA0];
	_ =	sdelay $0x4  }
0xad: {  	[tilespmem:v60+s11+$0x0] =	vst.idx.msk $0xffff, v14  }
0xae: {  	v15 =	vmul.f32 $7.745966910e-01, v24;
	v24 =	vadd.s32 $0x1B, v13;
	v14 =	vld [tilespmem:$0x1FDB0];
	_ =	sdelay $0x4  }
0xaf: {  	[tilespmem:v24+s11+$0x0] =	vst.idx.msk $0xffff, v14  }
0xb0: {  	v18 =	vadd.s32 $0x1C, v13;
	v14 =	vld [tilespmem:$0x1FDC0];
	_ =	sdelay $0x3  }
0xb1: {  	v1 =	vmul.f32 $4.472135900e-01, v50  }
0xb2: {  	v2 =	vmul.f32 $5.773502590e-01, v0;
	[tilespmem:v18+s11+$0x0] =	vst.idx.msk $0xffff, v14  }
0xb3: {  	v0 =	vmul.f32 $7.071067690e-01, v49;
	v1 =	vsub.f32 v15, v1;
	v15 =	vadd.s32 $0x1D, v13;
	v14 =	vld [tilespmem:$0x1FDD0];
	_ =	sdelay $0x1  }
0xb4: {  	v0 =	vadd.f32 v0, v20;
	v20 =	vmul.f32 $4.082483050e-01, v4;
	_ =	sdelay $0x1  }
0xb5: {  	v31 =	vsub.f32 v0, v20;
	v0 =	vmul.f32 $5.773502590e-01, v50;
	v60 =	vmul.f32 $5.773502590e-01, v28  }
0xb6: {  	[tilespmem:v15+s11+$0x0] =	vst.idx.msk $0xffff, v14  }
0xb7: {  	v16 =	vadd.s32 $0x1E, v13;
	v14 =	vsub.f32 v60, v0;
	v0 =	vld [tilespmem:$0x1FDE0];
	_ =	sdelay $0x4  }
0xb8: {  	v17 =	vmul.f32 $5.773502590e-01, v17;
	[tilespmem:v16+s11+$0x0] =	vst.idx.msk $0xffff, v0  }
0xb9: {  	v20 =	vadd.s32 $0x2, v13;
	v0 =	vld [tilespmem:$0x1FDF0]  }
0xba: {  	v2 =	vadd.f32 v17, v2;
	v17 =	vmul.f32 $1.825741830e-01, v19;
	v19 =	vmul.f32 $7.302967310e-01, v22  }
0xbb: {  	v22 =	vadd.s32 $0x12, v13  }
0xbc: {  	v18 =	vsub.f32 v19, v17;
	v19 =	vmul.f32 $6.324555270e-01, v49;
	v49 =	vadd.s32 $0x13, v13  }
0xbd: {  	v15 =	vadd.s32 $0x14, v13  }
0xbe: {  	v24 =	vmul.f32 $4.082483050e-01, v29;
	v16 =	vadd.f32 v19, v18;
	v19 =	vadd.s32 $0x2E, v13;
	[tilespmem:v20+s11+$0x0] =	vst.idx.msk $0xffff, v0  }
0xbf: {  	v20 =	vadd.s32 $0x2F, v13;
	v0 =	vld [tilespmem:$0x1FE00]  }
0xc0: {  	v17 =	vadd.f32 v24, v23;
	v23 =	vadd.s32 $0x30, v13;
	v50 =	vld [tilespmem:$0x1FE10];
	[tilespmem:v22+s11+$0x0] =	vst.idx.msk $0xffff, v38  }
0xc1: {  	v24 =	vadd.s32 $0x31, v13;
	v18 =	vmul.f32 $5.773502590e-01, v29;
	[tilespmem:v49+s11+$0x0] =	vst.idx.msk $0xffff, v43  }
0xc2: {  	[tilespmem:v15+s11+$0x0] =	vst.idx.msk $0xffff, v32;
	v32 =	vadd.s32 $0x32, v13  }
0xc3: {  	v38 =	vadd.f32 v18, v2;
	v2 =	vadd.s32 $0x41, v13;
	[tilespmem:v19+s11+$0x0] =	vst.idx.msk $0xffff, v45  }
0xc4: {  	v21 =	vmul.f32 $1.825741830e-01, v21;
	v22 =	vmul.f32 $6.324555270e-01, v26;
	[tilespmem:v20+s11+$0x0] =	vst.idx.msk $0xffff, v40  }
0xc5: {  	v60 =	vmul.f32 v0, v7;
	v25 =	vmul.f32 v50, v12;
	[tilespmem:v23+s11+$0x0] =	vst.idx.msk $0xffff, v42  }
0xc6: {  	v21 =	vsub.f32 v22, v21;
	v22 =	vmul.f32 $1.825741830e-01, v4;
	[tilespmem:v24+s11+$0x0] =	vst.idx.msk $0xffff, v48  }
0xc7: {  	v26 =	vmul.f32 $5.477225780e-01, v60;
	v29 =	vmul.f32 $6.324555270e-01, v25;
	v4 =	vld [tilespmem:$0x1FE20];
	[tilespmem:v32+s11+$0x0] =	vst.idx.msk $0xffff, v39  }
0xc8: {  	[tilespmem:v2+s11+$0x0] =	vst.idx.msk $0xffff, v30  }
0xc9: {  	v18 =	vadd.s32 $0x42, v13;
	v15 =	vadd.f32 v29, v26;
	v29 =	vmul.f32 v63, v3;
	v3 =	vld [tilespmem:$0x1FE30];
	_ =	sdelay $0x4  }
0xca: {  	[tilespmem:v18+s11+$0x0] =	vst.idx.msk $0xffff, v3  }
0xcb: {  	v20 =	vadd.s32 $0x43, v13;
	v3 =	vld [tilespmem:$0x1FE40];
	_ =	sdelay $0x4  }
0xcc: {  	[tilespmem:v20+s11+$0x0] =	vst.idx.msk $0xffff, v3  }
0xcd: {  	v23 =	vadd.s32 $0x44, v13;
	v3 =	vld [tilespmem:$0x1FE50]  }
0xce: {  	v45 =	vadd.s32 $0x45, v13;
	_ =	sdelay $0x3  }
0xcf: {  	[tilespmem:v23+s11+$0x0] =	vst.idx.msk $0xffff, v3  }
0xd0: {  	v42 =	vmul.f32 $7.302967310e-01, v5;
	[tilespmem:v45+s11+$0x0] =	vst.idx.msk $0xffff, v41  }
0xd1: {  	v2 =	vadd.s32 $0x46, v13;
	v3 =	vld [tilespmem:$0x1FE60]  }
0xd2: {  	v18 =	vadd.f32 v42, v21;
	v21 =	vadd.s32 $0x47, v13;
	_ =	sdelay $0x3  }
0xd3: {  	[tilespmem:v2+s11+$0x0] =	vst.idx.msk $0xffff, v3  }
0xd4: {  	v19 =	vmul.f32 v63, v10;
	[tilespmem:v21+s11+$0x0] =	vst.idx.msk $0xffff, v46  }
0xd5: {  	v40 =	vadd.f32 v22, v16;
	v16 =	vmul.f32 v0, v6;
	v20 =	vadd.s32 $0x48, v13;
	v3 =	vld [tilespmem:$0x1FE80]  }
0xd6: {  	v22 =	vmul.f32 v50, v6;
	v26 =	vmul.f32 v4, v6  }
0xd7: {  	v43 =	vmovc v0;
	v0 =	vmov v50;
	v30 =	vmul.f32 v4, v11;
	v50 =	vmul.f32 v4, v62  }
0xd8: {  	v10 =	vmul.f32 v4, v61;
	v32 =	vmul.f32 v4, v7  }
0xd9: {  	v49 =	vmov v6;
	v6 =	vmul.f32 v0, v7;
	v5 =	vmul.f32 v4, v12;
	[tilespmem:$0x1FE70] =	vst v61  }
0xda: {  	v4 =	vmul.f32 v0, v61;
	v42 =	vmul.f32 v0, v11;
	[tilespmem:v20+s11+$0x0] =	vst.idx.msk $0xffff, v3  }
0xdb: {  	v23 =	vmul.f32 $4.472135900e-01, v28;
	v28 =	vadd.s32 $0x49, v13;
	v46 =	vmul.f32 v0, v62;
	v0 =	vld [tilespmem:$0x1FE90]  }
0xdc: {  	v39 =	vadd.s32 $0x4A, v13  }
0xdd: {  	v41 =	vsub.f32 v1, v23;
	v1 =	vadd.s32 $0x4B, v13  }
0xde: {  	v2 =	vadd.s32 $0x4C, v13;
	_ =	sdelay $0x1  }
0xdf: {  	[tilespmem:v28+s11+$0x0] =	vst.idx.msk $0xffff, v0  }
0xe0: {  	[tilespmem:v39+s11+$0x0] =	vst.idx.msk $0xffff, v37  }
0xe1: {  	[tilespmem:v1+s11+$0x0] =	vst.idx.msk $0xffff, v44  }
0xe2: {  	[tilespmem:v2+s11+$0x0] =	vst.idx.msk $0xffff, v36  }
0xe3: {  	v20 =	vadd.s32 $0x4D, v13;
	v0 =	vld [tilespmem:$0x1FEB0];
	_ =	sdelay $0x1  }
0xe4: {  	v2 =	vmul.f32 $5.477225780e-01, v30;
	_ =	sdelay $0x1  }
0xe5: {  	v21 =	vadd.s32 $0x4E, v13;
	[tilespmem:$0x1FEA0] =	vst v2;
	v2 =	vmul.f32 $5.477225780e-01, v50  }
0xe6: {  	v28 =	vmul.f32 $1.825741830e-01, v35;
	v35 =	vadd.s32 $0x4F, v13;
	[tilespmem:v20+s11+$0x0] =	vst.idx.msk $0xffff, v0  }
0xe7: {  	[tilespmem:$0x1FEC0] =	vst v2;
	v2 =	vmul.f32 $5.477225780e-01, v10  }
0xe8: {  	v37 =	vadd.s32 $0x50, v13  }
0xe9: {  	v24 =	vmul.f32 v63, v34;
	[tilespmem:$0x1FED0] =	vst v2  }
0xea: {  	v34 =	vmul.f32 v43, v62;
	v3 =	vmul.f32 $4.082483050e-01, v10;
	v44 =	vadd.s32 $0x3, v13;
	[tilespmem:v21+s11+$0x0] =	vst.idx.msk $0xffff, v54  }
0xeb: {  	v45 =	vmul.f32 v43, v12;
	[tilespmem:v35+s11+$0x0] =	vst.idx.msk $0xffff, v57  }
0xec: {  	[tilespmem:$0x1FEE0] =	vst v3;
	v3 =	vmul.f32 $7.071067690e-01, v34  }
0xed: {  	v48 =	vmov v7;
	v7 =	vmul.f32 v43, v61;
	v39 =	vmul.f32 $-3.162277640e-01, v45;
	[tilespmem:v37+s11+$0x0] =	vst.idx.msk $0xffff, v56  }
0xee: {  	v1 =	vmul.f32 $5.773502590e-01, v8;
	v8 =	vmovc v45;
	v45 =	vadd.s32 $0x4, v13;
	[tilespmem:$0x1FEF0] =	vst v3;
	v3 =	vmul.f32 $7.071067690e-01, v32  }
0xef: {  	[tilespmem:v44+s11+$0x0] =	vst.idx.msk $0xffff, v16  }
0xf0: {  	v61 =	vmul.f32 $5.477225780e-01, v7;
	[tilespmem:$0x1FF00] =	vst v3;
	v3 =	vmul.f32 $4.082483050e-01, v30;
	_ =	sdelay $0x1  }
0xf1: {  	v36 =	vsub.f32 v39, v61;
	v39 =	vadd.s32 $0x5, v13;
	v0 =	vmul.f32 $4.082483050e-01, v32;
	[tilespmem:$0x1FF10] =	vst v3  }
0xf2: {  	v54 =	vmov v7;
	[tilespmem:v45+s11+$0x0] =	vst.idx.msk $0xffff, v22  }
0xf3: {  	v23 =	vmul.f32 v43, v11;
	[tilespmem:$0x1FF20] =	vst v0;
	v0 =	vmul.f32 $7.071067690e-01, v54  }
0xf4: {  	v61 =	vadd.s32 $0x6, v13;
	v20 =	vmul.f32 $5.477225780e-01, v46;
	v2 =	vsub.f32 v18, v28  }
0xf5: {  	v18 =	vmul.f32 $5.477225780e-01, v23;
	v21 =	vadd.f32 v1, v14;
	v1 =	vmul.f32 $5.773502590e-01, v32;
	[tilespmem:$0x1FF30] =	vst v0  }
0xf6: {  	v28 =	vadd.s32 $0x7, v13;
	[tilespmem:v39+s11+$0x0] =	vst.idx.msk $0xffff, v26  }
0xf7: {  	v20 =	vadd.f32 v20, v18;
	v18 =	vadd.s32 $0x8, v13;
	[tilespmem:$0x1FF40] =	vst v1;
	v1 =	vmul.f32 $7.071067690e-01, v30  }
0xf8: {  	v16 =	vadd.s32 $0xC, v13  }
0xf9: {  	v0 =	vadd.s32 $0xD, v13;
	[tilespmem:$0x1FF50] =	vst v1  }
0xfa: {  	[tilespmem:v61+s11+$0x0] =	vst.idx.msk $0xffff, v19;
	v19 =	vadd.s32 $0xE, v13  }
0xfb: {  	[tilespmem:v28+s11+$0x0] =	vst.idx.msk $0xffff, v24;
	v24 =	vadd.s32 $0x1F, v13  }
0xfc: {  	[tilespmem:v18+s11+$0x0] =	vst.idx.msk $0xffff, v29  }
0xfd: {  	v28 =	vadd.s32 $0x20, v13;
	[tilespmem:v16+s11+$0x0] =	vst.idx.msk $0xffff, v53  }
0xfe: {  	[tilespmem:v0+s11+$0x0] =	vst.idx.msk $0xffff, v55  }
0xff: {  	[tilespmem:v19+s11+$0x0] =	vst.idx.msk $0xffff, v58  }
0x100: {  	v0 =	vadd.s32 $0x38, v13;
	[tilespmem:v24+s11+$0x0] =	vst.idx.msk $0xffff, v59  }
0x101: {  	[tilespmem:$0x1FF60] =	vst v0  }
0x102: {  	v0 =	vadd.s32 $0x10, v13;
	[tilespmem:v28+s11+$0x0] =	vst.idx.msk $0xffff, v33  }
0x103: {  	[tilespmem:$0x1FF70] =	vst v0;
	v0 =	vadd.s32 $0x11, v13  }
0x104: {  	v35 =	vadd.s32 $0x21, v13;
	[tilespmem:$0x1FF80] =	vst v0;
	v0 =	vld [tilespmem:$0x1FF90];
	_ =	sdelay $0x3  }
0x105: {  	v57 =	vadd.s32 $0x22, v13  }
0x106: {  	[tilespmem:v35+s11+$0x0] =	vst.idx.msk $0xffff, v0;
	v0 =	vadd.s32 $0x29, v13  }
0x107: {  	[tilespmem:$0x1FFA0] =	vst v0;
	v0 =	vadd.s32 $0x2A, v13  }
0x108: {  	v53 =	vadd.s32 $0x23, v13;
	[tilespmem:$0x1FFB0] =	vst v0;
	v0 =	vadd.s32 $0x2B, v13  }
0x109: {  	[tilespmem:$0x1FFC0] =	vst v0  }
0x10a: {  	v0 =	vadd.s32 $0x2C, v13;
	[tilespmem:v57+s11+$0x0] =	vst.idx.msk $0xffff, v31  }
0x10b: {  	[tilespmem:$0x1FFD0] =	vst v0;
	v0 =	vadd.s32 $0x2D, v13  }
0x10c: {  	v43 =	vadd.s32 $0x34, v13;
	v7 =	vmul.f32 $4.082483050e-01, v50;
	[tilespmem:$0x1FFE0] =	vst v0  }
0x10d: {  	v56 =	vmul.f32 $4.472135900e-01, v50;
	v37 =	vmul.f32 $4.082483050e-01, v46;
	v32 =	vadd.s32 $0x37, v13;
	[tilespmem:v53+s11+$0x0] =	vst.idx.msk $0xffff, v17  }
0x10e: {  	v22 =	vmul.f32 $8.164966110e-01, v42;
	v39 =	vadd.s32 $0x33, v13;
	v1 =	vmul.f32 $5.477225780e-01, v6;
	v0 =	vld [tilespmem:$0x1FFF0]  }
0x10f: {  	v45 =	vadd.s32 $0x36, v13;
	v26 =	vadd.s32 $0x39, v13;
	v61 =	vmul.f32 $1.825741830e-01, v30  }
0x110: {  	v30 =	vadd.f32 v1, v36;
	v19 =	vmul.f32 $5.773502590e-01, v42;
	v42 =	vadd.s32 $0x35, v13  }
0x111: {  	v1 =	vmul.f32 $4.082483050e-01, v34;
	v36 =	vmul.f32 $4.082483050e-01, v23;
	v18 =	vadd.s32 $0xF, v13  }
0x112: {  	v16 =	vmul.f32 $5.773502590e-01, v34;
	v34 =	vmul.f32 $-4.082483050e-01, v60;
	v55 =	vadd.s32 $0x3C, v13  }
0x113: {  	v58 =	vadd.s32 $0x3B, v13;
	v24 =	vmul.f32 $4.082483050e-01, v6;
	v33 =	vmul.f32 $3.162277640e-01, v5;
	[tilespmem:v39+s11+$0x0] =	vst.idx.msk $0xffff, v0  }
0x114: {  	v59 =	vadd.s32 $0x3A, v13;
	v28 =	vmul.f32 $7.071067690e-01, v5;
	v35 =	vmul.f32 $8.164966110e-01, v4;
	[tilespmem:v43+s11+$0x0] =	vst.idx.msk $0xffff, v38  }
0x115: {  	v44 =	vmovc v5;
	v29 =	vmovc v6;
	v31 =	vmul.f32 $7.071067690e-01, v8;
	v53 =	vadd.s32 $0x3D, v13;
	v17 =	vadd.s32 $0x15, v13;
	[tilespmem:v42+s11+$0x0] =	vst.idx.msk $0xffff, v40  }
0x116: {  	s16 =	simm.s32 $0x10;
	v39 =	vadd.s32 $0x3E, v13;
	v43 =	vmovc v4;
	v38 =	vadd.s32 $0x3F, v13;
	v40 =	vmovc v25;
	v42 =	vadd.s32 $0x40, v13;
	[tilespmem:v45+s11+$0x0] =	vst.idx.msk $0xffff, v41  }
.LBB2_5:
0x117: {  	v0 =	vld [tilespmem:$0x1FF60];
	_ =	sdelay $0x6  }
0x118: {  	[tilespmem:v32+s11+$0x0] =	vst.idx.msk $0xffff, v2  }
0x119: {  	[tilespmem:v0+s11+$0x0] =	vst.idx.msk $0xffff, v21;
	v0 =	vld [tilespmem:$0x1FEA0];
	_ =	sdelay $0x4  }
0x11a: {  	v21 =	vadd.f32 v0, v30;
	v0 =	vld [tilespmem:$0x1FEC0];
	_ =	sdelay $0x4  }
0x11b: {  	v15 =	vadd.f32 v0, v15;
	v0 =	vld [tilespmem:$0x1FED0];
	_ =	sdelay $0x2  }
0x11c: {  	v20 =	vsub.f32 v20, v33  }
0x11d: {  	[tilespmem:v26+s11+$0x0] =	vst.idx.msk $0xffff, v27  }
0x11e: {  	[tilespmem:v18+s11+$0x0] =	vst.idx.msk $0xffff, v21;
	v18 =	vadd.f32 v20, v0;
	v0 =	vld [tilespmem:$0x1FF70];
	_ =	sdelay $0x6  }
0x11f: {  	v3 =	vld [tilespmem:$0x1FF00]  }
0x120: {  	[tilespmem:v0+s11+$0x0] =	vst.idx.msk $0xffff, v15;
	v0 =	vld [tilespmem:$0x1FEF0];
	_ =	sdelay $0x4  }
0x121: {  	v15 =	vsub.f32 v0, v3;
	v0 =	vld [tilespmem:$0x1FF80]  }
0x122: {  	v3 =	vld [tilespmem:$0x1FFA0];
	_ =	sdelay $0x3  }
0x123: {  	v2 =	vsub.f32 v34, v35;
	_ =	sdelay $0x1  }
0x124: {  	v2 =	vadd.f32 v7, v2  }
0x125: {  	[tilespmem:v0+s11+$0x0] =	vst.idx.msk $0xffff, v18  }
0x126: {  	[tilespmem:v3+s11+$0x0] =	vst.idx.msk $0xffff, v2;
	v2 =	vld [tilespmem:$0x1FF30]  }
0x127: {  	v3 =	vld [tilespmem:$0x1FF50];
	_ =	sdelay $0x4  }
0x128: {  	v2 =	vadd.f32 v3, v2;
	v3 =	vld [tilespmem:$0x1FFB0]  }
0x129: {  	v0 =	vld [tilespmem:$0x1FEE0]  }
0x12a: {  	v57 =	vsub.f32 v36, v37;
	_ =	sdelay $0x1  }
0x12b: {  	v20 =	vadd.f32 v28, v57;
	_ =	sdelay $0x1  }
0x12c: {  	v0 =	vadd.f32 v20, v0;
	_ =	sdelay $0x1  }
0x12d: {  	[tilespmem:v3+s11+$0x0] =	vst.idx.msk $0xffff, v0;
	v3 =	vld [tilespmem:$0x1FFC0];
	_ =	sdelay $0x7  }
0x12e: {  	[tilespmem:v3+s11+$0x0] =	vst.idx.msk $0xffff, v15;
	v3 =	vld [tilespmem:$0x1FF20];
	_ =	sdelay $0x2  }
0x12f: {  	v1 =	vsub.f32 v22, v1;
	_ =	sdelay $0x1  }
0x130: {  	v36 =	vmul.f32 $4.082483050e-01, v54;
	v1 =	vsub.f32 v1, v3;
	v3 =	vld [tilespmem:$0x1FFD0]  }
0x131: {  	v0 =	vld [tilespmem:$0x1FF10]  }
0x132: {  	v25 =	vsub.f32 v36, v31;
	_ =	sdelay $0x1  }
0x133: {  	v18 =	vadd.f32 v24, v25;
	_ =	sdelay $0x1  }
0x134: {  	v0 =	vsub.f32 v18, v0;
	_ =	sdelay $0x1  }
0x135: {  	[tilespmem:v3+s11+$0x0] =	vst.idx.msk $0xffff, v0;
	v3 =	vld [tilespmem:$0x1FFE0];
	_ =	sdelay $0x6  }
0x136: {  	v28 =	vmul.f32 $6.324555270e-01, v8;
	v20 =	vmul.f32 $1.825741830e-01, v54  }
0x137: {  	[tilespmem:v3+s11+$0x0] =	vst.idx.msk $0xffff, v1;
	v1 =	vld [tilespmem:$0x1FF40]  }
0x138: {  	v14 =	vmul.f32 $1.825741830e-01, v23;
	v18 =	vadd.f32 v20, v28;
	v20 =	vmul.f32 $7.302967310e-01, v46  }
0x139: {  	v29 =	vmul.f32 $7.302967310e-01, v29;
	v26 =	vmul.f32 $4.472135900e-01, v60  }
0x13a: {  	v21 =	vmul.f32 $7.745966910e-01, v40;
	v14 =	vsub.f32 v20, v14;
	v15 =	vadd.f32 v19, v16  }
0x13b: {  	v16 =	vmul.f32 $6.324555270e-01, v44;
	v19 =	vmul.f32 $5.773502590e-01, v43;
	v0 =	vadd.f32 v29, v18  }
0x13c: {  	v18 =	vmul.f32 $5.773502590e-01, v60;
	v1 =	vadd.f32 v1, v15;
	v15 =	vsub.f32 v21, v26  }
0x13d: {  	v0 =	vsub.f32 v0, v61;
	[tilespmem:v59+s11+$0x0] =	vst.idx.msk $0xffff, v2;
	v2 =	vadd.f32 v16, v14;
	v14 =	vmul.f32 $1.825741830e-01, v10  }
0x13e: {  	v16 =	vmul.f32 $5.773502590e-01, v50;
	[tilespmem:v58+s11+$0x0] =	vst.idx.msk $0xffff, v1;
	v1 =	vsub.f32 v15, v56;
	v15 =	vsub.f32 v19, v18  }
0x13f: {  	[tilespmem:v55+s11+$0x0] =	vst.idx.msk $0xffff, v0;
	v0 =	vsub.f32 v2, v14;
	v2 =	vmul.f32 $7.071067690e-01, v23;
	v14 =	vmul.f32 $7.071067690e-01, v10  }
0x140: {  	[tilespmem:v53+s11+$0x0] =	vst.idx.msk $0xffff, v1;
	v1 =	vadd.f32 v16, v15  }
0x141: {  	[tilespmem:v39+s11+$0x0] =	vst.idx.msk $0xffff, v0;
	v0 =	vsub.f32 v14, v2  }
0x142: {  	[tilespmem:v38+s11+$0x0] =	vst.idx.msk $0xffff, v1  }
0x143: {  	[tilespmem:v42+s11+$0x0] =	vst.idx.msk $0xffff, v0;
	v0 =	vld [tilespmem:$0x1FD30]  }
0x144: {  	v3 =	vld [tilespmem:$0x1FD40]  }
0x145: {  	v19 =	vor.u32 s16, v47;
	v15 =	vadd.s32 $0x16, v13  }
0x146: {  	v16 =	vmul.u32 $0x9, v19;
	v2 =	vadd.s32 $0x17, v13  }
0x147: {  	v10 =	vadd.s32 $0x18, v13;
	v1 =	vmul.f32 v9, v49  }
0x148: {  	v9 =	vadd.s32 $0x19, v13;
	v0 =	vmul.f32 v0, v49  }
0x149: {  	v8 =	vmul.f32 v3, v49;
	v14 =	vadd.s32 $0x3, v16;
	[tilespmem:v17+s11+$0x0] =	vst.idx.msk $0xffff, v1;
	v1 =	vadd.s32 $0x24, v13  }
0x14a: {  	v7 =	vmul.f32 v52, v49;
	v17 =	vadd.s32 $0x1, v16;
	[tilespmem:v15+s11+$0x0] =	vst.idx.msk $0xffff, v0  }
0x14b: {  	v6 =	vmul.f32 v51, v49;
	v0 =	vadd.s32 $0x25, v13;
	[tilespmem:v2+s11+$0x0] =	vst.idx.msk $0xffff, v8  }
0x14c: {  	v3 =	vmul.f32 v63, v11;
	v15 =	vld.idx.msk [tilespmem:v16+s9+$0x0], $0xffff;
	[tilespmem:v10+s11+$0x0] =	vst.idx.msk $0xffff, v7  }
0x14d: {  	v5 =	vmul.f32 v63, v48;
	v10 =	vld.idx.msk [tilespmem:v16+s10+$0x0], $0xffff;
	[tilespmem:v9+s11+$0x0] =	vst.idx.msk $0xffff, v6  }
0x14e: {  	v2 =	vadd.s32 $0x26, v13;
	v7 =	vadd.s32 $0x27, v13;
	v6 =	vadd.s32 $0x28, v13;
	v13 =	vld.idx.msk [tilespmem:v14+s10+$0x0], $0xffff;
	[tilespmem:v1+s11+$0x0] =	vst.idx.msk $0xffff, v3  }
0x14f: {  	v21 =	vld.idx.msk [tilespmem:v17+s9+$0x0], $0xffff  }
0x150: {  	[tilespmem:v0+s11+$0x0] =	vst.idx.msk $0xffff, v5;
	v0 =	vld [tilespmem:$0x1FE70]  }
0x151: {  	v8 =	vadd.s32 $0x2, v16;
	_ =	sdelay $0x1  }
0x152: {  	v4 =	vmul.f32 v63, v12  }
0x153: {  	v1 =	vadd.s32 $0x8, v16;
	v3 =	vmul.f32 v63, v62  }
0x154: {  	v35 =	vld.idx.msk [tilespmem:v17+s10+$0x0], $0xffff;
	[tilespmem:v2+s11+$0x0] =	vst.idx.msk $0xffff, v4;
	v0 =	vmul.f32 v63, v0  }
0x155: {  	v17 =	vadd.s32 $0x4, v16;
	v36 =	vld.idx.msk [tilespmem:v8+s10+$0x0], $0xffff;
	[tilespmem:v7+s11+$0x0] =	vst.idx.msk $0xffff, v3  }
0x156: {  	v23 =	vld.idx.msk [tilespmem:v8+s9+$0x0], $0xffff;
	v5 =	vmov v10;
	[tilespmem:v6+s11+$0x0] =	vst.idx.msk $0xffff, v0  }
0x157: {  	v2 =	vadd.s32 $0x7, v16;
	v3 =	vmul.f32 v5, v15;
	v37 =	vld.idx.msk [tilespmem:v14+s9+$0x0], $0xffff  }
0x158: {  	v0 =	vadd.s32 $0x5, v16;
	v14 =	vld.idx.msk [tilespmem:v1+s10+$0x0], $0xffff  }
0x159: {  	v8 =	vadd.s32 $0x6, v16;
	[tilespmem:$0x1F350] =	vst v3;
	v3 =	vmul.f32 v35, v15;
	v11 =	vld.idx.msk [tilespmem:v1+s9+$0x0], $0xffff  }
0x15a: {  	v10 =	vld.idx.msk [tilespmem:v17+s9+$0x0], $0xffff  }
0x15b: {  	[tilespmem:$0x1F970] =	vst v3;
	v3 =	vmul.f32 v36, v15;
	v57 =	vld.idx.msk [tilespmem:v17+s10+$0x0], $0xffff  }
0x15c: {  	[tilespmem:$0x1F6B0] =	vst v15;
	v52 =	vld.idx.msk [tilespmem:v2+s10+$0x0], $0xffff  }
0x15d: {  	[tilespmem:$0x1F9B0] =	vst v3;
	v3 =	vmul.f32 v13, v15;
	v48 =	vld.idx.msk [tilespmem:v0+s9+$0x0], $0xffff  }
0x15e: {  	[tilespmem:$0x1F300] =	vst v5;
	v9 =	vmul.f32 v13, v21;
	v7 =	vld.idx.msk [tilespmem:v8+s10+$0x0], $0xffff  }
0x15f: {  	v60 =	vmul.f32 v36, v21;
	v16 =	vmul.f32 v35, v21;
	v4 =	vld.idx.msk [tilespmem:v2+s9+$0x0], $0xffff;
	[tilespmem:$0x1FA10] =	vst v3  }
0x160: {  	v43 =	vmul.f32 v13, v23;
	[tilespmem:$0x1FE70] =	vst v11;
	v12 =	vmul.f32 v57, v23  }
0x161: {  	v30 =	vld.idx.msk [tilespmem:v8+s9+$0x0], $0xffff;
	v3 =	vmul.f32 v5, v21;
	v24 =	vmul.f32 v13, v37;
	[tilespmem:$0x1FCC0] =	vst v10  }
0x162: {  	v31 =	vmul.f32 v14, v21;
	[tilespmem:$0x1F4A0] =	vst v12;
	v12 =	vmul.f32 v36, v48  }
0x163: {  	v32 =	vmul.f32 v52, v21;
	v15 =	vmul.f32 v13, v10;
	[tilespmem:$0x1FD40] =	vst v7  }
0x164: {  	v8 =	vld.idx.msk [tilespmem:v0+s10+$0x0], $0xffff;
	v47 =	vmul.f32 v13, v4;
	[tilespmem:$0x1F6E0] =	vst v12;
	v12 =	vmul.f32 v35, v48  }
0x165: {  	v61 =	vmul.f32 v13, v11;
	[tilespmem:$0x1FA40] =	vst v3;
	v3 =	vmul.f32 v5, v23  }
0x166: {  	v50 =	vmul.f32 v57, v37;
	[tilespmem:$0x1F630] =	vst v12;
	v12 =	vmul.f32 v36, v30  }
0x167: {  	[tilespmem:$0x1FA80] =	vst v3;
	v3 =	vmul.f32 v5, v37;
	v5 =	vmul.f32 v35, v37  }
0x168: {  	v29 =	vmul.f32 v13, v48;
	[tilespmem:$0x1F760] =	vst v12;
	v12 =	vmul.f32 v13, v30;
	v13 =	vmul.u32 $0x51, v19  }
0x169: {  	v62 =	vmul.f32 v7, v21;
	[tilespmem:$0x1FAD0] =	vst v3;
	v3 =	vmul.f32 v8, v21  }
0x16a: {  	[tilespmem:$0x1F900] =	vst v50;
	v19 =	vmul.f32 v57, v21;
	v21 =	vmul.f32 $7.071067690e-01, v5;
	v5 =	vadd.s32 $0x12, v13  }
0x16b: {  	[tilespmem:$0x1F4E0] =	vst v5;
	v5 =	vadd.s32 $0x13, v13  }
0x16c: {  	[tilespmem:$0x1F510] =	vst v5;
	v5 =	vmul.f32 $4.082483050e-01, v24  }
0x16d: {  	[tilespmem:$0x1F260] =	vst v3;
	v3 =	vmul.f32 v52, v23  }
0x16e: {  	[tilespmem:$0x1F360] =	vst v5;
	v5 =	vmul.f32 $7.071067690e-01, v16  }
0x16f: {  	[tilespmem:$0x1F770] =	vst v3  }
0x170: {  	[tilespmem:$0x1F280] =	vst v5;
	v5 =	vadd.s32 $0x14, v13  }
0x171: {  	v34 =	vmul.f32 v14, v11;
	[tilespmem:$0x1F540] =	vst v5;
	v5 =	vmul.f32 $7.071067690e-01, v24  }
0x172: {  	[tilespmem:$0x1F340] =	vst v12;
	v12 =	vmul.f32 v36, v11  }
0x173: {  	[tilespmem:$0x1F290] =	vst v5;
	v5 =	vmul.f32 $4.472135900e-01, v34  }
0x174: {  	v2 =	vmul.f32 v14, v4;
	[tilespmem:$0x1F690] =	vst v12  }
0x175: {  	v12 =	vmul.f32 v36, v10;
	[tilespmem:$0x1F460] =	vst v5;
	v5 =	vadd.s32 $0x2E, v13  }
0x176: {  	v49 =	vmul.f32 v14, v10;
	[tilespmem:$0x1F570] =	vst v5;
	v5 =	vmul.f32 $3.162277640e-01, v2  }
0x177: {  	[tilespmem:$0x1FAC0] =	vst v12;
	v12 =	vmul.f32 v52, v30  }
0x178: {  	[tilespmem:$0x1F480] =	vst v5;
	v5 =	vmul.f32 $6.324555270e-01, v49  }
0x179: {  	v44 =	vmul.f32 v14, v48;
	[tilespmem:$0x1F320] =	vst v12  }
0x17a: {  	v12 =	vmul.f32 v7, v48;
	[tilespmem:$0x1F4C0] =	vst v5;
	v5 =	vadd.s32 $0x2F, v13  }
0x17b: {  	v6 =	vmul.f32 v52, v48;
	[tilespmem:$0x1F590] =	vst v5;
	v5 =	vmul.f32 $3.162277640e-01, v44  }
0x17c: {  	[tilespmem:$0x1F400] =	vst v12  }
0x17d: {  	v12 =	vadd.s32 $0x1, v13;
	[tilespmem:$0x1F4F0] =	vst v5;
	v5 =	vmul.f32 $4.629100560e-01, v6  }
0x17e: {  	[tilespmem:$0x1F380] =	vst v12  }
0x17f: {  	[tilespmem:$0x1F520] =	vst v5;
	v5 =	vadd.s32 $0x30, v13  }
0x180: {  	v12 =	vadd.s32 $0x9, v13;
	[tilespmem:$0x1F5B0] =	vst v5;
	v5 =	vmul.f32 $4.629100560e-01, v44  }
0x181: {  	[tilespmem:$0x1F3B0] =	vst v12;
	v12 =	vmul.f32 v8, v23  }
0x182: {  	[tilespmem:$0x1F550] =	vst v5;
	v5 =	vmul.f32 $5.345224740e-01, v34  }
0x183: {  	[tilespmem:$0x1F910] =	vst v12  }
0x184: {  	[tilespmem:$0x1F580] =	vst v5;
	v5 =	vadd.s32 $0x31, v13  }
0x185: {  	v20 =	vmul.f32 v14, v30;
	v12 =	vadd.s32 $0xA, v13;
	[tilespmem:$0x1F5E0] =	vst v5;
	v5 =	vmul.f32 $4.629100560e-01, v2  }
0x186: {  	[tilespmem:$0x1F3D0] =	vst v12;
	v12 =	vmul.f32 v7, v37  }
0x187: {  	[tilespmem:$0x1F5A0] =	vst v5;
	v5 =	vmul.f32 $5.345224740e-01, v20  }
0x188: {  	[tilespmem:$0x1F940] =	vst v12  }
0x189: {  	v12 =	vmul.f32 v35, v30;
	[tilespmem:$0x1F5C0] =	vst v5;
	v5 =	vadd.s32 $0x32, v13  }
0x18a: {  	v59 =	vmul.f32 v35, v23;
	[tilespmem:$0x1F600] =	vst v5;
	v5 =	vmul.f32 $5.000000000e-01, v2  }
0x18b: {  	v27 =	vmul.f32 v7, v10;
	v54 =	vmul.f32 v7, v11;
	[tilespmem:$0x1FC30] =	vst v12  }
0x18c: {  	v63 =	vmul.f32 v7, v23;
	v17 =	vmul.f32 v35, v4;
	[tilespmem:$0x1F5D0] =	vst v5;
	v5 =	vadd.s32 $0x41, v13  }
0x18d: {  	v33 =	vmul.f32 v7, v30;
	v12 =	vadd.s32 $0xB, v13;
	[tilespmem:$0x1F650] =	vst v5;
	v5 =	vmul.f32 $7.071067690e-01, v54  }
0x18e: {  	v22 =	vmul.f32 v35, v11;
	[tilespmem:$0x1F3E0] =	vst v12;
	v12 =	vmul.f32 v35, v10  }
0x18f: {  	v35 =	vmul.f32 v7, v4;
	v7 =	vadd.s32 $0x1C, v13;
	[tilespmem:$0x1F2A0] =	vst v5;
	v5 =	vmul.f32 $7.071067690e-01, v20  }
0x190: {  	[tilespmem:$0x1F430] =	vst v7  }
0x191: {  	[tilespmem:$0x1F2B0] =	vst v5;
	v5 =	vadd.s32 $0x42, v13  }
0x192: {  	[tilespmem:$0x1F680] =	vst v5;
	v5 =	vmul.f32 $3.872983460e-01, v2;
	v2 =	vmul.f32 $1.889822330e-01, v2  }
0x193: {  	[tilespmem:$0x1FB70] =	vst v12  }
0x194: {  	v7 =	vadd.s32 $0x1D, v13;
	[tilespmem:$0x1F860] =	vst v2;
	v2 =	vmul.f32 $4.629100560e-01, v20  }
0x195: {  	v56 =	vmul.f32 v57, v10;
	[tilespmem:$0x1F450] =	vst v7  }
0x196: {  	[tilespmem:$0x1F890] =	vst v2;
	v2 =	vadd.s32 $0x49, v13  }
0x197: {  	v12 =	vadd.s32 $0x1A, v13;
	[tilespmem:$0x1F7F0] =	vst v2;
	v2 =	vmul.f32 $7.071067690e-01, v56  }
0x198: {  	v7 =	vmul.f32 $5.773502590e-01, v24;
	[tilespmem:$0x1F3F0] =	vst v12  }
0x199: {  	[tilespmem:$0x1F8C0] =	vst v2;
	v2 =	vmul.f32 $7.071067690e-01, v34  }
0x19a: {  	[tilespmem:$0x1F330] =	vst v7  }
0x19b: {  	v42 =	vmul.f32 v36, v37;
	[tilespmem:$0x1F8D0] =	vst v2;
	v2 =	vadd.s32 $0x4A, v13  }
0x19c: {  	v51 =	vmul.f32 v52, v37;
	v7 =	vadd.s32 $0x1E, v13;
	[tilespmem:$0x1F820] =	vst v2;
	v2 =	vmul.f32 $5.477225780e-01, v31  }
0x19d: {  	[tilespmem:$0x1F470] =	vst v7;
	v7 =	vmul.f32 $7.071067690e-01, v42  }
0x19e: {  	[tilespmem:$0x1FAA0] =	vst v2;
	v2 =	vmul.f32 $5.477225780e-01, v51  }
0x19f: {  	v1 =	vmul.f32 v14, v37;
	[tilespmem:$0x1F270] =	vst v7  }
0x1a0: {  	[tilespmem:$0x1FAF0] =	vst v2;
	v2 =	vadd.s32 $0x4B, v13  }
0x1a1: {  	v25 =	vmul.f32 v14, v23;
	v7 =	vadd.s32 $0x2, v13;
	[tilespmem:$0x1F850] =	vst v2;
	v2 =	vmul.f32 $5.477225780e-01, v1  }
0x1a2: {  	[tilespmem:$0x1F4B0] =	vst v7  }
0x1a3: {  	[tilespmem:$0x1FB20] =	vst v2;
	v2 =	vmul.f32 $8.164966110e-01, v25  }
0x1a4: {  	[tilespmem:$0x1F660] =	vst v5  }
0x1a5: {  	[tilespmem:$0x1FB60] =	vst v2;
	v2 =	vadd.s32 $0x4C, v13  }
0x1a6: {  	v3 =	vmul.f32 v8, v37;
	v5 =	vadd.s32 $0x43, v13;
	[tilespmem:$0x1F880] =	vst v2;
	v2 =	vmul.f32 $4.082483050e-01, v1  }
0x1a7: {  	[tilespmem:$0x1F6C0] =	vst v5;
	v5 =	vmul.f32 $3.162277640e-01, v49  }
0x1a8: {  	[tilespmem:$0x1FBB0] =	vst v2;
	v2 =	vmul.f32 $7.071067690e-01, v3  }
0x1a9: {  	[tilespmem:$0x1F6A0] =	vst v5  }
0x1aa: {  	v5 =	vmul.f32 $3.872983460e-01, v44;
	[tilespmem:$0x1F950] =	vst v2;
	v2 =	vadd.s32 $0x4D, v13  }
0x1ab: {  	[tilespmem:$0x1F8A0] =	vst v2;
	v2 =	vmul.f32 $7.071067690e-01, v32  }
0x1ac: {  	[tilespmem:$0x1F6D0] =	vst v5  }
0x1ad: {  	v55 =	vmul.f32 v57, v30;
	v5 =	vadd.s32 $0x44, v13;
	[tilespmem:$0x1F960] =	vst v2;
	v2 =	vmul.f32 $4.082483050e-01, v31  }
0x1ae: {  	[tilespmem:$0x1F6F0] =	vst v5  }
0x1af: {  	v5 =	vmul.f32 $7.071067690e-01, v55;
	[tilespmem:$0x1FC00] =	vst v2;
	v2 =	vadd.s32 $0x4E, v13  }
0x1b0: {  	[tilespmem:$0x1F8B0] =	vst v2;
	v2 =	vmul.f32 $4.082483050e-01, v32  }
0x1b1: {  	[tilespmem:$0x1F2C0] =	vst v5;
	v5 =	vmul.f32 $7.071067690e-01, v27  }
0x1b2: {  	[tilespmem:$0x1FC20] =	vst v2;
	v2 =	vmul.f32 $7.071067690e-01, v50  }
0x1b3: {  	[tilespmem:$0x1F2D0] =	vst v5  }
0x1b4: {  	[tilespmem:$0x1F990] =	vst v2;
	v2 =	vadd.s32 $0x4F, v13  }
0x1b5: {  	v5 =	vadd.s32 $0x45, v13;
	[tilespmem:$0x1F8F0] =	vst v2;
	v2 =	vmul.f32 $7.071067690e-01, v31  }
0x1b6: {  	[tilespmem:$0x1F710] =	vst v5;
	v5 =	vmul.f32 $5.000000000e-01, v44  }
0x1b7: {  	v58 =	vmul.f32 v57, v11;
	[tilespmem:$0x1F9A0] =	vst v2;
	v2 =	vmul.f32 $5.773502590e-01, v32  }
0x1b8: {  	[tilespmem:$0x1F720] =	vst v5  }
0x1b9: {  	v5 =	vmul.f32 $7.071067690e-01, v58;
	[tilespmem:$0x1FC60] =	vst v2;
	v2 =	vadd.s32 $0x50, v13  }
0x1ba: {  	[tilespmem:$0x1F920] =	vst v2;
	v2 =	vmul.f32 $1.825741830e-01, v31  }
0x1bb: {  	[tilespmem:$0x1F2E0] =	vst v5  }
0x1bc: {  	v5 =	vadd.s32 $0x46, v13;
	[tilespmem:$0x1FC80] =	vst v2;
	v2 =	vmul.f32 $4.472135900e-01, v51  }
0x1bd: {  	[tilespmem:$0x1F730] =	vst v5  }
0x1be: {  	v5 =	vmul.f32 $7.071067690e-01, v49;
	[tilespmem:$0x1FCB0] =	vst v2;
	v2 =	vadd.s32 $0x3, v13  }
0x1bf: {  	[tilespmem:$0x1F980] =	vst v2;
	v2 =	vmul.f32 $1.825741830e-01, v1  }
0x1c0: {  	[tilespmem:$0x1F2F0] =	vst v5;
	v5 =	vmul.f32 $5.345224740e-01, v6  }
0x1c1: {  	[tilespmem:$0x1FCE0] =	vst v2;
	v2 =	vmul.f32 $5.773502590e-01, v25  }
0x1c2: {  	[tilespmem:$0x1F7C0] =	vst v5  }
0x1c3: {  	[tilespmem:$0x1FD20] =	vst v2;
	v2 =	vadd.s32 $0x4, v13  }
0x1c4: {  	v5 =	vadd.s32 $0x47, v13;
	[tilespmem:$0x1F9C0] =	vst v2;
	v2 =	vmul.f32 $7.071067690e-01, v19  }
0x1c5: {  	v0 =	vmul.f32 v52, v4;
	[tilespmem:$0x1F780] =	vst v5  }
0x1c6: {  	v5 =	vmul.f32 $1.889822330e-01, v44;
	[tilespmem:$0x1F9F0] =	vst v2;
	v2 =	vadd.s32 $0x20, v13  }
0x1c7: {  	v18 =	vmul.f32 v52, v11;
	[tilespmem:$0x1FBF0] =	vst v2;
	v2 =	vmul.f32 $4.472135900e-01, v0  }
0x1c8: {  	[tilespmem:$0x1F800] =	vst v5;
	v1 =	vmul.f32 $7.071067690e-01, v1  }
0x1c9: {  	[tilespmem:$0x1F420] =	vst v2;
	v2 =	vmul.f32 $3.162277640e-01, v18  }
0x1ca: {  	[tilespmem:$0x1FA00] =	vst v1  }
0x1cb: {  	[tilespmem:$0x1F440] =	vst v2;
	v2 =	vadd.s32 $0x21, v13  }
0x1cc: {  	v26 =	vmul.f32 v52, v10;
	v1 =	vadd.s32 $0x5, v13;
	[tilespmem:$0x1FC10] =	vst v2;
	v2 =	vmul.f32 $3.162277640e-01, v6  }
0x1cd: {  	[tilespmem:$0x1FA20] =	vst v1;
	v1 =	vmul.f32 $5.477225780e-01, v15  }
0x1ce: {  	[tilespmem:$0x1F370] =	vst v2;
	v2 =	vmul.f32 $3.162277640e-01, v26  }
0x1cf: {  	[tilespmem:$0x1FEA0] =	vst v1  }
0x1d0: {  	v1 =	vmul.f32 $5.477225780e-01, v47;
	[tilespmem:$0x1F490] =	vst v2;
	v2 =	vadd.s32 $0x22, v13  }
0x1d1: {  	[tilespmem:$0x1FC40] =	vst v2;
	v2 =	vmul.f32 $5.345224740e-01, v27  }
0x1d2: {  	[tilespmem:$0x1FEC0] =	vst v1  }
0x1d3: {  	v1 =	vadd.s32 $0x6, v13;
	[tilespmem:$0x1F390] =	vst v2;
	v2 =	vmul.f32 $4.629100560e-01, v26  }
0x1d4: {  	[tilespmem:$0x1FA50] =	vst v1  }
0x1d5: {  	v1 =	vmul.f32 $5.477225780e-01, v61;
	[tilespmem:$0x1F500] =	vst v2;
	v2 =	vadd.s32 $0x23, v13  }
0x1d6: {  	[tilespmem:$0x1FC50] =	vst v2;
	v2 =	vmul.f32 $2.672612370e-01, v0  }
0x1d7: {  	[tilespmem:$0x1FED0] =	vst v1;
	v1 =	vmul.f32 $4.082483050e-01, v47  }
0x1d8: {  	[tilespmem:$0x1F530] =	vst v2;
	v2 =	vmul.f32 $4.629100560e-01, v18  }
0x1d9: {  	[tilespmem:$0x1FCF0] =	vst v1  }
0x1da: {  	[tilespmem:$0x1F560] =	vst v2;
	v2 =	vadd.s32 $0x33, v13  }
0x1db: {  	v1 =	vadd.s32 $0x7, v13;
	[tilespmem:$0x1FC70] =	vst v2;
	v2 =	vmul.f32 $4.629100560e-01, v0  }
0x1dc: {  	[tilespmem:$0x1FA90] =	vst v1;
	v1 =	vmul.f32 $4.082483050e-01, v61  }
0x1dd: {  	[tilespmem:$0x1F3A0] =	vst v2;
	v2 =	vmul.f32 $5.000000000e-01, v18  }
0x1de: {  	[tilespmem:$0x1FEE0] =	vst v1  }
0x1df: {  	v1 =	vmul.f32 $7.071067690e-01, v17;
	[tilespmem:$0x1F3C0] =	vst v2;
	v2 =	vadd.s32 $0x34, v13  }
0x1e0: {  	[tilespmem:$0x1FCA0] =	vst v2;
	v2 =	vmul.f32 $3.872983460e-01, v18  }
0x1e1: {  	[tilespmem:$0x1FEF0] =	vst v1  }
0x1e2: {  	v1 =	vadd.s32 $0x8, v13;
	[tilespmem:$0x1F5F0] =	vst v2;
	v2 =	vmul.f32 $6.324555270e-01, v6  }
0x1e3: {  	[tilespmem:$0x1FAE0] =	vst v1  }
0x1e4: {  	v1 =	vmul.f32 $7.071067690e-01, v29;
	[tilespmem:$0x1F610] =	vst v2;
	v2 =	vadd.s32 $0x35, v13  }
0x1e5: {  	[tilespmem:$0x1FCD0] =	vst v2;
	v2 =	vmul.f32 $3.872983460e-01, v26  }
0x1e6: {  	[tilespmem:$0x1FF00] =	vst v1  }
0x1e7: {  	v1 =	vmul.f32 $4.082483050e-01, v15;
	[tilespmem:$0x1F670] =	vst v2;
	v2 =	vadd.s32 $0x36, v13  }
0x1e8: {  	[tilespmem:$0x1FD00] =	vst v2;
	v2 =	vmul.f32 $4.629100560e-01, v27  }
0x1e9: {  	[tilespmem:$0x1FF10] =	vst v1  }
0x1ea: {  	v1 =	vadd.s32 $0xC, v13;
	[tilespmem:$0x1F700] =	vst v2;
	v2 =	vmul.f32 $1.889822330e-01, v26  }
0x1eb: {  	[tilespmem:$0x1FB10] =	vst v1  }
0x1ec: {  	v1 =	vmul.f32 $4.082483050e-01, v29;
	[tilespmem:$0x1F790] =	vst v2;
	v2 =	vadd.s32 $0x37, v13  }
0x1ed: {  	[tilespmem:$0x1FB80] =	vst v2;
	v2 =	vmul.f32 $4.780914490e-01, v0  }
0x1ee: {  	[tilespmem:$0x1FF20] =	vst v1;
	v0 =	vmul.f32 $5.345224740e-01, v0  }
0x1ef: {  	v5 =	vmul.f32 $1.195228620e-01, v34;
	v34 =	vld [tilespmem:$0x1F260];
	[tilespmem:$0x1F7D0] =	vst v2;
	v2 =	vmul.f32 $1.889822330e-01, v18  }
0x1f0: {  	[tilespmem:$0x1F840] =	vst v0;
	v0 =	vmul.f32 $3.162277640e-01, v62  }
0x1f1: {  	[tilespmem:$0x1F810] =	vst v2  }
0x1f2: {  	v2 =	vadd.s32 $0x38, v13;
	[tilespmem:$0x1FA30] =	vst v0  }
0x1f3: {  	v1 =	vmul.f32 $7.071067690e-01, v22;
	v0 =	vadd.s32 $0x39, v13;
	[tilespmem:$0x1FF60] =	vst v2  }
0x1f4: {  	[tilespmem:$0x1FB50] =	vst v0;
	v0 =	vmul.f32 $5.477225780e-01, v34;
	v2 =	vld [tilespmem:$0x1F770]  }
0x1f5: {  	[tilespmem:$0x1FF30] =	vst v1  }
0x1f6: {  	v1 =	vadd.s32 $0xD, v13;
	[tilespmem:$0x1F9D0] =	vst v0;
	v0 =	vmul.f32 $6.324555270e-01, v63  }
0x1f7: {  	[tilespmem:$0x1FB40] =	vst v1  }
0x1f8: {  	v1 =	vmul.f32 $7.071067690e-01, v15;
	[tilespmem:$0x1F9E0] =	vst v0;
	v0 =	vadd.s32 $0xF, v13  }
0x1f9: {  	[tilespmem:$0x1FD10] =	vst v0;
	v0 =	vmul.f32 $5.477225780e-01, v2  }
0x1fa: {  	[tilespmem:$0x1FF50] =	vst v1;
	v1 =	vmul.f32 $5.773502590e-01, v29  }
0x1fb: {  	[tilespmem:$0x1FAB0] =	vst v0;
	v0 =	vmul.f32 $4.082483050e-01, v34  }
0x1fc: {  	[tilespmem:$0x1FF40] =	vst v1  }
0x1fd: {  	v28 =	vmul.f32 v36, v23;
	[tilespmem:$0x1FA60] =	vst v0;
	v0 =	vadd.s32 $0x10, v13  }
0x1fe: {  	v46 =	vmul.f32 $7.071067690e-01, v43;
	v1 =	vadd.s32 $0xE, v13;
	[tilespmem:$0x1FF70] =	vst v0;
	v0 =	vmul.f32 $4.082483050e-01, v51  }
0x1ff: {  	v43 =	vmul.f32 $7.071067690e-01, v9;
	v53 =	vmul.f32 v8, v4;
	[tilespmem:$0x1FBA0] =	vst v1  }
0x200: {  	v40 =	vmul.f32 v57, v4;
	[tilespmem:$0x1FA70] =	vst v0;
	v0 =	vmul.f32 $4.082483050e-01, v2;
	v2 =	vadd.s32 $0x29, v13  }
0x201: {  	v37 =	vmul.f32 $7.071067690e-01, v60;
	v60 =	vmul.f32 $6.324555270e-01, v53;
	[tilespmem:$0x1FFA0] =	vst v2  }
0x202: {  	v12 =	vmul.f32 v36, v4;
	v36 =	vmul.f32 v8, v11;
	v2 =	vadd.s32 $0x2A, v13;
	[tilespmem:$0x1FB30] =	vst v0  }
0x203: {  	v7 =	vmul.f32 $5.000000000e-01, v40;
	v1 =	vmul.f32 $1.825741830e-01, v15;
	v0 =	vadd.s32 $0x11, v13;
	[tilespmem:$0x1FFB0] =	vst v2  }
0x204: {  	v11 =	vmovc v47;
	v15 =	vmul.f32 $4.472135900e-01, v47;
	v47 =	vmul.f32 $5.000000000e-01, v36;
	v2 =	vadd.s32 $0x2B, v13;
	[tilespmem:$0x1FF80] =	vst v0  }
0x205: {  	v27 =	vmul.f32 $3.162277640e-01, v53;
	v18 =	vmul.f32 $4.629100560e-01, v53;
	[tilespmem:$0x1FFC0] =	vst v2;
	v2 =	vadd.s32 $0x2C, v13  }
0x206: {  	v0 =	vmul.f32 $6.324555270e-01, v58;
	v58 =	vmul.f32 $3.162277640e-01, v58;
	[tilespmem:$0x1FFD0] =	vst v2;
	v2 =	vadd.s32 $0x2D, v13  }
0x207: {  	v9 =	vadd.s32 $0x3D, v13;
	v53 =	vmul.f32 $5.345224740e-01, v53;
	[tilespmem:$0x1FFE0] =	vst v2;
	v2 =	vmul.f32 $4.629100560e-01, v55  }
0x208: {  	[tilespmem:$0x1F4D0] =	vst v3;
	v3 =	vmul.f32 $5.773502590e-01, v28;
	v58 =	vsub.f32 v60, v58;
	v60 =	vsub.f32 v47, v7  }
0x209: {  	[tilespmem:$0x1FD30] =	vst v8;
	v44 =	vmul.f32 $5.773502590e-01, v16;
	v7 =	vadd.f32 v47, v7;
	v47 =	vadd.f32 v53, v2;
	v2 =	vld [tilespmem:$0x1F330]  }
0x20a: {  	v39 =	vmul.f32 v8, v10;
	v41 =	vmul.f32 v8, v30;
	[tilespmem:$0x1FB90] =	vst v9;
	v10 =	vadd.s32 $0x3E, v13  }
0x20b: {  	v45 =	vmul.f32 v8, v48;
	[tilespmem:$0x1FBE0] =	vst v10;
	v8 =	vadd.s32 $0x3B, v13;
	v44 =	vadd.f32 v3, v44  }
0x20c: {  	[tilespmem:$0x1F620] =	vst v8;
	v27 =	vadd.f32 v27, v0;
	v0 =	vmul.f32 $3.872983460e-01, v40;
	v53 =	vmul.f32 $4.472135900e-01, v41  }
0x20d: {  	[tilespmem:$0x1F310] =	vst v12;
	v12 =	vadd.s32 $0x1B, v13  }
0x20e: {  	[tilespmem:$0x1F410] =	vst v12;
	v0 =	vsub.f32 v0, v53;
	v53 =	vadd.f32 v2, v44;
	v2 =	vld [tilespmem:$0x1F350]  }
0x20f: {  	[tilespmem:$0x1F830] =	vst v5;
	v5 =	vadd.s32 $0x48, v13  }
0x210: {  	[tilespmem:$0x1F7A0] =	vst v5;
	v5 =	vmul.f32 $8.164966110e-01, v28;
	v28 =	vld [tilespmem:$0x1F270]  }
0x211: {  	v9 =	vmul.f32 $4.472135900e-01, v45;
	v10 =	vmul.f32 $2.672612370e-01, v45;
	[tilespmem:$0x1F750] =	vst v1;
	v1 =	vadd.s32 $0x1F, v13  }
0x212: {  	v8 =	vmul.f32 $5.345224740e-01, v45;
	v12 =	vmul.f32 $7.071067690e-01, v59;
	[tilespmem:$0x1FBC0] =	vst v1  }
0x213: {  	v59 =	vmul.f32 $-4.629100560e-01, v45;
	v1 =	vmul.f32 $4.082483050e-01, v16;
	v16 =	vadd.s32 $0x3F, v13;
	[tilespmem:v13+s11+$0x0] =	vst.idx.msk $0xffff, v2;
	v2 =	vld [tilespmem:$0x1F360]  }
0x214: {  	v50 =	vmul.f32 $4.780914490e-01, v45;
	v45 =	vld [tilespmem:$0x1F280];
	[tilespmem:$0x1FBD0] =	vst v16;
	v16 =	vadd.s32 $0x40, v13  }
0x215: {  	[tilespmem:$0x1FB00] =	vst v16;
	v16 =	vsub.f32 v46, v28;
	v28 =	vadd.f32 v46, v28;
	v46 =	vld [tilespmem:$0x1F290]  }
0x216: {  	v38 =	vmul.f32 v57, v48;
	v49 =	vmul.f32 $5.000000000e-01, v26;
	v5 =	vsub.f32 v5, v1  }
0x217: {  	[tilespmem:$0x1FC90] =	vst v61;
	v32 =	vmul.f32 $5.000000000e-01, v39;
	v61 =	vmul.f32 $4.472135900e-01, v56  }
0x218: {  	v29 =	vmul.f32 $-5.000000000e-01, v38;
	v26 =	vmul.f32 $5.345224740e-01, v54;
	v5 =	vsub.f32 v5, v2;
	v2 =	vld [tilespmem:$0x1F370]  }
0x219: {  	v25 =	vmov v62;
	v62 =	vmul.f32 $5.345224740e-01, v56;
	v56 =	vmul.f32 $1.195228620e-01, v56  }
0x21a: {  	v54 =	vmul.f32 $4.629100560e-01, v54;
	v42 =	vsub.f32 v46, v45  }
0x21b: {  	v45 =	vmul.f32 $4.629100560e-01, v40;
	v26 =	vsub.f32 v59, v26;
	v59 =	vadd.f32 v32, v29  }
0x21c: {  	v8 =	vsub.f32 v54, v8;
	v54 =	vsub.f32 v29, v32;
	v29 =	vmul.f32 $1.889822330e-01, v40  }
0x21d: {  	[tilespmem:$0x1F640] =	vst v63;
	v63 =	vmul.f32 $-3.162277640e-01, v40;
	v40 =	vsub.f32 v56, v50;
	v56 =	vmovc v15;
	v15 =	vsub.f32 v27, v2;
	v2 =	vld [tilespmem:$0x1F380];
	_ =	sdelay $0x7  }
0x21e: {  	[tilespmem:v2+s11+$0x0] =	vst.idx.msk $0xffff, v53;
	v2 =	vld [tilespmem:$0x1F390]  }
0x21f: {  	v6 =	vmul.f32 $5.345224740e-01, v55;
	_ =	sdelay $0x1  }
0x220: {  	v18 =	vsub.f32 v18, v6;
	_ =	sdelay $0x1  }
0x221: {  	v18 =	vsub.f32 v18, v2;
	v2 =	vld [tilespmem:$0x1F3A0];
	_ =	sdelay $0x4  }
0x222: {  	v26 =	vadd.f32 v2, v26;
	v2 =	vld [tilespmem:$0x1F3B0]  }
0x223: {  	v10 =	vsub.f32 v10, v62;
	v62 =	vmov v4;
	v4 =	vld [tilespmem:$0x1F3D0];
	_ =	sdelay $0x5  }
0x224: {  	[tilespmem:$0x1F8E0] =	vst v17;
	v17 =	vsub.f32 v21, v43  }
0x225: {  	[tilespmem:v2+s11+$0x0] =	vst.idx.msk $0xffff, v16  }
0x226: {  	[tilespmem:v4+s11+$0x0] =	vst.idx.msk $0xffff, v17;
	v4 =	vld [tilespmem:$0x1F3E0]  }
0x227: {  	[tilespmem:$0x1F870] =	vst v22;
	v21 =	vadd.f32 v43, v21;
	v43 =	vld [tilespmem:$0x1F2A0]  }
0x228: {  	[tilespmem:$0x1F930] =	vst v19;
	v19 =	vsub.f32 v37, v12;
	v22 =	vadd.f32 v37, v12;
	v37 =	vld [tilespmem:$0x1F2B0];
	_ =	sdelay $0x3  }
0x229: {  	v24 =	vld [tilespmem:$0x1F2C0]  }
0x22a: {  	v43 =	vsub.f32 v37, v43;
	v37 =	vld [tilespmem:$0x1F2D0]  }
0x22b: {  	[tilespmem:v4+s11+$0x0] =	vst.idx.msk $0xffff, v19;
	v4 =	vld [tilespmem:$0x1F3F0];
	_ =	sdelay $0x3  }
0x22c: {  	v24 =	vsub.f32 v37, v24  }
0x22d: {  	v37 =	vld [tilespmem:$0x1F2F0]  }
0x22e: {  	[tilespmem:$0x1F740] =	vst v24;
	v24 =	vld [tilespmem:$0x1F2E0]  }
0x22f: {  	v16 =	vld [tilespmem:$0x1F410]  }
0x230: {  	[tilespmem:v4+s11+$0x0] =	vst.idx.msk $0xffff, v21;
	v4 =	vld [tilespmem:$0x1F430];
	_ =	sdelay $0x1  }
0x231: {  	v46 =	vmul.f32 $2.672612370e-01, v41  }
0x232: {  	v12 =	vmul.f32 $5.477225780e-01, v41  }
0x233: {  	v24 =	vadd.f32 v37, v24;
	v32 =	vmul.f32 $6.546536680e-01, v41;
	v41 =	vadd.f32 v46, v45;
	v45 =	vld [tilespmem:$0x1F320]  }
0x234: {  	[tilespmem:$0x1F7E0] =	vst v51;
	v23 =	vmul.f32 $3.162277640e-01, v38;
	v51 =	vmul.f32 $3.162277640e-01, v39  }
0x235: {  	v9 =	vadd.f32 v9, v61;
	v61 =	vmul.f32 $5.477225780e-01, v35;
	[tilespmem:$0x1F7B0] =	vst v24  }
0x236: {  	v24 =	vmul.f32 $4.629100560e-01, v38;
	v6 =	vmul.f32 $4.629100560e-01, v39;
	v23 =	vsub.f32 v23, v51;
	[tilespmem:v16+s11+$0x0] =	vst.idx.msk $0xffff, v22  }
0x237: {  	[tilespmem:v4+s11+$0x0] =	vst.idx.msk $0xffff, v5;
	v4 =	vld [tilespmem:$0x1F440]  }
0x238: {  	v6 =	vadd.f32 v6, v24;
	v50 =	vmovc v11;
	v11 =	vsub.f32 v23, v61;
	v24 =	vmul.f32 $5.477225780e-01, v45;
	_ =	sdelay $0x1  }
0x239: {  	v11 =	vadd.f32 v24, v11;
	_ =	sdelay $0x1  }
0x23a: {  	v5 =	vsub.f32 v11, v4;
	v4 =	vld [tilespmem:$0x1F450];
	_ =	sdelay $0x4  }
0x23b: {  	v19 =	vld [tilespmem:$0x1F400]  }
0x23c: {  	v16 =	vld [tilespmem:$0x1F420]  }
0x23d: {  	v31 =	vmul.f32 $4.472135900e-01, v33  }
0x23e: {  	[tilespmem:v4+s11+$0x0] =	vst.idx.msk $0xffff, v28;
	v4 =	vld [tilespmem:$0x1F460]  }
0x23f: {  	v12 =	vsub.f32 v63, v12;
	v27 =	vmul.f32 $3.162277640e-01, v36;
	v2 =	vadd.f32 v31, v9;
	_ =	sdelay $0x1  }
0x240: {  	v12 =	vsub.f32 v12, v27;
	v53 =	vld [tilespmem:$0x1F3C0];
	v24 =	vmul.f32 $5.477225780e-01, v19;
	v2 =	vadd.f32 v16, v2;
	_ =	sdelay $0x1  }
0x241: {  	v11 =	vadd.f32 v12, v24;
	v12 =	vadd.f32 v4, v2;
	v2 =	vld [tilespmem:$0x1F470];
	_ =	sdelay $0x1  }
0x242: {  	v20 =	vadd.s32 $0x3A, v13  }
0x243: {  	v51 =	vmovc v14;
	v14 =	vsub.f32 v59, v53;
	v59 =	vmov v20;
	v20 =	vmul.f32 $2.672612370e-01, v35;
	_ =	sdelay $0x1  }
0x244: {  	v6 =	vadd.f32 v20, v6;
	v16 =	vmul.f32 $2.672612370e-01, v45  }
0x245: {  	v22 =	vld [tilespmem:$0x1F4B0]  }
0x246: {  	v6 =	vadd.f32 v16, v6;
	v16 =	vld [tilespmem:$0x1F4E0]  }
0x247: {  	[tilespmem:v2+s11+$0x0] =	vst.idx.msk $0xffff, v42;
	v2 =	vld [tilespmem:$0x1F480];
	_ =	sdelay $0x4  }
0x248: {  	v5 =	vadd.f32 v5, v2;
	v2 =	vld [tilespmem:$0x1F490]  }
0x249: {  	[tilespmem:v22+s11+$0x0] =	vst.idx.msk $0xffff, v12  }
0x24a: {  	[tilespmem:v16+s11+$0x0] =	vst.idx.msk $0xffff, v5;
	v5 =	vld [tilespmem:$0x1F4F0];
	_ =	sdelay $0x2  }
0x24b: {  	v11 =	vadd.f32 v11, v2  }
0x24c: {  	v9 =	vmul.f32 $4.629100560e-01, v36  }
0x24d: {  	v5 =	vadd.f32 v11, v5;
	v11 =	vld [tilespmem:$0x1F500]  }
0x24e: {  	v9 =	vsub.f32 v41, v9;
	v20 =	vmul.f32 $2.672612370e-01, v19;
	_ =	sdelay $0x1  }
0x24f: {  	v9 =	vadd.f32 v9, v20;
	_ =	sdelay $0x1  }
0x250: {  	v9 =	vadd.f32 v9, v11;
	v11 =	vld [tilespmem:$0x1F510]  }
0x251: {  	v12 =	vld [tilespmem:$0x1F4C0];
	_ =	sdelay $0x4  }
0x252: {  	v12 =	vsub.f32 v15, v12;
	v16 =	vld [tilespmem:$0x1F540]  }
0x253: {  	v4 =	vld [tilespmem:$0x1F570]  }
0x254: {  	[tilespmem:v11+s11+$0x0] =	vst.idx.msk $0xffff, v12;
	v11 =	vld [tilespmem:$0x1F520];
	_ =	sdelay $0x3  }
0x255: {  	v3 =	vmul.f32 $3.872983460e-01, v39;
	v1 =	vmul.f32 $3.872983460e-01, v38  }
0x256: {  	v12 =	vld [tilespmem:$0x1F530];
	v11 =	vadd.f32 v11, v18  }
0x257: {  	v1 =	vsub.f32 v3, v1;
	v3 =	vmul.f32 $1.889822330e-01, v39;
	v39 =	vmul.f32 $5.345224740e-01, v33;
	[tilespmem:v16+s11+$0x0] =	vst.idx.msk $0xffff, v5  }
0x258: {  	[tilespmem:v4+s11+$0x0] =	vst.idx.msk $0xffff, v11;
	v4 =	vld [tilespmem:$0x1F580]  }
0x259: {  	v10 =	vadd.f32 v39, v10;
	_ =	sdelay $0x1  }
0x25a: {  	v10 =	vadd.f32 v12, v10;
	_ =	sdelay $0x1  }
0x25b: {  	v10 =	vsub.f32 v10, v4;
	v4 =	vld [tilespmem:$0x1F590]  }
0x25c: {  	v5 =	vld [tilespmem:$0x1F550];
	_ =	sdelay $0x4  }
0x25d: {  	v5 =	vsub.f32 v9, v5;
	v9 =	vld [tilespmem:$0x1F560];
	_ =	sdelay $0x1  }
0x25e: {  	[tilespmem:v4+s11+$0x0] =	vst.idx.msk $0xffff, v5;
	v4 =	vld [tilespmem:$0x1F5A0];
	_ =	sdelay $0x2  }
0x25f: {  	v6 =	vadd.f32 v6, v9;
	_ =	sdelay $0x1  }
0x260: {  	v5 =	vadd.f32 v6, v4;
	v4 =	vld [tilespmem:$0x1F5B0];
	_ =	sdelay $0x7  }
0x261: {  	[tilespmem:v4+s11+$0x0] =	vst.idx.msk $0xffff, v10;
	v4 =	vld [tilespmem:$0x1F5C0]  }
0x262: {  	v23 =	vmul.f32 $4.472135900e-01, v35;
	_ =	sdelay $0x1  }
0x263: {  	v1 =	vsub.f32 v1, v23;
	v9 =	vmul.f32 $4.472135900e-01, v45;
	_ =	sdelay $0x1  }
0x264: {  	v1 =	vadd.f32 v9, v1;
	v9 =	vsub.f32 v26, v4;
	v4 =	vld [tilespmem:$0x1F5E0];
	_ =	sdelay $0x7  }
0x265: {  	[tilespmem:v4+s11+$0x0] =	vst.idx.msk $0xffff, v5;
	v4 =	vld [tilespmem:$0x1F5F0];
	_ =	sdelay $0x4  }
0x266: {  	v1 =	vadd.f32 v1, v4;
	v4 =	vld [tilespmem:$0x1F600];
	_ =	sdelay $0x7  }
0x267: {  	[tilespmem:v4+s11+$0x0] =	vst.idx.msk $0xffff, v9;
	v4 =	vld [tilespmem:$0x1F610];
	_ =	sdelay $0x4  }
0x268: {  	v5 =	vsub.f32 v58, v4;
	v4 =	vld [tilespmem:$0x1F640];
	_ =	sdelay $0x3  }
0x269: {  	v12 =	vmul.f32 $3.872983460e-01, v36  }
0x26a: {  	v39 =	vmul.f32 $7.745966910e-01, v4;
	v4 =	vld [tilespmem:$0x1F650]  }
0x26b: {  	v0 =	vadd.f32 v0, v12;
	v12 =	vld [tilespmem:$0x1F5D0];
	_ =	sdelay $0x4  }
0x26c: {  	v10 =	vadd.f32 v12, v14;
	_ =	sdelay $0x1  }
0x26d: {  	[tilespmem:v4+s11+$0x0] =	vst.idx.msk $0xffff, v10;
	v4 =	vld [tilespmem:$0x1F660];
	_ =	sdelay $0x4  }
0x26e: {  	v1 =	vsub.f32 v1, v4;
	v4 =	vld [tilespmem:$0x1F670]  }
0x26f: {  	v6 =	vmul.f32 $4.472135900e-01, v19;
	_ =	sdelay $0x1  }
0x270: {  	v0 =	vadd.f32 v0, v6;
	_ =	sdelay $0x1  }
0x271: {  	v0 =	vsub.f32 v0, v4;
	v4 =	vld [tilespmem:$0x1F680];
	_ =	sdelay $0x7  }
0x272: {  	[tilespmem:v4+s11+$0x0] =	vst.idx.msk $0xffff, v43;
	v4 =	vld [tilespmem:$0x1F6A0];
	_ =	sdelay $0x4  }
0x273: {  	v5 =	vadd.f32 v4, v5;
	v4 =	vadd.f32 v49, v7;
	v7 =	vld [tilespmem:$0x1F6C0];
	_ =	sdelay $0x7  }
0x274: {  	[tilespmem:v7+s11+$0x0] =	vst.idx.msk $0xffff, v1;
	v7 =	vld [tilespmem:$0x1F6F0];
	_ =	sdelay $0x7  }
0x275: {  	[tilespmem:v7+s11+$0x0] =	vst.idx.msk $0xffff, v5;
	v7 =	vld [tilespmem:$0x1F710]  }
0x276: {  	v1 =	vld [tilespmem:$0x1F6D0];
	_ =	sdelay $0x4  }
0x277: {  	v29 =	vsub.f32 v32, v29;
	v9 =	vmul.f32 $1.889822330e-01, v36;
	v0 =	vsub.f32 v0, v1;
	_ =	sdelay $0x1  }
0x278: {  	v38 =	vmul.f32 $-1.889822330e-01, v38;
	v1 =	vadd.f32 v29, v9;
	v9 =	vmul.f32 $6.546536680e-01, v19;
	[tilespmem:v7+s11+$0x0] =	vst.idx.msk $0xffff, v0;
	v7 =	vld [tilespmem:$0x1F720];
	_ =	sdelay $0x1  }
0x279: {  	v3 =	vsub.f32 v38, v3;
	v10 =	vmul.f32 $6.546536680e-01, v35;
	v1 =	vadd.f32 v1, v9;
	v9 =	vld [tilespmem:$0x1F730]  }
0x27a: {  	v6 =	vadd.f32 v49, v60  }
0x27b: {  	v3 =	vadd.f32 v10, v3;
	v10 =	vld [tilespmem:$0x1F740]  }
0x27c: {  	v0 =	vsub.f32 v6, v7;
	v4 =	vadd.f32 v7, v4;
	v7 =	vld [tilespmem:$0x1F770];
	_ =	sdelay $0x4  }
0x27d: {  	[tilespmem:v9+s11+$0x0] =	vst.idx.msk $0xffff, v10;
	v10 =	vmul.f32 $7.302967310e-01, v7;
	v7 =	vld [tilespmem:$0x1F780];
	_ =	sdelay $0x7  }
0x27e: {  	[tilespmem:v7+s11+$0x0] =	vst.idx.msk $0xffff, v0;
	v0 =	vld [tilespmem:$0x1F790];
	_ =	sdelay $0x2  }
0x27f: {  	v6 =	vmul.f32 $6.546536680e-01, v45;
	_ =	sdelay $0x1  }
0x280: {  	v0 =	vsub.f32 v1, v0;
	v1 =	vadd.f32 v6, v3;
	v6 =	vld [tilespmem:$0x1F7A0];
	_ =	sdelay $0x2  }
0x281: {  	v7 =	vld [tilespmem:$0x1F7B0];
	_ =	sdelay $0x2  }
0x282: {  	v5 =	vld [tilespmem:$0x1F700];
	_ =	sdelay $0x1  }
0x283: {  	[tilespmem:v6+s11+$0x0] =	vst.idx.msk $0xffff, v7;
	v6 =	vld [tilespmem:$0x1F7C0];
	_ =	sdelay $0x2  }
0x284: {  	v5 =	vadd.f32 v5, v47  }
0x285: {  	v7 =	vld [tilespmem:$0x1F7E0]  }
0x286: {  	v5 =	vadd.f32 v6, v5;
	v6 =	vld [tilespmem:$0x1F7D0]  }
0x287: {  	v11 =	vmul.f32 $7.171371570e-01, v33;
	_ =	sdelay $0x1  }
0x288: {  	v9 =	vadd.f32 v11, v40;
	_ =	sdelay $0x1  }
0x289: {  	v6 =	vsub.f32 v9, v6;
	v9 =	vmul.f32 $5.773502590e-01, v7;
	v7 =	vld [tilespmem:$0x1F7F0];
	_ =	sdelay $0x7  }
0x28a: {  	[tilespmem:v7+s11+$0x0] =	vst.idx.msk $0xffff, v4;
	v7 =	vld [tilespmem:$0x1F820];
	_ =	sdelay $0x6  }
0x28b: {  	v11 =	vld [tilespmem:$0x1F880]  }
0x28c: {  	[tilespmem:v7+s11+$0x0] =	vst.idx.msk $0xffff, v5;
	v7 =	vld [tilespmem:$0x1F850]  }
0x28d: {  	v4 =	vld [tilespmem:$0x1F800]  }
0x28e: {  	v5 =	vld [tilespmem:$0x1F830];
	_ =	sdelay $0x3  }
0x28f: {  	v0 =	vadd.f32 v0, v4  }
0x290: {  	v5 =	vadd.f32 v5, v6;
	v6 =	vld [tilespmem:$0x1F840]  }
0x291: {  	[tilespmem:v7+s11+$0x0] =	vst.idx.msk $0xffff, v0  }
0x292: {  	[tilespmem:v11+s11+$0x0] =	vst.idx.msk $0xffff, v5;
	v5 =	vld [tilespmem:$0x1F890];
	_ =	sdelay $0x2  }
0x293: {  	v6 =	vadd.f32 v6, v8  }
0x294: {  	v4 =	vld [tilespmem:$0x1F810]  }
0x295: {  	v5 =	vadd.f32 v5, v6;
	v6 =	vld [tilespmem:$0x1F8A0]  }
0x296: {  	v0 =	vld [tilespmem:$0x1F860];
	_ =	sdelay $0x2  }
0x297: {  	v1 =	vsub.f32 v1, v4;
	_ =	sdelay $0x1  }
0x298: {  	v0 =	vsub.f32 v1, v0;
	v1 =	vadd.f32 v53, v54;
	_ =	sdelay $0x1  }
0x299: {  	[tilespmem:v6+s11+$0x0] =	vst.idx.msk $0xffff, v0;
	v0 =	vadd.f32 v12, v1;
	v1 =	vld [tilespmem:$0x1F8B0];
	_ =	sdelay $0x1  }
0x29a: {  	v15 =	vld [tilespmem:$0x1F4D0]  }
0x29b: {  	v18 =	vld [tilespmem:$0x1F980]  }
0x29c: {  	v14 =	vld [tilespmem:$0x1F960]  }
0x29d: {  	v11 =	vld [tilespmem:$0x1F920]  }
0x29e: {  	v6 =	vld [tilespmem:$0x1F8F0]  }
0x29f: {  	v12 =	vld [tilespmem:$0x1F950]  }
0x2a0: {  	[tilespmem:v1+s11+$0x0] =	vst.idx.msk $0xffff, v5;
	v1 =	vld [tilespmem:$0x1F8C0]  }
0x2a1: {  	v5 =	vld [tilespmem:$0x1F8D0];
	_ =	sdelay $0x2  }
0x2a2: {  	v12 =	vsub.f32 v12, v14;
	v14 =	vld [tilespmem:$0x1F970]  }
0x2a3: {  	v21 =	vmul.f32 $7.071067690e-01, v25;
	v32 =	vmul.f32 $4.082483050e-01, v15  }
0x2a4: {  	v31 =	vmul.f32 $5.773502590e-01, v15;
	v15 =	vmul.f32 $6.324555270e-01, v25;
	v25 =	vld [tilespmem:$0x1FA00];
	v5 =	vsub.f32 v5, v1  }
0x2a5: {  	v19 =	vld [tilespmem:$0x1F9F0];
	[tilespmem:v6+s11+$0x0] =	vst.idx.msk $0xffff, v0  }
0x2a6: {  	v16 =	vld [tilespmem:$0x1F9A0];
	[tilespmem:v11+s11+$0x0] =	vst.idx.msk $0xffff, v5  }
0x2a7: {  	[tilespmem:v18+s11+$0x0] =	vst.idx.msk $0xffff, v14;
	v14 =	vld [tilespmem:$0x1F990];
	_ =	sdelay $0x1  }
0x2a8: {  	v18 =	vld [tilespmem:$0x1F9C0]  }
0x2a9: {  	v27 =	vsub.f32 v25, v19;
	v25 =	vld [tilespmem:$0x1FA20]  }
0x2aa: {  	v19 =	vld [tilespmem:$0x1FA10]  }
0x2ab: {  	v14 =	vadd.f32 v16, v14;
	v16 =	vld [tilespmem:$0x1F9B0]  }
0x2ac: {  	v45 =	vld [tilespmem:$0x1F910]  }
0x2ad: {  	v53 =	vld [tilespmem:$0x1F900];
	_ =	sdelay $0x2  }
0x2ae: {  	[tilespmem:v18+s11+$0x0] =	vst.idx.msk $0xffff, v16  }
0x2af: {  	[tilespmem:v25+s11+$0x0] =	vst.idx.msk $0xffff, v19;
	v19 =	vld [tilespmem:$0x1FA30]  }
0x2b0: {  	v0 =	vmul.f32 $5.477225780e-01, v53;
	v6 =	vmul.f32 $5.477225780e-01, v45  }
0x2b1: {  	v23 =	vld [tilespmem:$0x1FA50]  }
0x2b2: {  	v0 =	vadd.f32 v6, v0;
	_ =	sdelay $0x1  }
0x2b3: {  	v0 =	vsub.f32 v0, v19;
	v19 =	vld [tilespmem:$0x1FA40];
	_ =	sdelay $0x4  }
0x2b4: {  	[tilespmem:v23+s11+$0x0] =	vst.idx.msk $0xffff, v19;
	v19 =	vld [tilespmem:$0x1FA60]  }
0x2b5: {  	v23 =	vld [tilespmem:$0x1FA70];
	_ =	sdelay $0x1  }
0x2b6: {  	v22 =	vld [tilespmem:$0x1FA90];
	_ =	sdelay $0x2  }
0x2b7: {  	v23 =	vsub.f32 v19, v23;
	v19 =	vld [tilespmem:$0x1FA80]  }
0x2b8: {  	v37 =	vld [tilespmem:$0x1F940]  }
0x2b9: {  	v41 =	vld [tilespmem:$0x1F930]  }
0x2ba: {  	v16 =	vld [tilespmem:$0x1F9D0]  }
0x2bb: {  	v18 =	vld [tilespmem:$0x1F9E0]  }
0x2bc: {  	[tilespmem:v22+s11+$0x0] =	vst.idx.msk $0xffff, v19;
	v19 =	vld [tilespmem:$0x1FAA0];
	_ =	sdelay $0x2  }
0x2bd: {  	v5 =	vmul.f32 $5.477225780e-01, v41;
	v11 =	vmul.f32 $3.162277640e-01, v37  }
0x2be: {  	v6 =	vmul.f32 $-4.082483050e-01, v41;
	v16 =	vadd.f32 v18, v16;
	v18 =	vmul.f32 $7.071067690e-01, v37  }
0x2bf: {  	v5 =	vsub.f32 v5, v11;
	v0 =	vsub.f32 v0, v19;
	v19 =	vld [tilespmem:$0x1FAB0]  }
0x2c0: {  	v11 =	vmul.f32 $4.082483050e-01, v53;
	v6 =	vsub.f32 v6, v18;
	v18 =	vmul.f32 $4.082483050e-01, v45  }
0x2c1: {  	v25 =	vld [tilespmem:$0x1FAE0]  }
0x2c2: {  	v11 =	vsub.f32 v11, v18;
	v18 =	vld [tilespmem:$0x1FB10];
	_ =	sdelay $0x1  }
0x2c3: {  	v5 =	vadd.f32 v19, v5;
	v19 =	vld [tilespmem:$0x1FAD0];
	_ =	sdelay $0x4  }
0x2c4: {  	[tilespmem:v25+s11+$0x0] =	vst.idx.msk $0xffff, v19  }
0x2c5: {  	[tilespmem:v18+s11+$0x0] =	vst.idx.msk $0xffff, v0;
	v0 =	vld [tilespmem:$0x1FB20];
	_ =	sdelay $0x4  }
0x2c6: {  	v0 =	vadd.f32 v0, v5;
	v5 =	vld [tilespmem:$0x1FB30];
	_ =	sdelay $0x3  }
0x2c7: {  	v19 =	vld [tilespmem:$0x1FAF0]  }
0x2c8: {  	v5 =	vadd.f32 v5, v6;
	v6 =	vld [tilespmem:$0x1FB40]  }
0x2c9: {  	v25 =	vld [tilespmem:$0x1FBA0];
	_ =	sdelay $0x4  }
0x2ca: {  	v26 =	vadd.f32 v19, v16;
	_ =	sdelay $0x1  }
0x2cb: {  	[tilespmem:v6+s11+$0x0] =	vst.idx.msk $0xffff, v26  }
0x2cc: {  	[tilespmem:v25+s11+$0x0] =	vst.idx.msk $0xffff, v0;
	v0 =	vld [tilespmem:$0x1FBB0];
	_ =	sdelay $0x3  }
0x2cd: {  	v6 =	vld [tilespmem:$0x1FB60]  }
0x2ce: {  	v0 =	vsub.f32 v5, v0;
	v5 =	vadd.f32 v21, v11;
	v21 =	vld [tilespmem:$0x1FBC0]  }
0x2cf: {  	v25 =	vld [tilespmem:$0x1FBF0];
	_ =	sdelay $0x4  }
0x2d0: {  	v6 =	vadd.f32 v6, v23;
	_ =	sdelay $0x1  }
0x2d1: {  	[tilespmem:v21+s11+$0x0] =	vst.idx.msk $0xffff, v6  }
0x2d2: {  	[tilespmem:v25+s11+$0x0] =	vst.idx.msk $0xffff, v0;
	v0 =	vld [tilespmem:$0x1FC00];
	_ =	sdelay $0x2  }
0x2d3: {  	v18 =	vmul.f32 $1.825741830e-01, v53;
	v11 =	vmul.f32 $7.302967310e-01, v45;
	_ =	sdelay $0x1  }
0x2d4: {  	v0 =	vsub.f32 v5, v0;
	v5 =	vsub.f32 v11, v18;
	v18 =	vld [tilespmem:$0x1FC10]  }
0x2d5: {  	v25 =	vld [tilespmem:$0x1FC40];
	_ =	sdelay $0x4  }
0x2d6: {  	v20 =	vld [tilespmem:$0x1F4A0]  }
0x2d7: {  	v60 =	vld [tilespmem:$0x1F630]  }
0x2d8: {  	v40 =	vld [tilespmem:$0x1F760];
	[tilespmem:v18+s11+$0x0] =	vst.idx.msk $0xffff, v12  }
0x2d9: {  	[tilespmem:v25+s11+$0x0] =	vst.idx.msk $0xffff, v0;
	v0 =	vadd.f32 v15, v5;
	v15 =	vld [tilespmem:$0x1FC50]  }
0x2da: {  	v18 =	vld [tilespmem:$0x1FC20]  }
0x2db: {  	v2 =	vmul.f32 $8.164966110e-01, v20;
	_ =	sdelay $0x1  }
0x2dc: {  	v2 =	vsub.f32 v32, v2;
	_ =	sdelay $0x1  }
0x2dd: {  	v7 =	vmul.f32 $6.324555270e-01, v40;
	v8 =	vmul.f32 $5.477225780e-01, v60;
	v2 =	vadd.f32 v18, v2;
	_ =	sdelay $0x1  }
0x2de: {  	[tilespmem:v15+s11+$0x0] =	vst.idx.msk $0xffff, v2;
	v15 =	vadd.f32 v7, v8;
	v7 =	vld [tilespmem:$0x1FC70]  }
0x2df: {  	v8 =	vld [tilespmem:$0x1FCA0]  }
0x2e0: {  	v2 =	vld [tilespmem:$0x1FC60]  }
0x2e1: {  	v20 =	vmul.f32 $5.773502590e-01, v20;
	_ =	sdelay $0x1  }
0x2e2: {  	v6 =	vadd.f32 v31, v20;
	_ =	sdelay $0x1  }
0x2e3: {  	v2 =	vadd.f32 v2, v6  }
0x2e4: {  	[tilespmem:v7+s11+$0x0] =	vst.idx.msk $0xffff, v14  }
0x2e5: {  	[tilespmem:v8+s11+$0x0] =	vst.idx.msk $0xffff, v2;
	v2 =	vld [tilespmem:$0x1FCB0]  }
0x2e6: {  	v38 =	vmul.f32 $4.472135900e-01, v34;
	_ =	sdelay $0x1  }
0x2e7: {  	v20 =	vsub.f32 v39, v38  }
0x2e8: {  	v63 =	vld [tilespmem:$0x1F300]  }
0x2e9: {  	v14 =	vsub.f32 v20, v2;
	v2 =	vld [tilespmem:$0x1FCD0]  }
0x2ea: {  	v7 =	vld [tilespmem:$0x1FC80]  }
0x2eb: {  	v61 =	vld [tilespmem:$0x1F750]  }
0x2ec: {  	v46 =	vld [tilespmem:$0x1F310]  }
0x2ed: {  	v44 =	vld [tilespmem:$0x1F340]  }
0x2ee: {  	v42 =	vld [tilespmem:$0x1F8E0]  }
0x2ef: {  	v32 =	vld [tilespmem:$0x1FB80];
	v0 =	vadd.f32 v7, v0  }
0x2f0: {  	v36 =	vld [tilespmem:$0x1FAC0];
	v21 =	vmul.f32 $1.825741830e-01, v41;
	v11 =	vmul.f32 $6.324555270e-01, v37  }
0x2f1: {  	[tilespmem:v2+s11+$0x0] =	vst.idx.msk $0xffff, v0;
	v0 =	vld [tilespmem:$0x1FCE0]  }
0x2f2: {  	v58 =	vld [tilespmem:$0x1F620];
	v5 =	vsub.f32 v11, v21  }
0x2f3: {  	v43 =	vld [tilespmem:$0x1F690]  }
0x2f4: {  	v49 =	vld [tilespmem:$0x1F6B0];
	v5 =	vadd.f32 v10, v5  }
0x2f5: {  	v29 =	vld [tilespmem:$0x1F6E0]  }
0x2f6: {  	v2 =	vsub.f32 v5, v0;
	v0 =	vld [tilespmem:$0x1FD00]  }
0x2f7: {  	v54 =	vld [tilespmem:$0x1F870]  }
0x2f8: {  	v53 =	vld [tilespmem:$0x1FB90]  }
0x2f9: {  	p0 =	sne.s32 s16, $0xF0;
	v18 =	vld [tilespmem:$0x1FC30]  }
0x2fa: {  	v1 =	vmul.f32 $4.082483050e-01, v42;
	v16 =	vmul.f32 $5.773502590e-01, v42;
	v42 =	vld [tilespmem:$0x1FB00]  }
0x2fb: {  	v28 =	vmul.f32 $7.071067690e-01, v44;
	v33 =	vmul.f32 $3.162277640e-01, v44;
	v26 =	vld [tilespmem:$0x1FB50]  }
0x2fc: {  	v35 =	vmul.f32 $8.164966110e-01, v43;
	v3 =	vmul.f32 $5.773502590e-01, v34;
	v23 =	vld [tilespmem:$0x1FB70]  }
0x2fd: {  	v24 =	vmul.f32 $4.082483050e-01, v29;
	v34 =	vmul.f32 $-4.082483050e-01, v60;
	v38 =	vld [tilespmem:$0x1FBD0]  }
0x2fe: {  	v3 =	vsub.f32 v9, v3;
	v11 =	vmul.f32 $5.477225780e-01, v54;
	v9 =	vmul.f32 $-3.162277640e-01, v18;
	[tilespmem:v0+s11+$0x0] =	vst.idx.msk $0xffff, v14;
	v0 =	vld [tilespmem:$0x1FD20]  }
.Ltmp1:
0x2ff: {  	v55 =	vadd.s32 $0x3C, v13;
	v17 =	vadd.s32 $0x15, v13;
	v4 =	vmul.f32 $5.477225780e-01, v29;
	v39 =	vld [tilespmem:$0x1FBE0];
	(pc) =	sbr.rel @p0 .LBB2_5-.Ltmp1, $4  }
0x300: {  	v22 =	vmul.f32 $8.164966110e-01, v36;
	v19 =	vmul.f32 $5.773502590e-01, v36;
	v10 =	vld [tilespmem:$0x1FC90];
	v25 =	vsub.f32 v9, v11  }
0x301: {  	v47 =	vlaneseq.u32;
	v11 =	vld [tilespmem:$0x1FCC0];
	v6 =	vmul.f32 $5.477225780e-01, v23;
	v7 =	vmul.f32 $5.477225780e-01, v46  }
0x302: {  	v36 =	vmul.f32 $4.082483050e-01, v23;
	v37 =	vmul.f32 $4.082483050e-01, v46;
	v12 =	vmovc v30;
	v30 =	vadd.f32 v4, v25;
	v8 =	vmovc v18;
	v18 =	vld [tilespmem:$0x1FD10]  }
0x303: {  	s16 =	sadd.s32 $0x10, s16;
	v9 =	vmovc v57;
	v31 =	vmul.f32 $7.071067690e-01, v8;
	v20 =	vadd.f32 v7, v6;
	v7 =	vld [tilespmem:$0x1FCF0];
	v21 =	vadd.f32 v0, v3  }
0x304: {  	_ =	sdelay $0x3  }
0x305: {  	v5 =	vld [tilespmem:$0x1FEA0];
	[tilespmem:v32+s11+$0x0] =	vst.idx.msk $0xffff, v2  }
0x306: {  	v14 =	vld [tilespmem:$0x1FF60];
	_ =	sdelay $0x7  }
0x307: {  	v0 =	vsub.f32 v34, v35;
	v2 =	vld [tilespmem:$0x1FEC0];
	[tilespmem:v14+s11+$0x0] =	vst.idx.msk $0xffff, v21  }
0x308: {  	v5 =	vadd.f32 v5, v30;
	v14 =	vld [tilespmem:$0x1FED0];
	[tilespmem:v26+s11+$0x0] =	vst.idx.msk $0xffff, v27  }
0x309: {  	v0 =	vadd.f32 v7, v0;
	v7 =	vld [tilespmem:$0x1FEF0]  }
0x30a: {  	v3 =	vsub.f32 v36, v37;
	v36 =	vld [tilespmem:$0x1FF00];
	[tilespmem:v18+s11+$0x0] =	vst.idx.msk $0xffff, v5  }
0x30b: {  	v5 =	vld [tilespmem:$0x1FEE0];
	_ =	sdelay $0x2  }
0x30c: {  	v3 =	vadd.f32 v28, v3;
	_ =	sdelay $0x1  }
0x30d: {  	v3 =	vadd.f32 v3, v5;
	v5 =	vld [tilespmem:$0x1FF70];
	_ =	sdelay $0x5  }
0x30e: {  	v2 =	vadd.f32 v2, v15;
	_ =	sdelay $0x1  }
0x30f: {  	[tilespmem:v5+s11+$0x0] =	vst.idx.msk $0xffff, v2  }
0x310: {  	v37 =	vld [tilespmem:$0x1FF80];
	_ =	sdelay $0x3  }
0x311: {  	v6 =	vsub.f32 v20, v33;
	_ =	sdelay $0x1  }
0x312: {  	v6 =	vadd.f32 v6, v14;
	_ =	sdelay $0x1  }
0x313: {  	[tilespmem:v37+s11+$0x0] =	vst.idx.msk $0xffff, v6  }
0x314: {  	v45 =	vld [tilespmem:$0x1FFA0];
	_ =	sdelay $0x5  }
0x315: {  	v6 =	vld [tilespmem:$0x1FF30]  }
0x316: {  	v2 =	vmul.f32 $6.324555270e-01, v8;
	v5 =	vmul.f32 $1.825741830e-01, v54;
	v8 =	vld [tilespmem:$0x1FF50]  }
0x317: {  	v41 =	vld [tilespmem:$0x1FF10];
	[tilespmem:v45+s11+$0x0] =	vst.idx.msk $0xffff, v0  }
0x318: {  	v0 =	vadd.f32 v5, v2;
	v5 =	vld [tilespmem:$0x1FFB0];
	_ =	sdelay $0x7  }
0x319: {  	v2 =	vld [tilespmem:$0x1FF20];
	[tilespmem:v5+s11+$0x0] =	vst.idx.msk $0xffff, v3  }
0x31a: {  	v4 =	vmul.f32 $4.082483050e-01, v54;
	v54 =	vld [tilespmem:$0x1FFC0];
	_ =	sdelay $0x5  }
0x31b: {  	v7 =	vsub.f32 v7, v36;
	_ =	sdelay $0x1  }
0x31c: {  	[tilespmem:v54+s11+$0x0] =	vst.idx.msk $0xffff, v7  }
0x31d: {  	v14 =	vld [tilespmem:$0x1FFD0];
	_ =	sdelay $0x1  }
0x31e: {  	v4 =	vsub.f32 v4, v31;
	_ =	sdelay $0x1  }
0x31f: {  	v4 =	vadd.f32 v24, v4;
	_ =	sdelay $0x1  }
0x320: {  	v4 =	vsub.f32 v4, v41;
	_ =	sdelay $0x1  }
0x321: {  	[tilespmem:v14+s11+$0x0] =	vst.idx.msk $0xffff, v4  }
0x322: {  	v46 =	vmul.f32 $7.302967310e-01, v46;
	v5 =	vmul.f32 $1.825741830e-01, v23;
	v57 =	vld [tilespmem:$0x1FFE0];
	_ =	sdelay $0x1  }
0x323: {  	v1 =	vsub.f32 v22, v1;
	v4 =	vsub.f32 v46, v5;
	v5 =	vld [tilespmem:$0x1FF40];
	_ =	sdelay $0x1  }
0x324: {  	v1 =	vsub.f32 v1, v2;
	v2 =	vmul.f32 $7.302967310e-01, v29  }
0x325: {  	v3 =	vadd.f32 v19, v16  }
0x326: {  	v0 =	vadd.f32 v2, v0;
	v2 =	vmul.f32 $4.472135900e-01, v60;
	v7 =	vmul.f32 $7.745966910e-01, v40  }
0x327: {  	v6 =	vadd.f32 v8, v6;
	v3 =	vadd.f32 v5, v3;
	v5 =	vmul.f32 $6.324555270e-01, v44  }
0x328: {  	[tilespmem:v57+s11+$0x0] =	vst.idx.msk $0xffff, v1;
	v1 =	vsub.f32 v7, v2;
	v2 =	vmul.f32 $5.773502590e-01, v60;
	v7 =	vmul.f32 $5.773502590e-01, v43  }
0x329: {  	v0 =	vsub.f32 v0, v61;
	v4 =	vadd.f32 v5, v4;
	v5 =	vmul.f32 $1.825741830e-01, v10;
	[tilespmem:v59+s11+$0x0] =	vst.idx.msk $0xffff, v6  }
0x32a: {  	[tilespmem:v58+s11+$0x0] =	vst.idx.msk $0xffff, v3;
	v1 =	vsub.f32 v1, v56;
	v2 =	vsub.f32 v7, v2;
	v3 =	vmul.f32 $5.773502590e-01, v50  }
0x32b: {  	[tilespmem:v55+s11+$0x0] =	vst.idx.msk $0xffff, v0;
	v0 =	vsub.f32 v4, v5;
	v4 =	vmul.f32 $7.071067690e-01, v23;
	v5 =	vmul.f32 $7.071067690e-01, v10  }
0x32c: {  	[tilespmem:v53+s11+$0x0] =	vst.idx.msk $0xffff, v1;
	v1 =	vadd.f32 v3, v2  }
0x32d: {  	[tilespmem:v39+s11+$0x0] =	vst.idx.msk $0xffff, v0;
	v0 =	vsub.f32 v5, v4  }
0x32e: {  	[tilespmem:v38+s11+$0x0] =	vst.idx.msk $0xffff, v1;
	v1 =	vmul.f32 v9, v49  }
0x32f: {  	[tilespmem:v42+s11+$0x0] =	vst.idx.msk $0xffff, v0  }
0x330: {  	v0 =	vld [tilespmem:$0x1FD30];
	[tilespmem:v17+s11+$0x0] =	vst.idx.msk $0xffff, v1  }
0x331: {  	v1 =	vld [tilespmem:$0x1FD40]  }
0x332: {  	v2 =	vadd.s32 $0x16, v13  }
0x333: {  	v3 =	vadd.s32 $0x17, v13  }
0x334: {  	v4 =	vadd.s32 $0x18, v13  }
0x335: {  	v5 =	vadd.s32 $0x19, v13;
	v0 =	vmul.f32 v0, v49  }
0x336: {  	v6 =	vadd.s32 $0x24, v13;
	v1 =	vmul.f32 v1, v49  }
0x337: {  	[tilespmem:v2+s11+$0x0] =	vst.idx.msk $0xffff, v0;
	v0 =	vmul.f32 v52, v49;
	v2 =	vadd.s32 $0x25, v13  }
0x338: {  	[tilespmem:v3+s11+$0x0] =	vst.idx.msk $0xffff, v1;
	v1 =	vmul.f32 v51, v49;
	v3 =	vadd.s32 $0x26, v13  }
0x339: {  	[tilespmem:v4+s11+$0x0] =	vst.idx.msk $0xffff, v0;
	v0 =	vmul.f32 v63, v11  }
0x33a: {  	[tilespmem:v5+s11+$0x0] =	vst.idx.msk $0xffff, v1;
	v1 =	vmul.f32 v63, v48  }
0x33b: {  	[tilespmem:v6+s11+$0x0] =	vst.idx.msk $0xffff, v0;
	v0 =	vmul.f32 v63, v12  }
0x33c: {  	[tilespmem:v2+s11+$0x0] =	vst.idx.msk $0xffff, v1  }
0x33d: {  	[tilespmem:v3+s11+$0x0] =	vst.idx.msk $0xffff, v0  }
0x33e: {  	v0 =	vld [tilespmem:$0x1FE70]  }
0x33f: {  	v4 =	vadd.s32 $0x27, v13  }
0x340: {  	v5 =	vadd.s32 $0x28, v13;
	_ =	sdelay $0x1  }
0x341: {  	v1 =	vmul.f32 v63, v62  }
0x342: {  	v0 =	vmul.f32 v63, v0  }
0x343: {  	[tilespmem:v4+s11+$0x0] =	vst.idx.msk $0xffff, v1  }
0x344: {  	s18 =	simm.s32 $0x0;
	[tilespmem:v5+s11+$0x0] =	vst.idx.msk $0xffff, v0  }
0x345: {  	v0 =	vld [tilespmem:s18+$0x11200];
	_ =	sdelay $0x3  }
0x346: {  	s16 =	simm.s32 $0x16341;
	s19 =	simm.s32 $0x51  }
0x347: {  	[tilespmem:s16+$0xFFFFFFBF] =	vst v0;
	v0 =	vld [tilespmem:s19+$0x11200]  }
0x348: {  	v1 =	vld [tilespmem:s18+$0x11210];
	_ =	sdelay $0x2  }
0x349: {  	s17 =	simm.s32 $0x163C1;
	s21 =	simm.s32 $0xA2  }
0x34a: {  	[tilespmem:s17+$0xFFFFFFBF] =	vst v0;
	v0 =	vld [tilespmem:s21+$0x11200]  }
0x34b: {  	[tilespmem:s16+$0xFFFFFFCF] =	vst v1;
	v1 =	vld [tilespmem:s19+$0x11210]  }
0x34c: {  	v2 =	vld [tilespmem:s18+$0x11220];
	_ =	sdelay $0x1  }
0x34d: {  	s20 =	simm.s32 $0x16441;
	s22 =	simm.s32 $0xF3  }
0x34e: {  	[tilespmem:s20+$0xFFFFFFBF] =	vst v0;
	v0 =	vld [tilespmem:s22+$0x11200]  }
0x34f: {  	[tilespmem:s17+$0xFFFFFFCF] =	vst v1;
	v1 =	vld [tilespmem:s21+$0x11210]  }
0x350: {  	[tilespmem:s16+$0xFFFFFFDF] =	vst v2;
	v2 =	vld [tilespmem:s19+$0x11220]  }
0x351: {  	v3 =	vld [tilespmem:s18+$0x11230]  }
0x352: {  	s23 =	simm.s32 $0x164C1;
	s25 =	simm.s32 $0x144  }
0x353: {  	[tilespmem:s23+$0xFFFFFFBF] =	vst v0;
	v0 =	vld [tilespmem:s25+$0x11200]  }
0x354: {  	[tilespmem:s20+$0xFFFFFFCF] =	vst v1;
	v1 =	vld [tilespmem:s22+$0x11210]  }
0x355: {  	[tilespmem:s17+$0xFFFFFFDF] =	vst v2;
	v2 =	vld [tilespmem:s21+$0x11220]  }
0x356: {  	[tilespmem:s16+$0xFFFFFFEF] =	vst v3;
	v5 =	vld [tilespmem:s19+$0x11230]  }
0x357: {  	s24 =	simm.s32 $0x16541;
	s26 =	simm.s32 $0x195;
	v6 =	vld [tilespmem:s18+$0x11240]  }
0x358: {  	v4 =	vld [tilespmem:s26+$0x11200];
	[tilespmem:s24+$0xFFFFFFBF] =	vst v0  }
0x359: {  	[tilespmem:s23+$0xFFFFFFCF] =	vst v1;
	v3 =	vld [tilespmem:s25+$0x11210]  }
0x35a: {  	[tilespmem:s20+$0xFFFFFFDF] =	vst v2;
	v2 =	vld [tilespmem:s22+$0x11220]  }
0x35b: {  	[tilespmem:s17+$0xFFFFFFEF] =	vst v5;
	v1 =	vld [tilespmem:s21+$0x11230]  }
0x35c: {  	s29 =	simm.s32 $0x798;
	s28 =	simm.s32 $0x165C1;
	[tilespmem:s16+$0xFFFFFFFF] =	vst v6;
	v0 =	vld [tilespmem:s19+$0x11240]  }
.LBB2_7:
0x35d: {  	s30 =	sshra.s32 s29, $0x2  }
0x35e: {  	[tilespmem:s28+$0xFFFFFFBF] =	vst v4;
	v5 =	vld [tilespmem:s18+$0x11241];
	s18 =	smov.u32 s19;
	s19 =	smov.u32 s21;
	p0 =	sne.s32 s29, $0x142BC  }
.Ltmp2:
0x35f: {  	s21 =	smov.u32 s22;
	s22 =	smov.u32 s25;
	v4 =	vld [tilespmem:s30+$0x11200];
	[tilespmem:s24+$0xFFFFFFCF] =	vst v3;
	(pc) =	sbr.rel @p0 .LBB2_7-.Ltmp2, $4  }
0x360: {  	s25 =	smov.u32 s26;
	v3 =	vld [tilespmem:s26+$0x11210];
	[tilespmem:s23+$0xFFFFFFDF] =	vst v2;
	s26 =	smov.u32 s30;
	s30 =	smov.u32 s16  }
0x361: {  	s16 =	smov.u32 s17;
	s17 =	smov.u32 s20;
	v2 =	vld [tilespmem:s22+$0x11220];
	[tilespmem:s20+$0xFFFFFFEF] =	vst v1;
	s20 =	smov.u32 s23  }
0x362: {  	s23 =	smov.u32 s24;
	s24 =	smov.u32 s28;
	v1 =	vld [tilespmem:s21+$0x11230];
	[tilespmem:s16+$0xFFFFFFFF] =	vst v0  }
0x363: {  	s29 =	sadd.s32 $0x144, s29;
	s28 =	sadd.s32 $0x80, s28;
	v0 =	vld [tilespmem:s19+$0x11240];
	[tilespmem:s30+$0x0] =	vst v5  }
0x364: {  	[tilespmem:s28+$0xFFFFFFBF] =	vst v4  }
0x365: {  	v4 =	vld [tilespmem:s26+$0x11210];
	_ =	sdelay $0x3  }
0x366: {  	[tilespmem:s24+$0xFFFFFFCF] =	vst v3  }
0x367: {  	v3 =	vld [tilespmem:s25+$0x11220];
	[tilespmem:s28+$0xFFFFFFCF] =	vst v4  }
0x368: {  	v4 =	vld [tilespmem:s26+$0x11220];
	_ =	sdelay $0x2  }
0x369: {  	[tilespmem:s23+$0xFFFFFFDF] =	vst v2  }
0x36a: {  	v2 =	vld [tilespmem:s22+$0x11230];
	[tilespmem:s24+$0xFFFFFFDF] =	vst v3  }
0x36b: {  	v3 =	vld [tilespmem:s25+$0x11230];
	[tilespmem:s28+$0xFFFFFFDF] =	vst v4  }
0x36c: {  	v4 =	vld [tilespmem:s26+$0x11230];
	_ =	sdelay $0x1  }
0x36d: {  	[tilespmem:s20+$0xFFFFFFEF] =	vst v1  }
0x36e: {  	v1 =	vld [tilespmem:s21+$0x11240];
	[tilespmem:s23+$0xFFFFFFEF] =	vst v2  }
0x36f: {  	v2 =	vld [tilespmem:s22+$0x11240];
	[tilespmem:s24+$0xFFFFFFEF] =	vst v3  }
0x370: {  	v3 =	vld [tilespmem:s25+$0x11240];
	[tilespmem:s28+$0xFFFFFFEF] =	vst v4  }
0x371: {  	v4 =	vld [tilespmem:s26+$0x11240]  }
0x372: {  	v58 =	vld [tilespmem:s18+$0x11241];
	[tilespmem:s17+$0xFFFFFFFF] =	vst v0  }
0x373: {  	v59 =	vld [tilespmem:s19+$0x11241];
	[tilespmem:s20+$0xFFFFFFFF] =	vst v1  }
0x374: {  	v60 =	vld [tilespmem:s21+$0x11241];
	[tilespmem:s23+$0xFFFFFFFF] =	vst v2  }
0x375: {  	v61 =	vld [tilespmem:s22+$0x11241];
	[tilespmem:s24+$0xFFFFFFFF] =	vst v3  }
0x376: {  	v62 =	vld [tilespmem:s25+$0x11241];
	[tilespmem:s28+$0xFFFFFFFF] =	vst v4  }
0x377: {  	[tilespmem:s16+$0x0] =	vst v58;
	v63 =	vld [tilespmem:s26+$0x11241]  }
0x378: {  	[tilespmem:s17+$0x0] =	vst v59  }
0x379: {  	[tilespmem:s20+$0x0] =	vst v60  }
0x37a: {  	s14 =	sadd.s32 $0x1, s14;
	[tilespmem:s23+$0x0] =	vst v61  }
0x37b: {  	p0 =	sne.s32 s14, $0x8;
	[tilespmem:s24+$0x0] =	vst v62  }
.Ltmp3:
0x37c: {  	s15 =	sadd.s32 s5, s15;
	[tilespmem:s28+$0x0] =	vst v63;
	(pc) =	sbr.rel @p0 .LBB2_2-.Ltmp3, $4  }
0x37d: {  	[hbm4b:s15+s1] =	stream.linear.scatter [tilespmem:s12], [sflag:$0x1], $0x8000, $0x38;
	[tilespmem:$0x1E300] =	vst v63  }
0x37e: {  	_ =	swait.ge [sflag:s8], $0x8000  }
0x37f: {  	[sflag:s8] =	ssyncset.done $0x0  }
0x380: {  	[sflag:s8] =	ssyncadd.s32 $0xFFFF8000  }
0x381: {  	s13 =	sadd.s32 $0x1, s13  }
0x382: {  	p0 =	sne.s32 s13, s7  }
.Ltmp4:
0x383: {  	_ = 	snop;
	(pc) =	sbr.rel @p0 .LBB2_1-.Ltmp4, $1  }
0x384: {  	_ =	sdelay $0x3  }
0x385: {  	_ =	sfence.sel $0x180000  }
0x386: {  	[bflag:$0x0] =	sbarrier.arrive $0xFFFF  }
0x387: {  	p0 =	sne.s32 s2, $0x0;
	_ =	strace $0x90000047  }
0x388: {  	s0 =	sadd.s32 @!p0 $0x100000, s0;
	[bflag:$0x2] =	sbarrier.arrive $0xFFFF  }
0x389: {  	[sflag:s0] =	ssyncadd.tile.s32 @!p0 $0x1;
	_ =	shalt  }
.Lfunc_end2:
_tile_overlayer_lowered:
.L_overlay_start_2:
0x38a: {  	(tag) =	ssettag $0x2  }
0x38b: {  	s0 =	rddreg [dreg:$0x0];
	s2 =	stileid.u32  }
0x38c: {  	s1 =	rddreg [dreg:$0x1];
	p0 =	sne.s32 s2, $0x0  }
0x38d: {  	s3 =	rddreg [dreg:$0x2];
	[bflag:$0x3] =	sbarrier.arrive $0xFFFF;
	s2 =	simm.s32 @!p0 $0x1C01  }
0x38e: {  	[timem:s3], [sflag:s2] =	dma.local @!p0 [hbm:s0], s1  }
0x38f: {  	s0 =	simm.s32 @!p0 $0x1  }
0x390: {  	_ =	swait.ge @!p0 [sflag:s0], s1  }
0x391: {  	s1 =	ssub.s32 @!p0 $0x0, s1;
	[sflag:s0] =	ssyncset.done @!p0 $0x0  }
0x392: {  	[sflag:s0] =	ssyncadd.s32 @!p0 s1  }
0x393: {  	[bflag:$0x3] =	sbarrier.arrive $0xFFFF  }
0x394: {  	_ =	shalt  }

</sc_bundles>
